<compile_context>
chip_gen: v7x
topology: tpu7x:2x2x1
jax: 0.10.2.dev20260603
libtpu: 0.0.44.dev20260713+nightly
codegen_flags: <defaults>
</compile_context>

<pallas_src>
import functools

import jax
import jax.numpy as jnp
from jax import lax
from jax.experimental import pallas as pl
from jax.experimental.pallas import tpu as pltpu
from jax.experimental.pallas import tpu_sc as plsc

N = 10000
E = 320000
D_IN = 128
D_HID = 128
D_OUT = 64

NC = 2
NS = 16
NW = NC * NS
CH = 128
NCH = 80
EPW = NCH * CH
EP = NW * EPW
RPT = 640
NPAD = NS * RPT
NBUF = 2
IKB = 8
PD = 3
DCH = 128
DNCH = EPW // DCH

_mesh = plsc.VectorSubcoreMesh(core_axis_name="c", subcore_axis_name="s")


@functools.partial(
    pl.kernel,
    out_type=jax.ShapeDtypeStruct((NC, NPAD, 16), jnp.float32),
    mesh=_mesh,
    scratch_types=[
        pltpu.VMEM((DNCH, DCH), jnp.int32),
        pltpu.VMEM((DCH, 16), jnp.float32),
        pltpu.VMEM((DCH, 16), jnp.float32),
        pltpu.VMEM_SHARED((NPAD, 16), jnp.float32),
    ],
)
def _sc_deg(dst_hbm, out_hbm, dst_v, ones_v, zero_v, acc_sh):
    c = lax.axis_index("c")
    s = lax.axis_index("s")
    wid = c * NS + s
    row0 = s * RPT

    def fill(i, carry):
        ones_v[i, :] = jnp.ones((16,), jnp.float32)
        zero_v[i, :] = jnp.zeros((16,), jnp.float32)
        return carry

    lax.fori_loop(0, DCH, fill, 0)

    def zero_acc(k, carry):
        pltpu.sync_copy(zero_v, acc_sh.at[pl.ds(row0 + k * DCH, DCH)])
        return carry

    lax.fori_loop(0, RPT // DCH, zero_acc, 0)
    pltpu.sync_copy(dst_hbm.at[wid], dst_v)
    plsc.subcore_barrier()

    def step(j, carry):
        pltpu.sync_copy(ones_v, acc_sh.at[dst_v.at[j]], add=True)
        return carry

    lax.fori_loop(0, DNCH, step, 0)
    plsc.subcore_barrier()
    pltpu.sync_copy(acc_sh.at[pl.ds(row0, RPT)], out_hbm.at[c, pl.ds(row0, RPT)])


@functools.partial(
    pl.kernel,
    out_type=jax.ShapeDtypeStruct((NC, NPAD, D_HID), jnp.float32),
    mesh=_mesh,
    scratch_types=[
        pltpu.VMEM((IKB, CH), jnp.int32),
        pltpu.VMEM((IKB, CH), jnp.int32),
        pltpu.VMEM((NBUF, CH, D_HID), jnp.float32),
        pltpu.VMEM_SHARED((NPAD, D_HID), jnp.float32),
        pltpu.SemaphoreType.DMA,
        pltpu.SemaphoreType.DMA,
        pltpu.SemaphoreType.DMA,
        pltpu.SemaphoreType.DMA,
        pltpu.SemaphoreType.DMA,
        pltpu.SemaphoreType.DMA,
    ],
)
def _sc_agg(zs_hbm, src_hbm, dst_hbm, out_hbm,
            src_rg, dst_rg, rows,
            acc_sh, sg0, sg1, ss0, ss1,
            sem_is, sem_id):
    sem_g = [sg0, sg1]
    sem_s = [ss0, ss1]
    c = lax.axis_index("c")
    s = lax.axis_index("s")
    wid = c * NS + s
    row0 = s * RPT

    def zero_rows(i, carry):
        for j in range(D_HID // 16):
            rows[0, i, pl.ds(j * 16, 16)] = jnp.zeros((16,), jnp.float32)
        return carry

    lax.fori_loop(0, CH, zero_rows, 0)

    def zero_acc(k, carry):
        pltpu.sync_copy(rows.at[0], acc_sh.at[pl.ds(row0 + k * CH, CH)])
        return carry

    lax.fori_loop(0, RPT // CH, zero_acc, 0)
    plsc.subcore_barrier()

    def idx_start(jc):
        jc = jnp.minimum(jc, NCH - 1)
        slot = lax.rem(jc, IKB)
        pltpu.make_async_copy(src_hbm.at[wid, jc], src_rg.at[slot],
                              sem_is).start()
        pltpu.make_async_copy(dst_hbm.at[wid, jc], dst_rg.at[slot],
                              sem_id).start()

    def idx_wait():
        pltpu.make_async_copy(src_hbm.at[wid, 0], src_rg.at[0], sem_is).wait()
        pltpu.make_async_copy(dst_hbm.at[wid, 0], dst_rg.at[0], sem_id).wait()

    def gather(j, b):
        slot = lax.rem(j, IKB)
        return pltpu.make_async_copy(zs_hbm.at[src_rg.at[slot]], rows.at[b],
                                     sem_g[b])

    def scatter_wait(j, b):
        slot = lax.rem(j, IKB)
        pltpu.async_copy(rows.at[b], acc_sh.at[dst_rg.at[slot]],
                         sem_s[b], add=True).wait()

    for q in range(PD + NBUF):
        idx_start(q)
    for q in range(NBUF):
        idx_wait()
    for b in range(NBUF):
        gather(b, b).start()

    def group(t, carry):
        for b in range(NBUF):
            j = t * NBUF + b
            idx_start(j + PD + NBUF)
            idx_wait()
            gather(j, b).wait()
            scatter_wait(j, b)
            gather(j + NBUF, b).start()
        return carry

    lax.fori_loop(0, NCH // NBUF - 1, group, 0)
    for b in range(NBUF):
        j = NCH - NBUF + b
        gather(j, b).wait()
        scatter_wait(j, b)
    for q in range(PD):
        idx_wait()
    plsc.subcore_barrier()
    pltpu.sync_copy(acc_sh.at[pl.ds(row0, RPT)], out_hbm.at[c, pl.ds(row0, RPT)])


def _tc_mm_body(x_ref, w_ref, o_ref):
    o_ref[...] = jnp.dot(x_ref[...], w_ref[...], preferred_element_type=jnp.float32)


_tc_mm = pl.pallas_call(
    _tc_mm_body,
    out_shape=jax.ShapeDtypeStruct((N, D_HID), jnp.float32),
)


def _tc_prep_body(degp_ref, xw_ref, m_ref, zs_ref, dis_ref):
    deg = degp_ref[0, :N, 0:1] + degp_ref[1, :N, 0:1] + m_ref[...]
    dis = lax.rsqrt(deg)
    dis_ref[...] = dis
    zs_ref[...] = xw_ref[...] * dis


_tc_prep = pl.pallas_call(
    _tc_prep_body,
    out_shape=(
        jax.ShapeDtypeStruct((N, D_HID), jnp.float32),
        jax.ShapeDtypeStruct((N, 1), jnp.float32),
    ),
)


def _tc_mid_body(sp_ref, zs1_ref, dis_ref, m_ref, b1_ref, zs2_ref):
    dis = dis_ref[...]
    agg = (sp_ref[0, :N, :] + sp_ref[1, :N, :] + m_ref[...] * zs1_ref[...]) * dis
    h = jnp.maximum(agg + b1_ref[...], 0.0)
    zs2_ref[...] = h * dis


_tc_mid = pl.pallas_call(
    _tc_mid_body,
    out_shape=jax.ShapeDtypeStruct((N, D_HID), jnp.float32),
)


def _tc_out_body(sp_ref, zs2_ref, dis_ref, m_ref, wmu_ref, bmu_ref, wls_ref,
                 bls_ref, mu_ref, ls_ref):
    agg = (sp_ref[0, :N, :] + sp_ref[1, :N, :]
           + m_ref[...] * zs2_ref[...]) * dis_ref[...]
    mu_ref[...] = jnp.dot(agg, wmu_ref[...],
                          preferred_element_type=jnp.float32) + bmu_ref[...]
    ls_ref[...] = jnp.dot(agg, wls_ref[...],
                          preferred_element_type=jnp.float32) + bls_ref[...]


_tc_out = pl.pallas_call(
    _tc_out_body,
    out_shape=(
        jax.ShapeDtypeStruct((N, D_OUT), jnp.float32),
        jax.ShapeDtypeStruct((N, D_OUT), jnp.float32),
    ),
)


def kernel(x, edge_index, W1, b1, W_mu, b_mu, W_ls, b_ls):
    pad_src = jnp.arange(EP - E, dtype=jnp.int32)
    pad_dst = jnp.arange(EP - E, dtype=jnp.int32)
    src = (jnp.concatenate([edge_index[0], pad_src])
           .reshape(EPW, NW).T.reshape(NW, NCH, CH))
    dst = (jnp.concatenate([edge_index[1], pad_dst])
           .reshape(EPW, NW).T.reshape(NW, NCH, CH))
    m = (jnp.arange(N, dtype=jnp.int32) >= EP - E).astype(jnp.float32)
    m = m.reshape(N, 1)
    degp = _sc_deg(dst.reshape(NW, DNCH, DCH))
    xw = _tc_mm(x, W1)
    zs1, dis = _tc_prep(degp, xw, m)
    s1 = _sc_agg(zs1, src, dst)
    zs2 = _tc_mid(s1, zs1, dis, m, b1.reshape(1, D_HID))
    s2 = _sc_agg(zs2, src, dst)
    mu, ls = _tc_out(s2, zs2, dis, m, W_mu, b_mu.reshape(1, D_OUT),
                     W_ls, b_ls.reshape(1, D_OUT))
    return (mu, ls)

# --- scband reference (transcript-rebuilt; emitter-appended) ---
"""Pipeline reference for scband-variational-gcnencoder-446676599435 (READ-ONLY COPY).

The authoritative reference and input builder live on the scoring server;
editing this copy changes nothing except your own understanding.
"""

import jax, jax.numpy as jnp
import numpy as np

N = 10000
E = 320000
D_IN = 128
D_HID = 128  # 2 * out_channels
D_OUT = 64


def gcn_conv(x, edge_index, W, b):
    # Faithful GCNConv: linear transform, add self-loops, symmetric normalization, scatter-add aggregate, bias.
    n = x.shape[0]
    src = edge_index[0]
    dst = edge_index[1]
    loop = jnp.arange(n, dtype=src.dtype)
    src = jnp.concatenate([src, loop])
    dst = jnp.concatenate([dst, loop])
    h = x @ W
    ones = jnp.ones(src.shape[0], dtype=h.dtype)
    deg = jnp.zeros((n,), dtype=h.dtype).at[dst].add(ones)
    deg_inv_sqrt = jnp.where(deg > 0, deg ** -0.5, 0.0)
    norm = deg_inv_sqrt[src] * deg_inv_sqrt[dst]
    msg = h[src] * norm[:, None]
    out = jnp.zeros((n, W.shape[1]), dtype=h.dtype).at[dst].add(msg)
    return out + b


def setup_inputs(seed: int = 0) -> dict:
    key = jax.random.key(seed)
    ks = jax.random.split(key, 8)
    x = jax.random.normal(ks[0], (N, D_IN), dtype=jnp.float32)
    edge_index = jax.random.randint(ks[1], (2, E), 0, N, dtype=jnp.int32)
    # learned parameters (glorot-ish init)
    W1 = jax.random.normal(ks[2], (D_IN, D_HID), dtype=jnp.float32) * (1.0 / np.sqrt(D_IN))
    b1 = jnp.zeros((D_HID,), dtype=jnp.float32)
    W_mu = jax.random.normal(ks[3], (D_HID, D_OUT), dtype=jnp.float32) * (1.0 / np.sqrt(D_HID))
    b_mu = jnp.zeros((D_OUT,), dtype=jnp.float32)
    W_ls = jax.random.normal(ks[4], (D_HID, D_OUT), dtype=jnp.float32) * (1.0 / np.sqrt(D_HID))
    b_ls = jnp.zeros((D_OUT,), dtype=jnp.float32)
    return {"x": x, "edge_index": edge_index, "W1": W1, "b1": b1, "W_mu": W_mu, "b_mu": b_mu, "W_ls": W_ls, "b_ls": b_ls}


def reference(x, edge_index, W1, b1, W_mu, b_mu, W_ls, b_ls):
    h = jax.nn.relu(gcn_conv(x, edge_index, W1, b1))
    mu = gcn_conv(h, edge_index, W_mu, b_mu)
    logstd = gcn_conv(h, edge_index, W_ls, b_ls)
    return (mu, logstd)

if __name__ == "__main__":
    import jax
    _d = setup_inputs()
    print(jax.jit(kernel)(*tuple(_d.values())))

</pallas_src>

<mosaic_0001>
#map = affine_map<(d0, d1) -> (0, 0)>
#map1 = affine_map<(d0, d1) -> (0, 0, 0)>
module attributes {stable_mosaic.version = 14 : i64} {
  func.func @_sc_agg(%arg0: i32, %arg1: i32, %arg2: memref<10000x128xf32, #tpu.memory_space<hbm>>, %arg3: memref<32x80x128xi32, #tpu.memory_space<hbm>>, %arg4: memref<32x80x128xi32, #tpu.memory_space<hbm>>, %arg5: memref<2x10240x128xf32, #tpu.memory_space<hbm>>, %arg6: memref<8x128xi32, #tpu.memory_space<vmem>>, %arg7: memref<8x128xi32, #tpu.memory_space<vmem>>, %arg8: memref<2x128x128xf32, #tpu.memory_space<vmem>>, %arg9: memref<10240x128xf32, #tpu.memory_space<vmem_shared>>, %arg10: memref<!tpu.dma_semaphore, #tpu.memory_space<semaphore_mem>>, %arg11: memref<!tpu.dma_semaphore, #tpu.memory_space<semaphore_mem>>, %arg12: memref<!tpu.dma_semaphore, #tpu.memory_space<semaphore_mem>>, %arg13: memref<!tpu.dma_semaphore, #tpu.memory_space<semaphore_mem>>, %arg14: memref<!tpu.dma_semaphore, #tpu.memory_space<semaphore_mem>>, %arg15: memref<!tpu.dma_semaphore, #tpu.memory_space<semaphore_mem>>) attributes {dimension_semantics = [#tpu.dimension_semantics<core_parallel>, #tpu.dimension_semantics<subcore_parallel>], iteration_bounds = array<i64: 2, 16>, scalar_prefetch = 0 : i64, scratch_operands = 10 : i64, tpu.core_type = #tpu.core_type<sc_vector_subcore>, window_params = [{transform_indices = #map}, {transform_indices = #map1}, {transform_indices = #map1}, {transform_indices = #map1}]} {
    %mul3A = arith.constant 16 : i32
    %mul3A_0 = arith.muli %arg0, %mul3A : i32
    %add3A = arith.addi %mul3A_0, %arg1 : i32
    %mul3A_1 = arith.constant 640 : i32
    %mul3A_2 = arith.muli %arg1, %mul3A_1 : i32
    %scan3A = arith.constant 0 : i32
    %scan3A_3 = arith.constant 0 : i32
    %scan3A_4 = arith.constant 128 : i32
    %scan3A_5 = arith.addi %scan3A_3, %scan3A_4 : i32
    %scan3A_6 = arith.constant 1 : i32
    scf.for %scan3A_408 = %scan3A_3 to %scan3A_5 step %scan3A_6  : i32 {
      %broadcast_in_dim3A = arith.constant 0.000000e+00 : f32
      %broadcast_in_dim3A_409 = vector.broadcast %broadcast_in_dim3A : f32 to vector<16xf32>
      %swap3A = arith.constant 0 : i32
      %swap3A_410 = arith.index_cast %swap3A : i32 to index
      %swap3A_411 = arith.index_cast %scan3A_408 : i32 to index
      %swap3A_412 = arith.constant 0 : index
      %swap3A_413 = tpu.vector_load %arg8[%swap3A_410, %swap3A_411, %swap3A_412] {strides = array<i32>} : memref<2x128x128xf32, #tpu.memory_space<vmem>>, vector<1x1x16xf32>,
      %swap3A_414 = vector.shape_cast %swap3A_413 : vector<1x1x16xf32> to vector<16xf32>
      %swap3A_415 = vector.shape_cast %broadcast_in_dim3A_409 : vector<16xf32> to vector<1x1x16xf32>
      tpu.vector_store %arg8[%swap3A_410, %swap3A_411, %swap3A_412], %swap3A_415 {strides = array<i32>} : memref<2x128x128xf32, #tpu.memory_space<vmem>>, vector<1x1x16xf32>,
      %broadcast_in_dim3A_416 = arith.constant 0.000000e+00 : f32
      %broadcast_in_dim3A_417 = vector.broadcast %broadcast_in_dim3A_416 : f32 to vector<16xf32>
      %swap3A_418 = arith.constant 0 : i32
      %swap3A_419 = arith.index_cast %swap3A_418 : i32 to index
      %swap3A_420 = arith.index_cast %scan3A_408 : i32 to index
      %swap3A_421 = arith.constant 16 : index
      %swap3A_422 = tpu.vector_load %arg8[%swap3A_419, %swap3A_420, %swap3A_421] {strides = array<i32>} : memref<2x128x128xf32, #tpu.memory_space<vmem>>, vector<1x1x16xf32>,
      %swap3A_423 = vector.shape_cast %swap3A_422 : vector<1x1x16xf32> to vector<16xf32>
      %swap3A_424 = vector.shape_cast %broadcast_in_dim3A_417 : vector<16xf32> to vector<1x1x16xf32>
      tpu.vector_store %arg8[%swap3A_419, %swap3A_420, %swap3A_421], %swap3A_424 {strides = array<i32>} : memref<2x128x128xf32, #tpu.memory_space<vmem>>, vector<1x1x16xf32>,
      %broadcast_in_dim3A_425 = arith.constant 0.000000e+00 : f32
      %broadcast_in_dim3A_426 = vector.broadcast %broadcast_in_dim3A_425 : f32 to vector<16xf32>
      %swap3A_427 = arith.constant 0 : i32
      %swap3A_428 = arith.index_cast %swap3A_427 : i32 to index
      %swap3A_429 = arith.index_cast %scan3A_408 : i32 to index
      %swap3A_430 = arith.constant 32 : index
      %swap3A_431 = tpu.vector_load %arg8[%swap3A_428, %swap3A_429, %swap3A_430] {strides = array<i32>} : memref<2x128x128xf32, #tpu.memory_space<vmem>>, vector<1x1x16xf32>,
      %swap3A_432 = vector.shape_cast %swap3A_431 : vector<1x1x16xf32> to vector<16xf32>
      %swap3A_433 = vector.shape_cast %broadcast_in_dim3A_426 : vector<16xf32> to vector<1x1x16xf32>
      tpu.vector_store %arg8[%swap3A_428, %swap3A_429, %swap3A_430], %swap3A_433 {strides = array<i32>} : memref<2x128x128xf32, #tpu.memory_space<vmem>>, vector<1x1x16xf32>,
      %broadcast_in_dim3A_434 = arith.constant 0.000000e+00 : f32
      %broadcast_in_dim3A_435 = vector.broadcast %broadcast_in_dim3A_434 : f32 to vector<16xf32>
      %swap3A_436 = arith.constant 0 : i32
      %swap3A_437 = arith.index_cast %swap3A_436 : i32 to index
      %swap3A_438 = arith.index_cast %scan3A_408 : i32 to index
      %swap3A_439 = arith.constant 48 : index
      %swap3A_440 = tpu.vector_load %arg8[%swap3A_437, %swap3A_438, %swap3A_439] {strides = array<i32>} : memref<2x128x128xf32, #tpu.memory_space<vmem>>, vector<1x1x16xf32>,
      %swap3A_441 = vector.shape_cast %swap3A_440 : vector<1x1x16xf32> to vector<16xf32>
      %swap3A_442 = vector.shape_cast %broadcast_in_dim3A_435 : vector<16xf32> to vector<1x1x16xf32>
      tpu.vector_store %arg8[%swap3A_437, %swap3A_438, %swap3A_439], %swap3A_442 {strides = array<i32>} : memref<2x128x128xf32, #tpu.memory_space<vmem>>, vector<1x1x16xf32>,
      %broadcast_in_dim3A_443 = arith.constant 0.000000e+00 : f32
      %broadcast_in_dim3A_444 = vector.broadcast %broadcast_in_dim3A_443 : f32 to vector<16xf32>
      %swap3A_445 = arith.constant 0 : i32
      %swap3A_446 = arith.index_cast %swap3A_445 : i32 to index
      %swap3A_447 = arith.index_cast %scan3A_408 : i32 to index
      %swap3A_448 = arith.constant 64 : index
      %swap3A_449 = tpu.vector_load %arg8[%swap3A_446, %swap3A_447, %swap3A_448] {strides = array<i32>} : memref<2x128x128xf32, #tpu.memory_space<vmem>>, vector<1x1x16xf32>,
      %swap3A_450 = vector.shape_cast %swap3A_449 : vector<1x1x16xf32> to vector<16xf32>
      %swap3A_451 = vector.shape_cast %broadcast_in_dim3A_444 : vector<16xf32> to vector<1x1x16xf32>
      tpu.vector_store %arg8[%swap3A_446, %swap3A_447, %swap3A_448], %swap3A_451 {strides = array<i32>} : memref<2x128x128xf32, #tpu.memory_space<vmem>>, vector<1x1x16xf32>,
      %broadcast_in_dim3A_452 = arith.constant 0.000000e+00 : f32
      %broadcast_in_dim3A_453 = vector.broadcast %broadcast_in_dim3A_452 : f32 to vector<16xf32>
      %swap3A_454 = arith.constant 0 : i32
      %swap3A_455 = arith.index_cast %swap3A_454 : i32 to index
      %swap3A_456 = arith.index_cast %scan3A_408 : i32 to index
      %swap3A_457 = arith.constant 80 : index
      %swap3A_458 = tpu.vector_load %arg8[%swap3A_455, %swap3A_456, %swap3A_457] {strides = array<i32>} : memref<2x128x128xf32, #tpu.memory_space<vmem>>, vector<1x1x16xf32>,
      %swap3A_459 = vector.shape_cast %swap3A_458 : vector<1x1x16xf32> to vector<16xf32>
      %swap3A_460 = vector.shape_cast %broadcast_in_dim3A_453 : vector<16xf32> to vector<1x1x16xf32>
      tpu.vector_store %arg8[%swap3A_455, %swap3A_456, %swap3A_457], %swap3A_460 {strides = array<i32>} : memref<2x128x128xf32, #tpu.memory_space<vmem>>, vector<1x1x16xf32>,
      %broadcast_in_dim3A_461 = arith.constant 0.000000e+00 : f32
      %broadcast_in_dim3A_462 = vector.broadcast %broadcast_in_dim3A_461 : f32 to vector<16xf32>
      %swap3A_463 = arith.constant 0 : i32
      %swap3A_464 = arith.index_cast %swap3A_463 : i32 to index
      %swap3A_465 = arith.index_cast %scan3A_408 : i32 to index
      %swap3A_466 = arith.constant 96 : index
      %swap3A_467 = tpu.vector_load %arg8[%swap3A_464, %swap3A_465, %swap3A_466] {strides = array<i32>} : memref<2x128x128xf32, #tpu.memory_space<vmem>>, vector<1x1x16xf32>,
      %swap3A_468 = vector.shape_cast %swap3A_467 : vector<1x1x16xf32> to vector<16xf32>
      %swap3A_469 = vector.shape_cast %broadcast_in_dim3A_462 : vector<16xf32> to vector<1x1x16xf32>
      tpu.vector_store %arg8[%swap3A_464, %swap3A_465, %swap3A_466], %swap3A_469 {strides = array<i32>} : memref<2x128x128xf32, #tpu.memory_space<vmem>>, vector<1x1x16xf32>,
      %broadcast_in_dim3A_470 = arith.constant 0.000000e+00 : f32
      %broadcast_in_dim3A_471 = vector.broadcast %broadcast_in_dim3A_470 : f32 to vector<16xf32>
      %swap3A_472 = arith.constant 0 : i32
      %swap3A_473 = arith.index_cast %swap3A_472 : i32 to index
      %swap3A_474 = arith.index_cast %scan3A_408 : i32 to index
      %swap3A_475 = arith.constant 112 : index
      %swap3A_476 = tpu.vector_load %arg8[%swap3A_473, %swap3A_474, %swap3A_475] {strides = array<i32>} : memref<2x128x128xf32, #tpu.memory_space<vmem>>, vector<1x1x16xf32>,
      %swap3A_477 = vector.shape_cast %swap3A_476 : vector<1x1x16xf32> to vector<16xf32>
      %swap3A_478 = vector.shape_cast %broadcast_in_dim3A_471 : vector<16xf32> to vector<1x1x16xf32>
      tpu.vector_store %arg8[%swap3A_473, %swap3A_474, %swap3A_475], %swap3A_478 {strides = array<i32>} : memref<2x128x128xf32, #tpu.memory_space<vmem>>, vector<1x1x16xf32>,
    }
    %scan3A_7 = arith.constant 128 : i32
    %scan3A_8 = arith.constant 0 : i32
    %scan3A_9 = arith.constant 0 : i32
    %scan3A_10 = arith.constant 5 : i32
    %scan3A_11 = arith.addi %scan3A_9, %scan3A_10 : i32
    %scan3A_12 = arith.constant 1 : i32
    scf.for %scan3A_408 = %scan3A_9 to %scan3A_11 step %scan3A_12  : i32 {
      %mul3A_409 = arith.constant 128 : i32
      %mul3A_410 = arith.muli %scan3A_408, %mul3A_409 : i32
      %add3A_411 = arith.addi %mul3A_2, %mul3A_410 : i32
      %run_scoped3A = arith.constant 0 : i32
      "tpu.region"() ({
        %run_scoped3A_412 = tpu.sem_alloc : memref<!tpu.dma_semaphore, #tpu.memory_space<semaphore_mem>>
        %dma_start3A_413 = arith.constant 0 : i32
        %dma_start3A_414 = arith.constant 0 : i32
        %dma_start3A_415 = tpu.memref_slice %arg8[%run_scoped3A, %dma_start3A_413, %dma_start3A_414] : memref<2x128x128xf32, #tpu.memory_space<vmem>> -> memref<1x128x128xf32, #tpu.memory_space<vmem>>
        %dma_start3A_416 = tpu.memref_squeeze %dma_start3A_415 : memref<1x128x128xf32, #tpu.memory_space<vmem>> -> memref<128x128xf32, #tpu.memory_space<vmem>>
        %dma_start3A_417 = arith.constant 0 : i32
        %dma_start3A_418 = tpu.memref_slice %arg9[%add3A_411, %dma_start3A_417] : memref<10240x128xf32, #tpu.memory_space<vmem_shared>> -> memref<128x128xf32, #tpu.memory_space<vmem_shared>>
        %dma_start3A_419 = arith.constant 0 : i32
        %dma_start3A_420 = tpu.memref_slice %arg9[%add3A_411, %dma_start3A_419] : memref<10240x128xf32, #tpu.memory_space<vmem_shared>> -> memref<128x128xf32, #tpu.memory_space<vmem_shared>>
        %dma_start3A_421 = arith.constant 0 : i32
        %dma_start3A_422 = arith.constant 0 : i32
        %dma_start3A_423 = tpu.memref_slice %arg8[%run_scoped3A, %dma_start3A_421, %dma_start3A_422] : memref<2x128x128xf32, #tpu.memory_space<vmem>> -> memref<1x128x128xf32, #tpu.memory_space<vmem>>
        %dma_start3A_424 = tpu.memref_squeeze %dma_start3A_423 : memref<1x128x128xf32, #tpu.memory_space<vmem>> -> memref<128x128xf32, #tpu.memory_space<vmem>>
        tpu.enqueue_dma source(%dma_start3A_424 : memref<128x128xf32, #tpu.memory_space<vmem>>) target(%dma_start3A_420 : memref<128x128xf32, #tpu.memory_space<vmem_shared>>) target_semaphore(%run_scoped3A_412 : memref<!tpu.dma_semaphore, #tpu.memory_space<semaphore_mem>>)
        %dma_wait3A_425 = arith.constant 0 : i32
        %dma_wait3A_426 = arith.constant 0 : i32
        %dma_wait3A_427 = tpu.memref_slice %arg8[%run_scoped3A, %dma_wait3A_425, %dma_wait3A_426] : memref<2x128x128xf32, #tpu.memory_space<vmem>> -> memref<1x128x128xf32, #tpu.memory_space<vmem>>
        %dma_wait3A_428 = tpu.memref_squeeze %dma_wait3A_427 : memref<1x128x128xf32, #tpu.memory_space<vmem>> -> memref<128x128xf32, #tpu.memory_space<vmem>>
        %dma_wait3A_429 = arith.constant 0 : i32
        %dma_wait3A_430 = tpu.memref_slice %arg9[%add3A_411, %dma_wait3A_429] : memref<10240x128xf32, #tpu.memory_space<vmem_shared>> -> memref<128x128xf32, #tpu.memory_space<vmem_shared>>
        %dma_wait3A_431 = arith.constant 0 : i32
        %dma_wait3A_432 = tpu.memref_slice %arg9[%add3A_411, %dma_wait3A_431] : memref<10240x128xf32, #tpu.memory_space<vmem_shared>> -> memref<128x128xf32, #tpu.memory_space<vmem_shared>>
        %dma_wait3A_433 = arith.constant 0 : i32
        %dma_wait3A_434 = arith.constant 0 : i32
        %dma_wait3A_435 = tpu.memref_slice %arg8[%run_scoped3A, %dma_wait3A_433, %dma_wait3A_434] : memref<2x128x128xf32, #tpu.memory_space<vmem>> -> memref<1x128x128xf32, #tpu.memory_space<vmem>>
        %dma_wait3A_436 = tpu.memref_squeeze %dma_wait3A_435 : memref<1x128x128xf32, #tpu.memory_space<vmem>> -> memref<128x128xf32, #tpu.memory_space<vmem>>
        tpu.wait_dma2 semaphore(%run_scoped3A_412 : memref<!tpu.dma_semaphore, #tpu.memory_space<semaphore_mem>>) src(%dma_wait3A_436 : memref<128x128xf32, #tpu.memory_space<vmem>>) dst(%dma_wait3A_432 : memref<128x128xf32, #tpu.memory_space<vmem_shared>>)
        tpu.yield
      }) : () -> ()
    }
    %scan3A_13 = arith.constant 5 : i32
    %barrier3A = arith.constant 0 : index
    tpu.barrier barrier_id(%barrier3A)
    %min3A = arith.constant 0 : i32
    %min3A_14 = arith.constant 79 : i32
    %min3A_15 = arith.minsi %min3A, %min3A_14 : i32
    %rem3A = arith.constant 8 : i32
    %rem3A_16 = arith.remsi %min3A_15, %rem3A : i32
    %dma_start3A = arith.constant 0 : i32
    %dma_start3A_17 = tpu.memref_slice %arg6[%rem3A_16, %dma_start3A] : memref<8x128xi32, #tpu.memory_space<vmem>> -> memref<1x128xi32, #tpu.memory_space<vmem>>
    %dma_start3A_18 = tpu.memref_squeeze %dma_start3A_17 : memref<1x128xi32, #tpu.memory_space<vmem>> -> memref<128xi32, #tpu.memory_space<vmem>>
    %dma_start3A_19 = arith.constant 0 : i32
    %dma_start3A_20 = tpu.memref_slice %arg3[%add3A, %min3A_15, %dma_start3A_19] : memref<32x80x128xi32, #tpu.memory_space<hbm>> -> memref<1x1x128xi32, #tpu.memory_space<hbm>>
    %dma_start3A_21 = tpu.memref_squeeze %dma_start3A_20 : memref<1x1x128xi32, #tpu.memory_space<hbm>> -> memref<128xi32, #tpu.memory_space<hbm>>
    %dma_start3A_22 = arith.constant 0 : i32
    %dma_start3A_23 = tpu.memref_slice %arg6[%rem3A_16, %dma_start3A_22] : memref<8x128xi32, #tpu.memory_space<vmem>> -> memref<1x128xi32, #tpu.memory_space<vmem>>
    %dma_start3A_24 = tpu.memref_squeeze %dma_start3A_23 : memref<1x128xi32, #tpu.memory_space<vmem>> -> memref<128xi32, #tpu.memory_space<vmem>>
    %dma_start3A_25 = arith.constant 0 : i32
    %dma_start3A_26 = tpu.memref_slice %arg3[%add3A, %min3A_15, %dma_start3A_25] : memref<32x80x128xi32, #tpu.memory_space<hbm>> -> memref<1x1x128xi32, #tpu.memory_space<hbm>>
    %dma_start3A_27 = tpu.memref_squeeze %dma_start3A_26 : memref<1x1x128xi32, #tpu.memory_space<hbm>> -> memref<128xi32, #tpu.memory_space<hbm>>
    tpu.enqueue_dma source(%dma_start3A_27 : memref<128xi32, #tpu.memory_space<hbm>>) target(%dma_start3A_24 : memref<128xi32, #tpu.memory_space<vmem>>) target_semaphore(%arg14 : memref<!tpu.dma_semaphore, #tpu.memory_space<semaphore_mem>>)
    %dma_start3A_28 = arith.constant 0 : i32
    %dma_start3A_29 = tpu.memref_slice %arg7[%rem3A_16, %dma_start3A_28] : memref<8x128xi32, #tpu.memory_space<vmem>> -> memref<1x128xi32, #tpu.memory_space<vmem>>
    %dma_start3A_30 = tpu.memref_squeeze %dma_start3A_29 : memref<1x128xi32, #tpu.memory_space<vmem>> -> memref<128xi32, #tpu.memory_space<vmem>>
    %dma_start3A_31 = arith.constant 0 : i32
    %dma_start3A_32 = tpu.memref_slice %arg4[%add3A, %min3A_15, %dma_start3A_31] : memref<32x80x128xi32, #tpu.memory_space<hbm>> -> memref<1x1x128xi32, #tpu.memory_space<hbm>>
    %dma_start3A_33 = tpu.memref_squeeze %dma_start3A_32 : memref<1x1x128xi32, #tpu.memory_space<hbm>> -> memref<128xi32, #tpu.memory_space<hbm>>
    %dma_start3A_34 = arith.constant 0 : i32
    %dma_start3A_35 = tpu.memref_slice %arg7[%rem3A_16, %dma_start3A_34] : memref<8x128xi32, #tpu.memory_space<vmem>> -> memref<1x128xi32, #tpu.memory_space<vmem>>
    %dma_start3A_36 = tpu.memref_squeeze %dma_start3A_35 : memref<1x128xi32, #tpu.memory_space<vmem>> -> memref<128xi32, #tpu.memory_space<vmem>>
    %dma_start3A_37 = arith.constant 0 : i32
    %dma_start3A_38 = tpu.memref_slice %arg4[%add3A, %min3A_15, %dma_start3A_37] : memref<32x80x128xi32, #tpu.memory_space<hbm>> -> memref<1x1x128xi32, #tpu.memory_space<hbm>>
    %dma_start3A_39 = tpu.memref_squeeze %dma_start3A_38 : memref<1x1x128xi32, #tpu.memory_space<hbm>> -> memref<128xi32, #tpu.memory_space<hbm>>
    tpu.enqueue_dma source(%dma_start3A_39 : memref<128xi32, #tpu.memory_space<hbm>>) target(%dma_start3A_36 : memref<128xi32, #tpu.memory_space<vmem>>) target_semaphore(%arg15 : memref<!tpu.dma_semaphore, #tpu.memory_space<semaphore_mem>>)
    %min3A_40 = arith.constant 1 : i32
    %min3A_41 = arith.constant 79 : i32
    %min3A_42 = arith.minsi %min3A_40, %min3A_41 : i32
    %rem3A_43 = arith.constant 8 : i32
    %rem3A_44 = arith.remsi %min3A_42, %rem3A_43 : i32
    %dma_start3A_45 = arith.constant 0 : i32
    %dma_start3A_46 = tpu.memref_slice %arg6[%rem3A_44, %dma_start3A_45] : memref<8x128xi32, #tpu.memory_space<vmem>> -> memref<1x128xi32, #tpu.memory_space<vmem>>
    %dma_start3A_47 = tpu.memref_squeeze %dma_start3A_46 : memref<1x128xi32, #tpu.memory_space<vmem>> -> memref<128xi32, #tpu.memory_space<vmem>>
    %dma_start3A_48 = arith.constant 0 : i32
    %dma_start3A_49 = tpu.memref_slice %arg3[%add3A, %min3A_42, %dma_start3A_48] : memref<32x80x128xi32, #tpu.memory_space<hbm>> -> memref<1x1x128xi32, #tpu.memory_space<hbm>>
    %dma_start3A_50 = tpu.memref_squeeze %dma_start3A_49 : memref<1x1x128xi32, #tpu.memory_space<hbm>> -> memref<128xi32, #tpu.memory_space<hbm>>
    %dma_start3A_51 = arith.constant 0 : i32
    %dma_start3A_52 = tpu.memref_slice %arg6[%rem3A_44, %dma_start3A_51] : memref<8x128xi32, #tpu.memory_space<vmem>> -> memref<1x128xi32, #tpu.memory_space<vmem>>
    %dma_start3A_53 = tpu.memref_squeeze %dma_start3A_52 : memref<1x128xi32, #tpu.memory_space<vmem>> -> memref<128xi32, #tpu.memory_space<vmem>>
    %dma_start3A_54 = arith.constant 0 : i32
    %dma_start3A_55 = tpu.memref_slice %arg3[%add3A, %min3A_42, %dma_start3A_54] : memref<32x80x128xi32, #tpu.memory_space<hbm>> -> memref<1x1x128xi32, #tpu.memory_space<hbm>>
    %dma_start3A_56 = tpu.memref_squeeze %dma_start3A_55 : memref<1x1x128xi32, #tpu.memory_space<hbm>> -> memref<128xi32, #tpu.memory_space<hbm>>
    tpu.enqueue_dma source(%dma_start3A_56 : memref<128xi32, #tpu.memory_space<hbm>>) target(%dma_start3A_53 : memref<128xi32, #tpu.memory_space<vmem>>) target_semaphore(%arg14 : memref<!tpu.dma_semaphore, #tpu.memory_space<semaphore_mem>>)
    %dma_start3A_57 = arith.constant 0 : i32
    %dma_start3A_58 = tpu.memref_slice %arg7[%rem3A_44, %dma_start3A_57] : memref<8x128xi32, #tpu.memory_space<vmem>> -> memref<1x128xi32, #tpu.memory_space<vmem>>
    %dma_start3A_59 = tpu.memref_squeeze %dma_start3A_58 : memref<1x128xi32, #tpu.memory_space<vmem>> -> memref<128xi32, #tpu.memory_space<vmem>>
    %dma_start3A_60 = arith.constant 0 : i32
    %dma_start3A_61 = tpu.memref_slice %arg4[%add3A, %min3A_42, %dma_start3A_60] : memref<32x80x128xi32, #tpu.memory_space<hbm>> -> memref<1x1x128xi32, #tpu.memory_space<hbm>>
    %dma_start3A_62 = tpu.memref_squeeze %dma_start3A_61 : memref<1x1x128xi32, #tpu.memory_space<hbm>> -> memref<128xi32, #tpu.memory_space<hbm>>
    %dma_start3A_63 = arith.constant 0 : i32
    %dma_start3A_64 = tpu.memref_slice %arg7[%rem3A_44, %dma_start3A_63] : memref<8x128xi32, #tpu.memory_space<vmem>> -> memref<1x128xi32, #tpu.memory_space<vmem>>
    %dma_start3A_65 = tpu.memref_squeeze %dma_start3A_64 : memref<1x128xi32, #tpu.memory_space<vmem>> -> memref<128xi32, #tpu.memory_space<vmem>>
    %dma_start3A_66 = arith.constant 0 : i32
    %dma_start3A_67 = tpu.memref_slice %arg4[%add3A, %min3A_42, %dma_start3A_66] : memref<32x80x128xi32, #tpu.memory_space<hbm>> -> memref<1x1x128xi32, #tpu.memory_space<hbm>>
    %dma_start3A_68 = tpu.memref_squeeze %dma_start3A_67 : memref<1x1x128xi32, #tpu.memory_space<hbm>> -> memref<128xi32, #tpu.memory_space<hbm>>
    tpu.enqueue_dma source(%dma_start3A_68 : memref<128xi32, #tpu.memory_space<hbm>>) target(%dma_start3A_65 : memref<128xi32, #tpu.memory_space<vmem>>) target_semaphore(%arg15 : memref<!tpu.dma_semaphore, #tpu.memory_space<semaphore_mem>>)
    %min3A_69 = arith.constant 2 : i32
    %min3A_70 = arith.constant 79 : i32
    %min3A_71 = arith.minsi %min3A_69, %min3A_70 : i32
    %rem3A_72 = arith.constant 8 : i32
    %rem3A_73 = arith.remsi %min3A_71, %rem3A_72 : i32
    %dma_start3A_74 = arith.constant 0 : i32
    %dma_start3A_75 = tpu.memref_slice %arg6[%rem3A_73, %dma_start3A_74] : memref<8x128xi32, #tpu.memory_space<vmem>> -> memref<1x128xi32, #tpu.memory_space<vmem>>
    %dma_start3A_76 = tpu.memref_squeeze %dma_start3A_75 : memref<1x128xi32, #tpu.memory_space<vmem>> -> memref<128xi32, #tpu.memory_space<vmem>>
    %dma_start3A_77 = arith.constant 0 : i32
    %dma_start3A_78 = tpu.memref_slice %arg3[%add3A, %min3A_71, %dma_start3A_77] : memref<32x80x128xi32, #tpu.memory_space<hbm>> -> memref<1x1x128xi32, #tpu.memory_space<hbm>>
    %dma_start3A_79 = tpu.memref_squeeze %dma_start3A_78 : memref<1x1x128xi32, #tpu.memory_space<hbm>> -> memref<128xi32, #tpu.memory_space<hbm>>
    %dma_start3A_80 = arith.constant 0 : i32
    %dma_start3A_81 = tpu.memref_slice %arg6[%rem3A_73, %dma_start3A_80] : memref<8x128xi32, #tpu.memory_space<vmem>> -> memref<1x128xi32, #tpu.memory_space<vmem>>
    %dma_start3A_82 = tpu.memref_squeeze %dma_start3A_81 : memref<1x128xi32, #tpu.memory_space<vmem>> -> memref<128xi32, #tpu.memory_space<vmem>>
    %dma_start3A_83 = arith.constant 0 : i32
    %dma_start3A_84 = tpu.memref_slice %arg3[%add3A, %min3A_71, %dma_start3A_83] : memref<32x80x128xi32, #tpu.memory_space<hbm>> -> memref<1x1x128xi32, #tpu.memory_space<hbm>>
    %dma_start3A_85 = tpu.memref_squeeze %dma_start3A_84 : memref<1x1x128xi32, #tpu.memory_space<hbm>> -> memref<128xi32, #tpu.memory_space<hbm>>
    tpu.enqueue_dma source(%dma_start3A_85 : memref<128xi32, #tpu.memory_space<hbm>>) target(%dma_start3A_82 : memref<128xi32, #tpu.memory_space<vmem>>) target_semaphore(%arg14 : memref<!tpu.dma_semaphore, #tpu.memory_space<semaphore_mem>>)
    %dma_start3A_86 = arith.constant 0 : i32
    %dma_start3A_87 = tpu.memref_slice %arg7[%rem3A_73, %dma_start3A_86] : memref<8x128xi32, #tpu.memory_space<vmem>> -> memref<1x128xi32, #tpu.memory_space<vmem>>
    %dma_start3A_88 = tpu.memref_squeeze %dma_start3A_87 : memref<1x128xi32, #tpu.memory_space<vmem>> -> memref<128xi32, #tpu.memory_space<vmem>>
    %dma_start3A_89 = arith.constant 0 : i32
    %dma_start3A_90 = tpu.memref_slice %arg4[%add3A, %min3A_71, %dma_start3A_89] : memref<32x80x128xi32, #tpu.memory_space<hbm>> -> memref<1x1x128xi32, #tpu.memory_space<hbm>>
    %dma_start3A_91 = tpu.memref_squeeze %dma_start3A_90 : memref<1x1x128xi32, #tpu.memory_space<hbm>> -> memref<128xi32, #tpu.memory_space<hbm>>
    %dma_start3A_92 = arith.constant 0 : i32
    %dma_start3A_93 = tpu.memref_slice %arg7[%rem3A_73, %dma_start3A_92] : memref<8x128xi32, #tpu.memory_space<vmem>> -> memref<1x128xi32, #tpu.memory_space<vmem>>
    %dma_start3A_94 = tpu.memref_squeeze %dma_start3A_93 : memref<1x128xi32, #tpu.memory_space<vmem>> -> memref<128xi32, #tpu.memory_space<vmem>>
    %dma_start3A_95 = arith.constant 0 : i32
    %dma_start3A_96 = tpu.memref_slice %arg4[%add3A, %min3A_71, %dma_start3A_95] : memref<32x80x128xi32, #tpu.memory_space<hbm>> -> memref<1x1x128xi32, #tpu.memory_space<hbm>>
    %dma_start3A_97 = tpu.memref_squeeze %dma_start3A_96 : memref<1x1x128xi32, #tpu.memory_space<hbm>> -> memref<128xi32, #tpu.memory_space<hbm>>
    tpu.enqueue_dma source(%dma_start3A_97 : memref<128xi32, #tpu.memory_space<hbm>>) target(%dma_start3A_94 : memref<128xi32, #tpu.memory_space<vmem>>) target_semaphore(%arg15 : memref<!tpu.dma_semaphore, #tpu.memory_space<semaphore_mem>>)
    %min3A_98 = arith.constant 3 : i32
    %min3A_99 = arith.constant 79 : i32
    %min3A_100 = arith.minsi %min3A_98, %min3A_99 : i32
    %rem3A_101 = arith.constant 8 : i32
    %rem3A_102 = arith.remsi %min3A_100, %rem3A_101 : i32
    %dma_start3A_103 = arith.constant 0 : i32
    %dma_start3A_104 = tpu.memref_slice %arg6[%rem3A_102, %dma_start3A_103] : memref<8x128xi32, #tpu.memory_space<vmem>> -> memref<1x128xi32, #tpu.memory_space<vmem>>
    %dma_start3A_105 = tpu.memref_squeeze %dma_start3A_104 : memref<1x128xi32, #tpu.memory_space<vmem>> -> memref<128xi32, #tpu.memory_space<vmem>>
    %dma_start3A_106 = arith.constant 0 : i32
    %dma_start3A_107 = tpu.memref_slice %arg3[%add3A, %min3A_100, %dma_start3A_106] : memref<32x80x128xi32, #tpu.memory_space<hbm>> -> memref<1x1x128xi32, #tpu.memory_space<hbm>>
    %dma_start3A_108 = tpu.memref_squeeze %dma_start3A_107 : memref<1x1x128xi32, #tpu.memory_space<hbm>> -> memref<128xi32, #tpu.memory_space<hbm>>
    %dma_start3A_109 = arith.constant 0 : i32
    %dma_start3A_110 = tpu.memref_slice %arg6[%rem3A_102, %dma_start3A_109] : memref<8x128xi32, #tpu.memory_space<vmem>> -> memref<1x128xi32, #tpu.memory_space<vmem>>
    %dma_start3A_111 = tpu.memref_squeeze %dma_start3A_110 : memref<1x128xi32, #tpu.memory_space<vmem>> -> memref<128xi32, #tpu.memory_space<vmem>>
    %dma_start3A_112 = arith.constant 0 : i32
    %dma_start3A_113 = tpu.memref_slice %arg3[%add3A, %min3A_100, %dma_start3A_112] : memref<32x80x128xi32, #tpu.memory_space<hbm>> -> memref<1x1x128xi32, #tpu.memory_space<hbm>>
    %dma_start3A_114 = tpu.memref_squeeze %dma_start3A_113 : memref<1x1x128xi32, #tpu.memory_space<hbm>> -> memref<128xi32, #tpu.memory_space<hbm>>
    tpu.enqueue_dma source(%dma_start3A_114 : memref<128xi32, #tpu.memory_space<hbm>>) target(%dma_start3A_111 : memref<128xi32, #tpu.memory_space<vmem>>) target_semaphore(%arg14 : memref<!tpu.dma_semaphore, #tpu.memory_space<semaphore_mem>>)
    %dma_start3A_115 = arith.constant 0 : i32
    %dma_start3A_116 = tpu.memref_slice %arg7[%rem3A_102, %dma_start3A_115] : memref<8x128xi32, #tpu.memory_space<vmem>> -> memref<1x128xi32, #tpu.memory_space<vmem>>
    %dma_start3A_117 = tpu.memref_squeeze %dma_start3A_116 : memref<1x128xi32, #tpu.memory_space<vmem>> -> memref<128xi32, #tpu.memory_space<vmem>>
    %dma_start3A_118 = arith.constant 0 : i32
    %dma_start3A_119 = tpu.memref_slice %arg4[%add3A, %min3A_100, %dma_start3A_118] : memref<32x80x128xi32, #tpu.memory_space<hbm>> -> memref<1x1x128xi32, #tpu.memory_space<hbm>>
    %dma_start3A_120 = tpu.memref_squeeze %dma_start3A_119 : memref<1x1x128xi32, #tpu.memory_space<hbm>> -> memref<128xi32, #tpu.memory_space<hbm>>
    %dma_start3A_121 = arith.constant 0 : i32
    %dma_start3A_122 = tpu.memref_slice %arg7[%rem3A_102, %dma_start3A_121] : memref<8x128xi32, #tpu.memory_space<vmem>> -> memref<1x128xi32, #tpu.memory_space<vmem>>
    %dma_start3A_123 = tpu.memref_squeeze %dma_start3A_122 : memref<1x128xi32, #tpu.memory_space<vmem>> -> memref<128xi32, #tpu.memory_space<vmem>>
    %dma_start3A_124 = arith.constant 0 : i32
    %dma_start3A_125 = tpu.memref_slice %arg4[%add3A, %min3A_100, %dma_start3A_124] : memref<32x80x128xi32, #tpu.memory_space<hbm>> -> memref<1x1x128xi32, #tpu.memory_space<hbm>>
    %dma_start3A_126 = tpu.memref_squeeze %dma_start3A_125 : memref<1x1x128xi32, #tpu.memory_space<hbm>> -> memref<128xi32, #tpu.memory_space<hbm>>
    tpu.enqueue_dma source(%dma_start3A_126 : memref<128xi32, #tpu.memory_space<hbm>>) target(%dma_start3A_123 : memref<128xi32, #tpu.memory_space<vmem>>) target_semaphore(%arg15 : memref<!tpu.dma_semaphore, #tpu.memory_space<semaphore_mem>>)
    %min3A_127 = arith.constant 4 : i32
    %min3A_128 = arith.constant 79 : i32
    %min3A_129 = arith.minsi %min3A_127, %min3A_128 : i32
    %rem3A_130 = arith.constant 8 : i32
    %rem3A_131 = arith.remsi %min3A_129, %rem3A_130 : i32
    %dma_start3A_132 = arith.constant 0 : i32
    %dma_start3A_133 = tpu.memref_slice %arg6[%rem3A_131, %dma_start3A_132] : memref<8x128xi32, #tpu.memory_space<vmem>> -> memref<1x128xi32, #tpu.memory_space<vmem>>
    %dma_start3A_134 = tpu.memref_squeeze %dma_start3A_133 : memref<1x128xi32, #tpu.memory_space<vmem>> -> memref<128xi32, #tpu.memory_space<vmem>>
    %dma_start3A_135 = arith.constant 0 : i32
    %dma_start3A_136 = tpu.memref_slice %arg3[%add3A, %min3A_129, %dma_start3A_135] : memref<32x80x128xi32, #tpu.memory_space<hbm>> -> memref<1x1x128xi32, #tpu.memory_space<hbm>>
    %dma_start3A_137 = tpu.memref_squeeze %dma_start3A_136 : memref<1x1x128xi32, #tpu.memory_space<hbm>> -> memref<128xi32, #tpu.memory_space<hbm>>
    %dma_start3A_138 = arith.constant 0 : i32
    %dma_start3A_139 = tpu.memref_slice %arg6[%rem3A_131, %dma_start3A_138] : memref<8x128xi32, #tpu.memory_space<vmem>> -> memref<1x128xi32, #tpu.memory_space<vmem>>
    %dma_start3A_140 = tpu.memref_squeeze %dma_start3A_139 : memref<1x128xi32, #tpu.memory_space<vmem>> -> memref<128xi32, #tpu.memory_space<vmem>>
    %dma_start3A_141 = arith.constant 0 : i32
    %dma_start3A_142 = tpu.memref_slice %arg3[%add3A, %min3A_129, %dma_start3A_141] : memref<32x80x128xi32, #tpu.memory_space<hbm>> -> memref<1x1x128xi32, #tpu.memory_space<hbm>>
    %dma_start3A_143 = tpu.memref_squeeze %dma_start3A_142 : memref<1x1x128xi32, #tpu.memory_space<hbm>> -> memref<128xi32, #tpu.memory_space<hbm>>
    tpu.enqueue_dma source(%dma_start3A_143 : memref<128xi32, #tpu.memory_space<hbm>>) target(%dma_start3A_140 : memref<128xi32, #tpu.memory_space<vmem>>) target_semaphore(%arg14 : memref<!tpu.dma_semaphore, #tpu.memory_space<semaphore_mem>>)
    %dma_start3A_144 = arith.constant 0 : i32
    %dma_start3A_145 = tpu.memref_slice %arg7[%rem3A_131, %dma_start3A_144] : memref<8x128xi32, #tpu.memory_space<vmem>> -> memref<1x128xi32, #tpu.memory_space<vmem>>
    %dma_start3A_146 = tpu.memref_squeeze %dma_start3A_145 : memref<1x128xi32, #tpu.memory_space<vmem>> -> memref<128xi32, #tpu.memory_space<vmem>>
    %dma_start3A_147 = arith.constant 0 : i32
    %dma_start3A_148 = tpu.memref_slice %arg4[%add3A, %min3A_129, %dma_start3A_147] : memref<32x80x128xi32, #tpu.memory_space<hbm>> -> memref<1x1x128xi32, #tpu.memory_space<hbm>>
    %dma_start3A_149 = tpu.memref_squeeze %dma_start3A_148 : memref<1x1x128xi32, #tpu.memory_space<hbm>> -> memref<128xi32, #tpu.memory_space<hbm>>
    %dma_start3A_150 = arith.constant 0 : i32
    %dma_start3A_151 = tpu.memref_slice %arg7[%rem3A_131, %dma_start3A_150] : memref<8x128xi32, #tpu.memory_space<vmem>> -> memref<1x128xi32, #tpu.memory_space<vmem>>
    %dma_start3A_152 = tpu.memref_squeeze %dma_start3A_151 : memref<1x128xi32, #tpu.memory_space<vmem>> -> memref<128xi32, #tpu.memory_space<vmem>>
    %dma_start3A_153 = arith.constant 0 : i32
    %dma_start3A_154 = tpu.memref_slice %arg4[%add3A, %min3A_129, %dma_start3A_153] : memref<32x80x128xi32, #tpu.memory_space<hbm>> -> memref<1x1x128xi32, #tpu.memory_space<hbm>>
    %dma_start3A_155 = tpu.memref_squeeze %dma_start3A_154 : memref<1x1x128xi32, #tpu.memory_space<hbm>> -> memref<128xi32, #tpu.memory_space<hbm>>
    tpu.enqueue_dma source(%dma_start3A_155 : memref<128xi32, #tpu.memory_space<hbm>>) target(%dma_start3A_152 : memref<128xi32, #tpu.memory_space<vmem>>) target_semaphore(%arg15 : memref<!tpu.dma_semaphore, #tpu.memory_space<semaphore_mem>>)
    %dma_wait3A = arith.constant 0 : i32
    %dma_wait3A_156 = arith.constant 0 : i32
    %dma_wait3A_157 = arith.constant 0 : i32
    %dma_wait3A_158 = tpu.memref_slice %arg6[%dma_wait3A_156, %dma_wait3A_157] : memref<8x128xi32, #tpu.memory_space<vmem>> -> memref<1x128xi32, #tpu.memory_space<vmem>>
    %dma_wait3A_159 = tpu.memref_squeeze %dma_wait3A_158 : memref<1x128xi32, #tpu.memory_space<vmem>> -> memref<128xi32, #tpu.memory_space<vmem>>
    %dma_wait3A_160 = arith.constant 0 : i32
    %dma_wait3A_161 = tpu.memref_slice %arg3[%add3A, %dma_wait3A, %dma_wait3A_160] : memref<32x80x128xi32, #tpu.memory_space<hbm>> -> memref<1x1x128xi32, #tpu.memory_space<hbm>>
    %dma_wait3A_162 = tpu.memref_squeeze %dma_wait3A_161 : memref<1x1x128xi32, #tpu.memory_space<hbm>> -> memref<128xi32, #tpu.memory_space<hbm>>
    %dma_wait3A_163 = arith.constant 0 : i32
    %dma_wait3A_164 = tpu.memref_slice %arg6[%dma_wait3A_156, %dma_wait3A_163] : memref<8x128xi32, #tpu.memory_space<vmem>> -> memref<1x128xi32, #tpu.memory_space<vmem>>
    %dma_wait3A_165 = tpu.memref_squeeze %dma_wait3A_164 : memref<1x128xi32, #tpu.memory_space<vmem>> -> memref<128xi32, #tpu.memory_space<vmem>>
    %dma_wait3A_166 = arith.constant 0 : i32
    %dma_wait3A_167 = tpu.memref_slice %arg3[%add3A, %dma_wait3A, %dma_wait3A_166] : memref<32x80x128xi32, #tpu.memory_space<hbm>> -> memref<1x1x128xi32, #tpu.memory_space<hbm>>
    %dma_wait3A_168 = tpu.memref_squeeze %dma_wait3A_167 : memref<1x1x128xi32, #tpu.memory_space<hbm>> -> memref<128xi32, #tpu.memory_space<hbm>>
    tpu.wait_dma2 semaphore(%arg14 : memref<!tpu.dma_semaphore, #tpu.memory_space<semaphore_mem>>) src(%dma_wait3A_168 : memref<128xi32, #tpu.memory_space<hbm>>) dst(%dma_wait3A_165 : memref<128xi32, #tpu.memory_space<vmem>>)
    %dma_wait3A_169 = arith.constant 0 : i32
    %dma_wait3A_170 = arith.constant 0 : i32
    %dma_wait3A_171 = arith.constant 0 : i32
    %dma_wait3A_172 = tpu.memref_slice %arg7[%dma_wait3A_170, %dma_wait3A_171] : memref<8x128xi32, #tpu.memory_space<vmem>> -> memref<1x128xi32, #tpu.memory_space<vmem>>
    %dma_wait3A_173 = tpu.memref_squeeze %dma_wait3A_172 : memref<1x128xi32, #tpu.memory_space<vmem>> -> memref<128xi32, #tpu.memory_space<vmem>>
    %dma_wait3A_174 = arith.constant 0 : i32
    %dma_wait3A_175 = tpu.memref_slice %arg4[%add3A, %dma_wait3A_169, %dma_wait3A_174] : memref<32x80x128xi32, #tpu.memory_space<hbm>> -> memref<1x1x128xi32, #tpu.memory_space<hbm>>
    %dma_wait3A_176 = tpu.memref_squeeze %dma_wait3A_175 : memref<1x1x128xi32, #tpu.memory_space<hbm>> -> memref<128xi32, #tpu.memory_space<hbm>>
    %dma_wait3A_177 = arith.constant 0 : i32
    %dma_wait3A_178 = tpu.memref_slice %arg7[%dma_wait3A_170, %dma_wait3A_177] : memref<8x128xi32, #tpu.memory_space<vmem>> -> memref<1x128xi32, #tpu.memory_space<vmem>>
    %dma_wait3A_179 = tpu.memref_squeeze %dma_wait3A_178 : memref<1x128xi32, #tpu.memory_space<vmem>> -> memref<128xi32, #tpu.memory_space<vmem>>
    %dma_wait3A_180 = arith.constant 0 : i32
    %dma_wait3A_181 = tpu.memref_slice %arg4[%add3A, %dma_wait3A_169, %dma_wait3A_180] : memref<32x80x128xi32, #tpu.memory_space<hbm>> -> memref<1x1x128xi32, #tpu.memory_space<hbm>>
    %dma_wait3A_182 = tpu.memref_squeeze %dma_wait3A_181 : memref<1x1x128xi32, #tpu.memory_space<hbm>> -> memref<128xi32, #tpu.memory_space<hbm>>
    tpu.wait_dma2 semaphore(%arg15 : memref<!tpu.dma_semaphore, #tpu.memory_space<semaphore_mem>>) src(%dma_wait3A_182 : memref<128xi32, #tpu.memory_space<hbm>>) dst(%dma_wait3A_179 : memref<128xi32, #tpu.memory_space<vmem>>)
    %dma_wait3A_183 = arith.constant 0 : i32
    %dma_wait3A_184 = arith.constant 0 : i32
    %dma_wait3A_185 = arith.constant 0 : i32
    %dma_wait3A_186 = tpu.memref_slice %arg6[%dma_wait3A_184, %dma_wait3A_185] : memref<8x128xi32, #tpu.memory_space<vmem>> -> memref<1x128xi32, #tpu.memory_space<vmem>>
    %dma_wait3A_187 = tpu.memref_squeeze %dma_wait3A_186 : memref<1x128xi32, #tpu.memory_space<vmem>> -> memref<128xi32, #tpu.memory_space<vmem>>
    %dma_wait3A_188 = arith.constant 0 : i32
    %dma_wait3A_189 = tpu.memref_slice %arg3[%add3A, %dma_wait3A_183, %dma_wait3A_188] : memref<32x80x128xi32, #tpu.memory_space<hbm>> -> memref<1x1x128xi32, #tpu.memory_space<hbm>>
    %dma_wait3A_190 = tpu.memref_squeeze %dma_wait3A_189 : memref<1x1x128xi32, #tpu.memory_space<hbm>> -> memref<128xi32, #tpu.memory_space<hbm>>
    %dma_wait3A_191 = arith.constant 0 : i32
    %dma_wait3A_192 = tpu.memref_slice %arg6[%dma_wait3A_184, %dma_wait3A_191] : memref<8x128xi32, #tpu.memory_space<vmem>> -> memref<1x128xi32, #tpu.memory_space<vmem>>
    %dma_wait3A_193 = tpu.memref_squeeze %dma_wait3A_192 : memref<1x128xi32, #tpu.memory_space<vmem>> -> memref<128xi32, #tpu.memory_space<vmem>>
    %dma_wait3A_194 = arith.constant 0 : i32
    %dma_wait3A_195 = tpu.memref_slice %arg3[%add3A, %dma_wait3A_183, %dma_wait3A_194] : memref<32x80x128xi32, #tpu.memory_space<hbm>> -> memref<1x1x128xi32, #tpu.memory_space<hbm>>
    %dma_wait3A_196 = tpu.memref_squeeze %dma_wait3A_195 : memref<1x1x128xi32, #tpu.memory_space<hbm>> -> memref<128xi32, #tpu.memory_space<hbm>>
    tpu.wait_dma2 semaphore(%arg14 : memref<!tpu.dma_semaphore, #tpu.memory_space<semaphore_mem>>) src(%dma_wait3A_196 : memref<128xi32, #tpu.memory_space<hbm>>) dst(%dma_wait3A_193 : memref<128xi32, #tpu.memory_space<vmem>>)
    %dma_wait3A_197 = arith.constant 0 : i32
    %dma_wait3A_198 = arith.constant 0 : i32
    %dma_wait3A_199 = arith.constant 0 : i32
    %dma_wait3A_200 = tpu.memref_slice %arg7[%dma_wait3A_198, %dma_wait3A_199] : memref<8x128xi32, #tpu.memory_space<vmem>> -> memref<1x128xi32, #tpu.memory_space<vmem>>
    %dma_wait3A_201 = tpu.memref_squeeze %dma_wait3A_200 : memref<1x128xi32, #tpu.memory_space<vmem>> -> memref<128xi32, #tpu.memory_space<vmem>>
    %dma_wait3A_202 = arith.constant 0 : i32
    %dma_wait3A_203 = tpu.memref_slice %arg4[%add3A, %dma_wait3A_197, %dma_wait3A_202] : memref<32x80x128xi32, #tpu.memory_space<hbm>> -> memref<1x1x128xi32, #tpu.memory_space<hbm>>
    %dma_wait3A_204 = tpu.memref_squeeze %dma_wait3A_203 : memref<1x1x128xi32, #tpu.memory_space<hbm>> -> memref<128xi32, #tpu.memory_space<hbm>>
    %dma_wait3A_205 = arith.constant 0 : i32
    %dma_wait3A_206 = tpu.memref_slice %arg7[%dma_wait3A_198, %dma_wait3A_205] : memref<8x128xi32, #tpu.memory_space<vmem>> -> memref<1x128xi32, #tpu.memory_space<vmem>>
    %dma_wait3A_207 = tpu.memref_squeeze %dma_wait3A_206 : memref<1x128xi32, #tpu.memory_space<vmem>> -> memref<128xi32, #tpu.memory_space<vmem>>
    %dma_wait3A_208 = arith.constant 0 : i32
    %dma_wait3A_209 = tpu.memref_slice %arg4[%add3A, %dma_wait3A_197, %dma_wait3A_208] : memref<32x80x128xi32, #tpu.memory_space<hbm>> -> memref<1x1x128xi32, #tpu.memory_space<hbm>>
    %dma_wait3A_210 = tpu.memref_squeeze %dma_wait3A_209 : memref<1x1x128xi32, #tpu.memory_space<hbm>> -> memref<128xi32, #tpu.memory_space<hbm>>
    tpu.wait_dma2 semaphore(%arg15 : memref<!tpu.dma_semaphore, #tpu.memory_space<semaphore_mem>>) src(%dma_wait3A_210 : memref<128xi32, #tpu.memory_space<hbm>>) dst(%dma_wait3A_207 : memref<128xi32, #tpu.memory_space<vmem>>)
    %rem3A_211 = arith.constant 0 : i32
    %rem3A_212 = arith.constant 8 : i32
    %rem3A_213 = arith.remsi %rem3A_211, %rem3A_212 : i32
    %dma_start3A_214 = arith.constant 0 : i32
    %dma_start3A_215 = arith.constant 0 : i32
    %dma_start3A_216 = arith.constant 0 : i32
    %dma_start3A_217 = tpu.memref_slice %arg8[%dma_start3A_214, %dma_start3A_215, %dma_start3A_216] : memref<2x128x128xf32, #tpu.memory_space<vmem>> -> memref<1x128x128xf32, #tpu.memory_space<vmem>>
    %dma_start3A_218 = tpu.memref_squeeze %dma_start3A_217 : memref<1x128x128xf32, #tpu.memory_space<vmem>> -> memref<128x128xf32, #tpu.memory_space<vmem>>
    %dma_start3A_219 = arith.constant 0 : i32
    %dma_start3A_220 = tpu.memref_slice %arg6[%rem3A_213, %dma_start3A_219] : memref<8x128xi32, #tpu.memory_space<vmem>> -> memref<1x128xi32, #tpu.memory_space<vmem>>
    %dma_start3A_221 = tpu.memref_squeeze %dma_start3A_220 : memref<1x128xi32, #tpu.memory_space<vmem>> -> memref<128xi32, #tpu.memory_space<vmem>>
    %dma_start3A_222 = arith.constant 0 : i32
    %dma_start3A_223 = arith.constant 0 : i32
    %dma_start3A_224 = tpu.memref_slice %arg2[%dma_start3A_222, %dma_start3A_223] : memref<10000x128xf32, #tpu.memory_space<hbm>> -> memref<10000x128xf32, #tpu.memory_space<hbm>>
    tpu.enqueue_indirect_dma source(%dma_start3A_224 : memref<10000x128xf32, #tpu.memory_space<hbm>>) target(%dma_start3A_218 : memref<128x128xf32, #tpu.memory_space<vmem>>) offsets(%dma_start3A_221 : memref<128xi32, #tpu.memory_space<vmem>>) semaphore(%arg10 : memref<!tpu.dma_semaphore, #tpu.memory_space<semaphore_mem>>)
    %rem3A_225 = arith.constant 1 : i32
    %rem3A_226 = arith.constant 8 : i32
    %rem3A_227 = arith.remsi %rem3A_225, %rem3A_226 : i32
    %dma_start3A_228 = arith.constant 1 : i32
    %dma_start3A_229 = arith.constant 0 : i32
    %dma_start3A_230 = arith.constant 0 : i32
    %dma_start3A_231 = tpu.memref_slice %arg8[%dma_start3A_228, %dma_start3A_229, %dma_start3A_230] : memref<2x128x128xf32, #tpu.memory_space<vmem>> -> memref<1x128x128xf32, #tpu.memory_space<vmem>>
    %dma_start3A_232 = tpu.memref_squeeze %dma_start3A_231 : memref<1x128x128xf32, #tpu.memory_space<vmem>> -> memref<128x128xf32, #tpu.memory_space<vmem>>
    %dma_start3A_233 = arith.constant 0 : i32
    %dma_start3A_234 = tpu.memref_slice %arg6[%rem3A_227, %dma_start3A_233] : memref<8x128xi32, #tpu.memory_space<vmem>> -> memref<1x128xi32, #tpu.memory_space<vmem>>
    %dma_start3A_235 = tpu.memref_squeeze %dma_start3A_234 : memref<1x128xi32, #tpu.memory_space<vmem>> -> memref<128xi32, #tpu.memory_space<vmem>>
    %dma_start3A_236 = arith.constant 0 : i32
    %dma_start3A_237 = arith.constant 0 : i32
    %dma_start3A_238 = tpu.memref_slice %arg2[%dma_start3A_236, %dma_start3A_237] : memref<10000x128xf32, #tpu.memory_space<hbm>> -> memref<10000x128xf32, #tpu.memory_space<hbm>>
    tpu.enqueue_indirect_dma source(%dma_start3A_238 : memref<10000x128xf32, #tpu.memory_space<hbm>>) target(%dma_start3A_232 : memref<128x128xf32, #tpu.memory_space<vmem>>) offsets(%dma_start3A_235 : memref<128xi32, #tpu.memory_space<vmem>>) semaphore(%arg11 : memref<!tpu.dma_semaphore, #tpu.memory_space<semaphore_mem>>)
    %scan3A_239 = arith.constant 0 : i32
    %scan3A_240 = arith.constant 0 : i32
    %scan3A_241 = arith.constant 39 : i32
    %scan3A_242 = arith.addi %scan3A_240, %scan3A_241 : i32
    %scan3A_243 = arith.constant 1 : i32
    scf.for %scan3A_408 = %scan3A_240 to %scan3A_242 step %scan3A_243  : i32 {
      %mul3A_409 = arith.constant 2 : i32
      %mul3A_410 = arith.muli %scan3A_408, %mul3A_409 : i32
      %add3A_411 = arith.constant 0 : i32
      %add3A_412 = arith.addi %mul3A_410, %add3A_411 : i32
      %add3A_413 = arith.constant 3 : i32
      %add3A_414 = arith.addi %add3A_412, %add3A_413 : i32
      %add3A_415 = arith.constant 2 : i32
      %add3A_416 = arith.addi %add3A_414, %add3A_415 : i32
      %min3A_417 = arith.constant 79 : i32
      %min3A_418 = arith.minsi %add3A_416, %min3A_417 : i32
      %rem3A_419 = arith.constant 8 : i32
      %rem3A_420 = arith.remsi %min3A_418, %rem3A_419 : i32
      %dma_start3A_421 = arith.constant 0 : i32
      %dma_start3A_422 = tpu.memref_slice %arg6[%rem3A_420, %dma_start3A_421] : memref<8x128xi32, #tpu.memory_space<vmem>> -> memref<1x128xi32, #tpu.memory_space<vmem>>
      %dma_start3A_423 = tpu.memref_squeeze %dma_start3A_422 : memref<1x128xi32, #tpu.memory_space<vmem>> -> memref<128xi32, #tpu.memory_space<vmem>>
      %dma_start3A_424 = arith.constant 0 : i32
      %dma_start3A_425 = tpu.memref_slice %arg3[%add3A, %min3A_418, %dma_start3A_424] : memref<32x80x128xi32, #tpu.memory_space<hbm>> -> memref<1x1x128xi32, #tpu.memory_space<hbm>>
      %dma_start3A_426 = tpu.memref_squeeze %dma_start3A_425 : memref<1x1x128xi32, #tpu.memory_space<hbm>> -> memref<128xi32, #tpu.memory_space<hbm>>
      %dma_start3A_427 = arith.constant 0 : i32
      %dma_start3A_428 = tpu.memref_slice %arg6[%rem3A_420, %dma_start3A_427] : memref<8x128xi32, #tpu.memory_space<vmem>> -> memref<1x128xi32, #tpu.memory_space<vmem>>
      %dma_start3A_429 = tpu.memref_squeeze %dma_start3A_428 : memref<1x128xi32, #tpu.memory_space<vmem>> -> memref<128xi32, #tpu.memory_space<vmem>>
      %dma_start3A_430 = arith.constant 0 : i32
      %dma_start3A_431 = tpu.memref_slice %arg3[%add3A, %min3A_418, %dma_start3A_430] : memref<32x80x128xi32, #tpu.memory_space<hbm>> -> memref<1x1x128xi32, #tpu.memory_space<hbm>>
      %dma_start3A_432 = tpu.memref_squeeze %dma_start3A_431 : memref<1x1x128xi32, #tpu.memory_space<hbm>> -> memref<128xi32, #tpu.memory_space<hbm>>
      tpu.enqueue_dma source(%dma_start3A_432 : memref<128xi32, #tpu.memory_space<hbm>>) target(%dma_start3A_429 : memref<128xi32, #tpu.memory_space<vmem>>) target_semaphore(%arg14 : memref<!tpu.dma_semaphore, #tpu.memory_space<semaphore_mem>>)
      %dma_start3A_433 = arith.constant 0 : i32
      %dma_start3A_434 = tpu.memref_slice %arg7[%rem3A_420, %dma_start3A_433] : memref<8x128xi32, #tpu.memory_space<vmem>> -> memref<1x128xi32, #tpu.memory_space<vmem>>
      %dma_start3A_435 = tpu.memref_squeeze %dma_start3A_434 : memref<1x128xi32, #tpu.memory_space<vmem>> -> memref<128xi32, #tpu.memory_space<vmem>>
      %dma_start3A_436 = arith.constant 0 : i32
      %dma_start3A_437 = tpu.memref_slice %arg4[%add3A, %min3A_418, %dma_start3A_436] : memref<32x80x128xi32, #tpu.memory_space<hbm>> -> memref<1x1x128xi32, #tpu.memory_space<hbm>>
      %dma_start3A_438 = tpu.memref_squeeze %dma_start3A_437 : memref<1x1x128xi32, #tpu.memory_space<hbm>> -> memref<128xi32, #tpu.memory_space<hbm>>
      %dma_start3A_439 = arith.constant 0 : i32
      %dma_start3A_440 = tpu.memref_slice %arg7[%rem3A_420, %dma_start3A_439] : memref<8x128xi32, #tpu.memory_space<vmem>> -> memref<1x128xi32, #tpu.memory_space<vmem>>
      %dma_start3A_441 = tpu.memref_squeeze %dma_start3A_440 : memref<1x128xi32, #tpu.memory_space<vmem>> -> memref<128xi32, #tpu.memory_space<vmem>>
      %dma_start3A_442 = arith.constant 0 : i32
      %dma_start3A_443 = tpu.memref_slice %arg4[%add3A, %min3A_418, %dma_start3A_442] : memref<32x80x128xi32, #tpu.memory_space<hbm>> -> memref<1x1x128xi32, #tpu.memory_space<hbm>>
      %dma_start3A_444 = tpu.memref_squeeze %dma_start3A_443 : memref<1x1x128xi32, #tpu.memory_space<hbm>> -> memref<128xi32, #tpu.memory_space<hbm>>
      tpu.enqueue_dma source(%dma_start3A_444 : memref<128xi32, #tpu.memory_space<hbm>>) target(%dma_start3A_441 : memref<128xi32, #tpu.memory_space<vmem>>) target_semaphore(%arg15 : memref<!tpu.dma_semaphore, #tpu.memory_space<semaphore_mem>>)
      %dma_wait3A_445 = arith.constant 0 : i32
      %dma_wait3A_446 = arith.constant 0 : i32
      %dma_wait3A_447 = arith.constant 0 : i32
      %dma_wait3A_448 = tpu.memref_slice %arg6[%dma_wait3A_446, %dma_wait3A_447] : memref<8x128xi32, #tpu.memory_space<vmem>> -> memref<1x128xi32, #tpu.memory_space<vmem>>
      %dma_wait3A_449 = tpu.memref_squeeze %dma_wait3A_448 : memref<1x128xi32, #tpu.memory_space<vmem>> -> memref<128xi32, #tpu.memory_space<vmem>>
      %dma_wait3A_450 = arith.constant 0 : i32
      %dma_wait3A_451 = tpu.memref_slice %arg3[%add3A, %dma_wait3A_445, %dma_wait3A_450] : memref<32x80x128xi32, #tpu.memory_space<hbm>> -> memref<1x1x128xi32, #tpu.memory_space<hbm>>
      %dma_wait3A_452 = tpu.memref_squeeze %dma_wait3A_451 : memref<1x1x128xi32, #tpu.memory_space<hbm>> -> memref<128xi32, #tpu.memory_space<hbm>>
      %dma_wait3A_453 = arith.constant 0 : i32
      %dma_wait3A_454 = tpu.memref_slice %arg6[%dma_wait3A_446, %dma_wait3A_453] : memref<8x128xi32, #tpu.memory_space<vmem>> -> memref<1x128xi32, #tpu.memory_space<vmem>>
      %dma_wait3A_455 = tpu.memref_squeeze %dma_wait3A_454 : memref<1x128xi32, #tpu.memory_space<vmem>> -> memref<128xi32, #tpu.memory_space<vmem>>
      %dma_wait3A_456 = arith.constant 0 : i32
      %dma_wait3A_457 = tpu.memref_slice %arg3[%add3A, %dma_wait3A_445, %dma_wait3A_456] : memref<32x80x128xi32, #tpu.memory_space<hbm>> -> memref<1x1x128xi32, #tpu.memory_space<hbm>>
      %dma_wait3A_458 = tpu.memref_squeeze %dma_wait3A_457 : memref<1x1x128xi32, #tpu.memory_space<hbm>> -> memref<128xi32, #tpu.memory_space<hbm>>
      tpu.wait_dma2 semaphore(%arg14 : memref<!tpu.dma_semaphore, #tpu.memory_space<semaphore_mem>>) src(%dma_wait3A_458 : memref<128xi32, #tpu.memory_space<hbm>>) dst(%dma_wait3A_455 : memref<128xi32, #tpu.memory_space<vmem>>)
      %dma_wait3A_459 = arith.constant 0 : i32
      %dma_wait3A_460 = arith.constant 0 : i32
      %dma_wait3A_461 = arith.constant 0 : i32
      %dma_wait3A_462 = tpu.memref_slice %arg7[%dma_wait3A_460, %dma_wait3A_461] : memref<8x128xi32, #tpu.memory_space<vmem>> -> memref<1x128xi32, #tpu.memory_space<vmem>>
      %dma_wait3A_463 = tpu.memref_squeeze %dma_wait3A_462 : memref<1x128xi32, #tpu.memory_space<vmem>> -> memref<128xi32, #tpu.memory_space<vmem>>
      %dma_wait3A_464 = arith.constant 0 : i32
      %dma_wait3A_465 = tpu.memref_slice %arg4[%add3A, %dma_wait3A_459, %dma_wait3A_464] : memref<32x80x128xi32, #tpu.memory_space<hbm>> -> memref<1x1x128xi32, #tpu.memory_space<hbm>>
      %dma_wait3A_466 = tpu.memref_squeeze %dma_wait3A_465 : memref<1x1x128xi32, #tpu.memory_space<hbm>> -> memref<128xi32, #tpu.memory_space<hbm>>
      %dma_wait3A_467 = arith.constant 0 : i32
      %dma_wait3A_468 = tpu.memref_slice %arg7[%dma_wait3A_460, %dma_wait3A_467] : memref<8x128xi32, #tpu.memory_space<vmem>> -> memref<1x128xi32, #tpu.memory_space<vmem>>
      %dma_wait3A_469 = tpu.memref_squeeze %dma_wait3A_468 : memref<1x128xi32, #tpu.memory_space<vmem>> -> memref<128xi32, #tpu.memory_space<vmem>>
      %dma_wait3A_470 = arith.constant 0 : i32
      %dma_wait3A_471 = tpu.memref_slice %arg4[%add3A, %dma_wait3A_459, %dma_wait3A_470] : memref<32x80x128xi32, #tpu.memory_space<hbm>> -> memref<1x1x128xi32, #tpu.memory_space<hbm>>
      %dma_wait3A_472 = tpu.memref_squeeze %dma_wait3A_471 : memref<1x1x128xi32, #tpu.memory_space<hbm>> -> memref<128xi32, #tpu.memory_space<hbm>>
      tpu.wait_dma2 semaphore(%arg15 : memref<!tpu.dma_semaphore, #tpu.memory_space<semaphore_mem>>) src(%dma_wait3A_472 : memref<128xi32, #tpu.memory_space<hbm>>) dst(%dma_wait3A_469 : memref<128xi32, #tpu.memory_space<vmem>>)
      %rem3A_473 = arith.constant 8 : i32
      %rem3A_474 = arith.remsi %add3A_412, %rem3A_473 : i32
      %dma_wait3A_475 = arith.constant 0 : i32
      %dma_wait3A_476 = arith.constant 0 : i32
      %dma_wait3A_477 = arith.constant 0 : i32
      %dma_wait3A_478 = tpu.memref_slice %arg8[%dma_wait3A_475, %dma_wait3A_476, %dma_wait3A_477] : memref<2x128x128xf32, #tpu.memory_space<vmem>> -> memref<1x128x128xf32, #tpu.memory_space<vmem>>
      %dma_wait3A_479 = tpu.memref_squeeze %dma_wait3A_478 : memref<1x128x128xf32, #tpu.memory_space<vmem>> -> memref<128x128xf32, #tpu.memory_space<vmem>>
      %dma_wait3A_480 = arith.constant 0 : i32
      %dma_wait3A_481 = tpu.memref_slice %arg6[%rem3A_474, %dma_wait3A_480] : memref<8x128xi32, #tpu.memory_space<vmem>> -> memref<1x128xi32, #tpu.memory_space<vmem>>
      %dma_wait3A_482 = tpu.memref_squeeze %dma_wait3A_481 : memref<1x128xi32, #tpu.memory_space<vmem>> -> memref<128xi32, #tpu.memory_space<vmem>>
      %dma_wait3A_483 = arith.constant 0 : i32
      %dma_wait3A_484 = arith.constant 0 : i32
      %dma_wait3A_485 = tpu.memref_slice %arg2[%dma_wait3A_483, %dma_wait3A_484] : memref<10000x128xf32, #tpu.memory_space<hbm>> -> memref<10000x128xf32, #tpu.memory_space<hbm>>
      tpu.wait_indirect_dma semaphore(%arg10 : memref<!tpu.dma_semaphore, #tpu.memory_space<semaphore_mem>>) src(%dma_wait3A_485 : memref<10000x128xf32, #tpu.memory_space<hbm>>) dst(%dma_wait3A_479 : memref<128x128xf32, #tpu.memory_space<vmem>>)
      %rem3A_486 = arith.constant 8 : i32
      %rem3A_487 = arith.remsi %add3A_412, %rem3A_486 : i32
      %dma_start3A_488 = arith.constant 0 : i32
      %dma_start3A_489 = arith.constant 0 : i32
      %dma_start3A_490 = arith.constant 0 : i32
      %dma_start3A_491 = tpu.memref_slice %arg8[%dma_start3A_488, %dma_start3A_489, %dma_start3A_490] : memref<2x128x128xf32, #tpu.memory_space<vmem>> -> memref<1x128x128xf32, #tpu.memory_space<vmem>>
      %dma_start3A_492 = tpu.memref_squeeze %dma_start3A_491 : memref<1x128x128xf32, #tpu.memory_space<vmem>> -> memref<128x128xf32, #tpu.memory_space<vmem>>
      %dma_start3A_493 = arith.constant 0 : i32
      %dma_start3A_494 = tpu.memref_slice %arg7[%rem3A_487, %dma_start3A_493] : memref<8x128xi32, #tpu.memory_space<vmem>> -> memref<1x128xi32, #tpu.memory_space<vmem>>
      %dma_start3A_495 = tpu.memref_squeeze %dma_start3A_494 : memref<1x128xi32, #tpu.memory_space<vmem>> -> memref<128xi32, #tpu.memory_space<vmem>>
      %dma_start3A_496 = arith.constant 0 : i32
      %dma_start3A_497 = arith.constant 0 : i32
      %dma_start3A_498 = tpu.memref_slice %arg9[%dma_start3A_496, %dma_start3A_497] : memref<10240x128xf32, #tpu.memory_space<vmem_shared>> -> memref<10240x128xf32, #tpu.memory_space<vmem_shared>>
      tpu.enqueue_indirect_dma source(%dma_start3A_492 : memref<128x128xf32, #tpu.memory_space<vmem>>) target(%dma_start3A_498 : memref<10240x128xf32, #tpu.memory_space<vmem_shared>>) offsets(%dma_start3A_495 : memref<128xi32, #tpu.memory_space<vmem>>) semaphore(%arg12 : memref<!tpu.dma_semaphore, #tpu.memory_space<semaphore_mem>>) {add = true}
      %dma_wait3A_499 = arith.constant 0 : i32
      %dma_wait3A_500 = arith.constant 0 : i32
      %dma_wait3A_501 = arith.constant 0 : i32
      %dma_wait3A_502 = tpu.memref_slice %arg8[%dma_wait3A_499, %dma_wait3A_500, %dma_wait3A_501] : memref<2x128x128xf32, #tpu.memory_space<vmem>> -> memref<1x128x128xf32, #tpu.memory_space<vmem>>
      %dma_wait3A_503 = tpu.memref_squeeze %dma_wait3A_502 : memref<1x128x128xf32, #tpu.memory_space<vmem>> -> memref<128x128xf32, #tpu.memory_space<vmem>>
      %dma_wait3A_504 = arith.constant 0 : i32
      %dma_wait3A_505 = tpu.memref_slice %arg7[%rem3A_487, %dma_wait3A_504] : memref<8x128xi32, #tpu.memory_space<vmem>> -> memref<1x128xi32, #tpu.memory_space<vmem>>
      %dma_wait3A_506 = tpu.memref_squeeze %dma_wait3A_505 : memref<1x128xi32, #tpu.memory_space<vmem>> -> memref<128xi32, #tpu.memory_space<vmem>>
      %dma_wait3A_507 = arith.constant 0 : i32
      %dma_wait3A_508 = arith.constant 0 : i32
      %dma_wait3A_509 = tpu.memref_slice %arg9[%dma_wait3A_507, %dma_wait3A_508] : memref<10240x128xf32, #tpu.memory_space<vmem_shared>> -> memref<10240x128xf32, #tpu.memory_space<vmem_shared>>
      tpu.wait_indirect_dma semaphore(%arg12 : memref<!tpu.dma_semaphore, #tpu.memory_space<semaphore_mem>>) src(%dma_wait3A_503 : memref<128x128xf32, #tpu.memory_space<vmem>>) dst(%dma_wait3A_509 : memref<10240x128xf32, #tpu.memory_space<vmem_shared>>)
      %add3A_510 = arith.constant 2 : i32
      %add3A_511 = arith.addi %add3A_412, %add3A_510 : i32
      %rem3A_512 = arith.constant 8 : i32
      %rem3A_513 = arith.remsi %add3A_511, %rem3A_512 : i32
      %dma_start3A_514 = arith.constant 0 : i32
      %dma_start3A_515 = arith.constant 0 : i32
      %dma_start3A_516 = arith.constant 0 : i32
      %dma_start3A_517 = tpu.memref_slice %arg8[%dma_start3A_514, %dma_start3A_515, %dma_start3A_516] : memref<2x128x128xf32, #tpu.memory_space<vmem>> -> memref<1x128x128xf32, #tpu.memory_space<vmem>>
      %dma_start3A_518 = tpu.memref_squeeze %dma_start3A_517 : memref<1x128x128xf32, #tpu.memory_space<vmem>> -> memref<128x128xf32, #tpu.memory_space<vmem>>
      %dma_start3A_519 = arith.constant 0 : i32
      %dma_start3A_520 = tpu.memref_slice %arg6[%rem3A_513, %dma_start3A_519] : memref<8x128xi32, #tpu.memory_space<vmem>> -> memref<1x128xi32, #tpu.memory_space<vmem>>
      %dma_start3A_521 = tpu.memref_squeeze %dma_start3A_520 : memref<1x128xi32, #tpu.memory_space<vmem>> -> memref<128xi32, #tpu.memory_space<vmem>>
      %dma_start3A_522 = arith.constant 0 : i32
      %dma_start3A_523 = arith.constant 0 : i32
      %dma_start3A_524 = tpu.memref_slice %arg2[%dma_start3A_522, %dma_start3A_523] : memref<10000x128xf32, #tpu.memory_space<hbm>> -> memref<10000x128xf32, #tpu.memory_space<hbm>>
      tpu.enqueue_indirect_dma source(%dma_start3A_524 : memref<10000x128xf32, #tpu.memory_space<hbm>>) target(%dma_start3A_518 : memref<128x128xf32, #tpu.memory_space<vmem>>) offsets(%dma_start3A_521 : memref<128xi32, #tpu.memory_space<vmem>>) semaphore(%arg10 : memref<!tpu.dma_semaphore, #tpu.memory_space<semaphore_mem>>)
      %mul3A_525 = arith.constant 2 : i32
      %mul3A_526 = arith.muli %scan3A_408, %mul3A_525 : i32
      %add3A_527 = arith.constant 1 : i32
      %add3A_528 = arith.addi %mul3A_526, %add3A_527 : i32
      %add3A_529 = arith.constant 3 : i32
      %add3A_530 = arith.addi %add3A_528, %add3A_529 : i32
      %add3A_531 = arith.constant 2 : i32
      %add3A_532 = arith.addi %add3A_530, %add3A_531 : i32
      %min3A_533 = arith.constant 79 : i32
      %min3A_534 = arith.minsi %add3A_532, %min3A_533 : i32
      %rem3A_535 = arith.constant 8 : i32
      %rem3A_536 = arith.remsi %min3A_534, %rem3A_535 : i32
      %dma_start3A_537 = arith.constant 0 : i32
      %dma_start3A_538 = tpu.memref_slice %arg6[%rem3A_536, %dma_start3A_537] : memref<8x128xi32, #tpu.memory_space<vmem>> -> memref<1x128xi32, #tpu.memory_space<vmem>>
      %dma_start3A_539 = tpu.memref_squeeze %dma_start3A_538 : memref<1x128xi32, #tpu.memory_space<vmem>> -> memref<128xi32, #tpu.memory_space<vmem>>
      %dma_start3A_540 = arith.constant 0 : i32
      %dma_start3A_541 = tpu.memref_slice %arg3[%add3A, %min3A_534, %dma_start3A_540] : memref<32x80x128xi32, #tpu.memory_space<hbm>> -> memref<1x1x128xi32, #tpu.memory_space<hbm>>
      %dma_start3A_542 = tpu.memref_squeeze %dma_start3A_541 : memref<1x1x128xi32, #tpu.memory_space<hbm>> -> memref<128xi32, #tpu.memory_space<hbm>>
      %dma_start3A_543 = arith.constant 0 : i32
      %dma_start3A_544 = tpu.memref_slice %arg6[%rem3A_536, %dma_start3A_543] : memref<8x128xi32, #tpu.memory_space<vmem>> -> memref<1x128xi32, #tpu.memory_space<vmem>>
      %dma_start3A_545 = tpu.memref_squeeze %dma_start3A_544 : memref<1x128xi32, #tpu.memory_space<vmem>> -> memref<128xi32, #tpu.memory_space<vmem>>
      %dma_start3A_546 = arith.constant 0 : i32
      %dma_start3A_547 = tpu.memref_slice %arg3[%add3A, %min3A_534, %dma_start3A_546] : memref<32x80x128xi32, #tpu.memory_space<hbm>> -> memref<1x1x128xi32, #tpu.memory_space<hbm>>
      %dma_start3A_548 = tpu.memref_squeeze %dma_start3A_547 : memref<1x1x128xi32, #tpu.memory_space<hbm>> -> memref<128xi32, #tpu.memory_space<hbm>>
      tpu.enqueue_dma source(%dma_start3A_548 : memref<128xi32, #tpu.memory_space<hbm>>) target(%dma_start3A_545 : memref<128xi32, #tpu.memory_space<vmem>>) target_semaphore(%arg14 : memref<!tpu.dma_semaphore, #tpu.memory_space<semaphore_mem>>)
      %dma_start3A_549 = arith.constant 0 : i32
      %dma_start3A_550 = tpu.memref_slice %arg7[%rem3A_536, %dma_start3A_549] : memref<8x128xi32, #tpu.memory_space<vmem>> -> memref<1x128xi32, #tpu.memory_space<vmem>>
      %dma_start3A_551 = tpu.memref_squeeze %dma_start3A_550 : memref<1x128xi32, #tpu.memory_space<vmem>> -> memref<128xi32, #tpu.memory_space<vmem>>
      %dma_start3A_552 = arith.constant 0 : i32
      %dma_start3A_553 = tpu.memref_slice %arg4[%add3A, %min3A_534, %dma_start3A_552] : memref<32x80x128xi32, #tpu.memory_space<hbm>> -> memref<1x1x128xi32, #tpu.memory_space<hbm>>
      %dma_start3A_554 = tpu.memref_squeeze %dma_start3A_553 : memref<1x1x128xi32, #tpu.memory_space<hbm>> -> memref<128xi32, #tpu.memory_space<hbm>>
      %dma_start3A_555 = arith.constant 0 : i32
      %dma_start3A_556 = tpu.memref_slice %arg7[%rem3A_536, %dma_start3A_555] : memref<8x128xi32, #tpu.memory_space<vmem>> -> memref<1x128xi32, #tpu.memory_space<vmem>>
      %dma_start3A_557 = tpu.memref_squeeze %dma_start3A_556 : memref<1x128xi32, #tpu.memory_space<vmem>> -> memref<128xi32, #tpu.memory_space<vmem>>
      %dma_start3A_558 = arith.constant 0 : i32
      %dma_start3A_559 = tpu.memref_slice %arg4[%add3A, %min3A_534, %dma_start3A_558] : memref<32x80x128xi32, #tpu.memory_space<hbm>> -> memref<1x1x128xi32, #tpu.memory_space<hbm>>
      %dma_start3A_560 = tpu.memref_squeeze %dma_start3A_559 : memref<1x1x128xi32, #tpu.memory_space<hbm>> -> memref<128xi32, #tpu.memory_space<hbm>>
      tpu.enqueue_dma source(%dma_start3A_560 : memref<128xi32, #tpu.memory_space<hbm>>) target(%dma_start3A_557 : memref<128xi32, #tpu.memory_space<vmem>>) target_semaphore(%arg15 : memref<!tpu.dma_semaphore, #tpu.memory_space<semaphore_mem>>)
      %dma_wait3A_561 = arith.constant 0 : i32
      %dma_wait3A_562 = arith.constant 0 : i32
      %dma_wait3A_563 = arith.constant 0 : i32
      %dma_wait3A_564 = tpu.memref_slice %arg6[%dma_wait3A_562, %dma_wait3A_563] : memref<8x128xi32, #tpu.memory_space<vmem>> -> memref<1x128xi32, #tpu.memory_space<vmem>>
      %dma_wait3A_565 = tpu.memref_squeeze %dma_wait3A_564 : memref<1x128xi32, #tpu.memory_space<vmem>> -> memref<128xi32, #tpu.memory_space<vmem>>
      %dma_wait3A_566 = arith.constant 0 : i32
      %dma_wait3A_567 = tpu.memref_slice %arg3[%add3A, %dma_wait3A_561, %dma_wait3A_566] : memref<32x80x128xi32, #tpu.memory_space<hbm>> -> memref<1x1x128xi32, #tpu.memory_space<hbm>>
      %dma_wait3A_568 = tpu.memref_squeeze %dma_wait3A_567 : memref<1x1x128xi32, #tpu.memory_space<hbm>> -> memref<128xi32, #tpu.memory_space<hbm>>
      %dma_wait3A_569 = arith.constant 0 : i32
      %dma_wait3A_570 = tpu.memref_slice %arg6[%dma_wait3A_562, %dma_wait3A_569] : memref<8x128xi32, #tpu.memory_space<vmem>> -> memref<1x128xi32, #tpu.memory_space<vmem>>
      %dma_wait3A_571 = tpu.memref_squeeze %dma_wait3A_570 : memref<1x128xi32, #tpu.memory_space<vmem>> -> memref<128xi32, #tpu.memory_space<vmem>>
      %dma_wait3A_572 = arith.constant 0 : i32
      %dma_wait3A_573 = tpu.memref_slice %arg3[%add3A, %dma_wait3A_561, %dma_wait3A_572] : memref<32x80x128xi32, #tpu.memory_space<hbm>> -> memref<1x1x128xi32, #tpu.memory_space<hbm>>
      %dma_wait3A_574 = tpu.memref_squeeze %dma_wait3A_573 : memref<1x1x128xi32, #tpu.memory_space<hbm>> -> memref<128xi32, #tpu.memory_space<hbm>>
      tpu.wait_dma2 semaphore(%arg14 : memref<!tpu.dma_semaphore, #tpu.memory_space<semaphore_mem>>) src(%dma_wait3A_574 : memref<128xi32, #tpu.memory_space<hbm>>) dst(%dma_wait3A_571 : memref<128xi32, #tpu.memory_space<vmem>>)
      %dma_wait3A_575 = arith.constant 0 : i32
      %dma_wait3A_576 = arith.constant 0 : i32
      %dma_wait3A_577 = arith.constant 0 : i32
      %dma_wait3A_578 = tpu.memref_slice %arg7[%dma_wait3A_576, %dma_wait3A_577] : memref<8x128xi32, #tpu.memory_space<vmem>> -> memref<1x128xi32, #tpu.memory_space<vmem>>
      %dma_wait3A_579 = tpu.memref_squeeze %dma_wait3A_578 : memref<1x128xi32, #tpu.memory_space<vmem>> -> memref<128xi32, #tpu.memory_space<vmem>>
      %dma_wait3A_580 = arith.constant 0 : i32
      %dma_wait3A_581 = tpu.memref_slice %arg4[%add3A, %dma_wait3A_575, %dma_wait3A_580] : memref<32x80x128xi32, #tpu.memory_space<hbm>> -> memref<1x1x128xi32, #tpu.memory_space<hbm>>
      %dma_wait3A_582 = tpu.memref_squeeze %dma_wait3A_581 : memref<1x1x128xi32, #tpu.memory_space<hbm>> -> memref<128xi32, #tpu.memory_space<hbm>>
      %dma_wait3A_583 = arith.constant 0 : i32
      %dma_wait3A_584 = tpu.memref_slice %arg7[%dma_wait3A_576, %dma_wait3A_583] : memref<8x128xi32, #tpu.memory_space<vmem>> -> memref<1x128xi32, #tpu.memory_space<vmem>>
      %dma_wait3A_585 = tpu.memref_squeeze %dma_wait3A_584 : memref<1x128xi32, #tpu.memory_space<vmem>> -> memref<128xi32, #tpu.memory_space<vmem>>
      %dma_wait3A_586 = arith.constant 0 : i32
      %dma_wait3A_587 = tpu.memref_slice %arg4[%add3A, %dma_wait3A_575, %dma_wait3A_586] : memref<32x80x128xi32, #tpu.memory_space<hbm>> -> memref<1x1x128xi32, #tpu.memory_space<hbm>>
      %dma_wait3A_588 = tpu.memref_squeeze %dma_wait3A_587 : memref<1x1x128xi32, #tpu.memory_space<hbm>> -> memref<128xi32, #tpu.memory_space<hbm>>
      tpu.wait_dma2 semaphore(%arg15 : memref<!tpu.dma_semaphore, #tpu.memory_space<semaphore_mem>>) src(%dma_wait3A_588 : memref<128xi32, #tpu.memory_space<hbm>>) dst(%dma_wait3A_585 : memref<128xi32, #tpu.memory_space<vmem>>)
      %rem3A_589 = arith.constant 8 : i32
      %rem3A_590 = arith.remsi %add3A_528, %rem3A_589 : i32
      %dma_wait3A_591 = arith.constant 1 : i32
      %dma_wait3A_592 = arith.constant 0 : i32
      %dma_wait3A_593 = arith.constant 0 : i32
      %dma_wait3A_594 = tpu.memref_slice %arg8[%dma_wait3A_591, %dma_wait3A_592, %dma_wait3A_593] : memref<2x128x128xf32, #tpu.memory_space<vmem>> -> memref<1x128x128xf32, #tpu.memory_space<vmem>>
      %dma_wait3A_595 = tpu.memref_squeeze %dma_wait3A_594 : memref<1x128x128xf32, #tpu.memory_space<vmem>> -> memref<128x128xf32, #tpu.memory_space<vmem>>
      %dma_wait3A_596 = arith.constant 0 : i32
      %dma_wait3A_597 = tpu.memref_slice %arg6[%rem3A_590, %dma_wait3A_596] : memref<8x128xi32, #tpu.memory_space<vmem>> -> memref<1x128xi32, #tpu.memory_space<vmem>>
      %dma_wait3A_598 = tpu.memref_squeeze %dma_wait3A_597 : memref<1x128xi32, #tpu.memory_space<vmem>> -> memref<128xi32, #tpu.memory_space<vmem>>
      %dma_wait3A_599 = arith.constant 0 : i32
      %dma_wait3A_600 = arith.constant 0 : i32
      %dma_wait3A_601 = tpu.memref_slice %arg2[%dma_wait3A_599, %dma_wait3A_600] : memref<10000x128xf32, #tpu.memory_space<hbm>> -> memref<10000x128xf32, #tpu.memory_space<hbm>>
      tpu.wait_indirect_dma semaphore(%arg11 : memref<!tpu.dma_semaphore, #tpu.memory_space<semaphore_mem>>) src(%dma_wait3A_601 : memref<10000x128xf32, #tpu.memory_space<hbm>>) dst(%dma_wait3A_595 : memref<128x128xf32, #tpu.memory_space<vmem>>)
      %rem3A_602 = arith.constant 8 : i32
      %rem3A_603 = arith.remsi %add3A_528, %rem3A_602 : i32
      %dma_start3A_604 = arith.constant 1 : i32
      %dma_start3A_605 = arith.constant 0 : i32
      %dma_start3A_606 = arith.constant 0 : i32
      %dma_start3A_607 = tpu.memref_slice %arg8[%dma_start3A_604, %dma_start3A_605, %dma_start3A_606] : memref<2x128x128xf32, #tpu.memory_space<vmem>> -> memref<1x128x128xf32, #tpu.memory_space<vmem>>
      %dma_start3A_608 = tpu.memref_squeeze %dma_start3A_607 : memref<1x128x128xf32, #tpu.memory_space<vmem>> -> memref<128x128xf32, #tpu.memory_space<vmem>>
      %dma_start3A_609 = arith.constant 0 : i32
      %dma_start3A_610 = tpu.memref_slice %arg7[%rem3A_603, %dma_start3A_609] : memref<8x128xi32, #tpu.memory_space<vmem>> -> memref<1x128xi32, #tpu.memory_space<vmem>>
      %dma_start3A_611 = tpu.memref_squeeze %dma_start3A_610 : memref<1x128xi32, #tpu.memory_space<vmem>> -> memref<128xi32, #tpu.memory_space<vmem>>
      %dma_start3A_612 = arith.constant 0 : i32
      %dma_start3A_613 = arith.constant 0 : i32
      %dma_start3A_614 = tpu.memref_slice %arg9[%dma_start3A_612, %dma_start3A_613] : memref<10240x128xf32, #tpu.memory_space<vmem_shared>> -> memref<10240x128xf32, #tpu.memory_space<vmem_shared>>
      tpu.enqueue_indirect_dma source(%dma_start3A_608 : memref<128x128xf32, #tpu.memory_space<vmem>>) target(%dma_start3A_614 : memref<10240x128xf32, #tpu.memory_space<vmem_shared>>) offsets(%dma_start3A_611 : memref<128xi32, #tpu.memory_space<vmem>>) semaphore(%arg13 : memref<!tpu.dma_semaphore, #tpu.memory_space<semaphore_mem>>) {add = true}
      %dma_wait3A_615 = arith.constant 1 : i32
      %dma_wait3A_616 = arith.constant 0 : i32
      %dma_wait3A_617 = arith.constant 0 : i32
      %dma_wait3A_618 = tpu.memref_slice %arg8[%dma_wait3A_615, %dma_wait3A_616, %dma_wait3A_617] : memref<2x128x128xf32, #tpu.memory_space<vmem>> -> memref<1x128x128xf32, #tpu.memory_space<vmem>>
      %dma_wait3A_619 = tpu.memref_squeeze %dma_wait3A_618 : memref<1x128x128xf32, #tpu.memory_space<vmem>> -> memref<128x128xf32, #tpu.memory_space<vmem>>
      %dma_wait3A_620 = arith.constant 0 : i32
      %dma_wait3A_621 = tpu.memref_slice %arg7[%rem3A_603, %dma_wait3A_620] : memref<8x128xi32, #tpu.memory_space<vmem>> -> memref<1x128xi32, #tpu.memory_space<vmem>>
      %dma_wait3A_622 = tpu.memref_squeeze %dma_wait3A_621 : memref<1x128xi32, #tpu.memory_space<vmem>> -> memref<128xi32, #tpu.memory_space<vmem>>
      %dma_wait3A_623 = arith.constant 0 : i32
      %dma_wait3A_624 = arith.constant 0 : i32
      %dma_wait3A_625 = tpu.memref_slice %arg9[%dma_wait3A_623, %dma_wait3A_624] : memref<10240x128xf32, #tpu.memory_space<vmem_shared>> -> memref<10240x128xf32, #tpu.memory_space<vmem_shared>>
      tpu.wait_indirect_dma semaphore(%arg13 : memref<!tpu.dma_semaphore, #tpu.memory_space<semaphore_mem>>) src(%dma_wait3A_619 : memref<128x128xf32, #tpu.memory_space<vmem>>) dst(%dma_wait3A_625 : memref<10240x128xf32, #tpu.memory_space<vmem_shared>>)
      %add3A_626 = arith.constant 2 : i32
      %add3A_627 = arith.addi %add3A_528, %add3A_626 : i32
      %rem3A_628 = arith.constant 8 : i32
      %rem3A_629 = arith.remsi %add3A_627, %rem3A_628 : i32
      %dma_start3A_630 = arith.constant 1 : i32
      %dma_start3A_631 = arith.constant 0 : i32
      %dma_start3A_632 = arith.constant 0 : i32
      %dma_start3A_633 = tpu.memref_slice %arg8[%dma_start3A_630, %dma_start3A_631, %dma_start3A_632] : memref<2x128x128xf32, #tpu.memory_space<vmem>> -> memref<1x128x128xf32, #tpu.memory_space<vmem>>
      %dma_start3A_634 = tpu.memref_squeeze %dma_start3A_633 : memref<1x128x128xf32, #tpu.memory_space<vmem>> -> memref<128x128xf32, #tpu.memory_space<vmem>>
      %dma_start3A_635 = arith.constant 0 : i32
      %dma_start3A_636 = tpu.memref_slice %arg6[%rem3A_629, %dma_start3A_635] : memref<8x128xi32, #tpu.memory_space<vmem>> -> memref<1x128xi32, #tpu.memory_space<vmem>>
      %dma_start3A_637 = tpu.memref_squeeze %dma_start3A_636 : memref<1x128xi32, #tpu.memory_space<vmem>> -> memref<128xi32, #tpu.memory_space<vmem>>
      %dma_start3A_638 = arith.constant 0 : i32
      %dma_start3A_639 = arith.constant 0 : i32
      %dma_start3A_640 = tpu.memref_slice %arg2[%dma_start3A_638, %dma_start3A_639] : memref<10000x128xf32, #tpu.memory_space<hbm>> -> memref<10000x128xf32, #tpu.memory_space<hbm>>
      tpu.enqueue_indirect_dma source(%dma_start3A_640 : memref<10000x128xf32, #tpu.memory_space<hbm>>) target(%dma_start3A_634 : memref<128x128xf32, #tpu.memory_space<vmem>>) offsets(%dma_start3A_637 : memref<128xi32, #tpu.memory_space<vmem>>) semaphore(%arg11 : memref<!tpu.dma_semaphore, #tpu.memory_space<semaphore_mem>>)
    }
    %scan3A_244 = arith.constant 39 : i32
    %rem3A_245 = arith.constant 78 : i32
    %rem3A_246 = arith.constant 8 : i32
    %rem3A_247 = arith.remsi %rem3A_245, %rem3A_246 : i32
    %dma_wait3A_248 = arith.constant 0 : i32
    %dma_wait3A_249 = arith.constant 0 : i32
    %dma_wait3A_250 = arith.constant 0 : i32
    %dma_wait3A_251 = tpu.memref_slice %arg8[%dma_wait3A_248, %dma_wait3A_249, %dma_wait3A_250] : memref<2x128x128xf32, #tpu.memory_space<vmem>> -> memref<1x128x128xf32, #tpu.memory_space<vmem>>
    %dma_wait3A_252 = tpu.memref_squeeze %dma_wait3A_251 : memref<1x128x128xf32, #tpu.memory_space<vmem>> -> memref<128x128xf32, #tpu.memory_space<vmem>>
    %dma_wait3A_253 = arith.constant 0 : i32
    %dma_wait3A_254 = tpu.memref_slice %arg6[%rem3A_247, %dma_wait3A_253] : memref<8x128xi32, #tpu.memory_space<vmem>> -> memref<1x128xi32, #tpu.memory_space<vmem>>
    %dma_wait3A_255 = tpu.memref_squeeze %dma_wait3A_254 : memref<1x128xi32, #tpu.memory_space<vmem>> -> memref<128xi32, #tpu.memory_space<vmem>>
    %dma_wait3A_256 = arith.constant 0 : i32
    %dma_wait3A_257 = arith.constant 0 : i32
    %dma_wait3A_258 = tpu.memref_slice %arg2[%dma_wait3A_256, %dma_wait3A_257] : memref<10000x128xf32, #tpu.memory_space<hbm>> -> memref<10000x128xf32, #tpu.memory_space<hbm>>
    tpu.wait_indirect_dma semaphore(%arg10 : memref<!tpu.dma_semaphore, #tpu.memory_space<semaphore_mem>>) src(%dma_wait3A_258 : memref<10000x128xf32, #tpu.memory_space<hbm>>) dst(%dma_wait3A_252 : memref<128x128xf32, #tpu.memory_space<vmem>>)
    %rem3A_259 = arith.constant 78 : i32
    %rem3A_260 = arith.constant 8 : i32
    %rem3A_261 = arith.remsi %rem3A_259, %rem3A_260 : i32
    %dma_start3A_262 = arith.constant 0 : i32
    %dma_start3A_263 = arith.constant 0 : i32
    %dma_start3A_264 = arith.constant 0 : i32
    %dma_start3A_265 = tpu.memref_slice %arg8[%dma_start3A_262, %dma_start3A_263, %dma_start3A_264] : memref<2x128x128xf32, #tpu.memory_space<vmem>> -> memref<1x128x128xf32, #tpu.memory_space<vmem>>
    %dma_start3A_266 = tpu.memref_squeeze %dma_start3A_265 : memref<1x128x128xf32, #tpu.memory_space<vmem>> -> memref<128x128xf32, #tpu.memory_space<vmem>>
    %dma_start3A_267 = arith.constant 0 : i32
    %dma_start3A_268 = tpu.memref_slice %arg7[%rem3A_261, %dma_start3A_267] : memref<8x128xi32, #tpu.memory_space<vmem>> -> memref<1x128xi32, #tpu.memory_space<vmem>>
    %dma_start3A_269 = tpu.memref_squeeze %dma_start3A_268 : memref<1x128xi32, #tpu.memory_space<vmem>> -> memref<128xi32, #tpu.memory_space<vmem>>
    %dma_start3A_270 = arith.constant 0 : i32
    %dma_start3A_271 = arith.constant 0 : i32
    %dma_start3A_272 = tpu.memref_slice %arg9[%dma_start3A_270, %dma_start3A_271] : memref<10240x128xf32, #tpu.memory_space<vmem_shared>> -> memref<10240x128xf32, #tpu.memory_space<vmem_shared>>
    tpu.enqueue_indirect_dma source(%dma_start3A_266 : memref<128x128xf32, #tpu.memory_space<vmem>>) target(%dma_start3A_272 : memref<10240x128xf32, #tpu.memory_space<vmem_shared>>) offsets(%dma_start3A_269 : memref<128xi32, #tpu.memory_space<vmem>>) semaphore(%arg12 : memref<!tpu.dma_semaphore, #tpu.memory_space<semaphore_mem>>) {add = true}
    %dma_wait3A_273 = arith.constant 0 : i32
    %dma_wait3A_274 = arith.constant 0 : i32
    %dma_wait3A_275 = arith.constant 0 : i32
    %dma_wait3A_276 = tpu.memref_slice %arg8[%dma_wait3A_273, %dma_wait3A_274, %dma_wait3A_275] : memref<2x128x128xf32, #tpu.memory_space<vmem>> -> memref<1x128x128xf32, #tpu.memory_space<vmem>>
    %dma_wait3A_277 = tpu.memref_squeeze %dma_wait3A_276 : memref<1x128x128xf32, #tpu.memory_space<vmem>> -> memref<128x128xf32, #tpu.memory_space<vmem>>
    %dma_wait3A_278 = arith.constant 0 : i32
    %dma_wait3A_279 = tpu.memref_slice %arg7[%rem3A_261, %dma_wait3A_278] : memref<8x128xi32, #tpu.memory_space<vmem>> -> memref<1x128xi32, #tpu.memory_space<vmem>>
    %dma_wait3A_280 = tpu.memref_squeeze %dma_wait3A_279 : memref<1x128xi32, #tpu.memory_space<vmem>> -> memref<128xi32, #tpu.memory_space<vmem>>
    %dma_wait3A_281 = arith.constant 0 : i32
    %dma_wait3A_282 = arith.constant 0 : i32
    %dma_wait3A_283 = tpu.memref_slice %arg9[%dma_wait3A_281, %dma_wait3A_282] : memref<10240x128xf32, #tpu.memory_space<vmem_shared>> -> memref<10240x128xf32, #tpu.memory_space<vmem_shared>>
    tpu.wait_indirect_dma semaphore(%arg12 : memref<!tpu.dma_semaphore, #tpu.memory_space<semaphore_mem>>) src(%dma_wait3A_277 : memref<128x128xf32, #tpu.memory_space<vmem>>) dst(%dma_wait3A_283 : memref<10240x128xf32, #tpu.memory_space<vmem_shared>>)
    %rem3A_284 = arith.constant 79 : i32
    %rem3A_285 = arith.constant 8 : i32
    %rem3A_286 = arith.remsi %rem3A_284, %rem3A_285 : i32
    %dma_wait3A_287 = arith.constant 1 : i32
    %dma_wait3A_288 = arith.constant 0 : i32
    %dma_wait3A_289 = arith.constant 0 : i32
    %dma_wait3A_290 = tpu.memref_slice %arg8[%dma_wait3A_287, %dma_wait3A_288, %dma_wait3A_289] : memref<2x128x128xf32, #tpu.memory_space<vmem>> -> memref<1x128x128xf32, #tpu.memory_space<vmem>>
    %dma_wait3A_291 = tpu.memref_squeeze %dma_wait3A_290 : memref<1x128x128xf32, #tpu.memory_space<vmem>> -> memref<128x128xf32, #tpu.memory_space<vmem>>
    %dma_wait3A_292 = arith.constant 0 : i32
    %dma_wait3A_293 = tpu.memref_slice %arg6[%rem3A_286, %dma_wait3A_292] : memref<8x128xi32, #tpu.memory_space<vmem>> -> memref<1x128xi32, #tpu.memory_space<vmem>>
    %dma_wait3A_294 = tpu.memref_squeeze %dma_wait3A_293 : memref<1x128xi32, #tpu.memory_space<vmem>> -> memref<128xi32, #tpu.memory_space<vmem>>
    %dma_wait3A_295 = arith.constant 0 : i32
    %dma_wait3A_296 = arith.constant 0 : i32
    %dma_wait3A_297 = tpu.memref_slice %arg2[%dma_wait3A_295, %dma_wait3A_296] : memref<10000x128xf32, #tpu.memory_space<hbm>> -> memref<10000x128xf32, #tpu.memory_space<hbm>>
    tpu.wait_indirect_dma semaphore(%arg11 : memref<!tpu.dma_semaphore, #tpu.memory_space<semaphore_mem>>) src(%dma_wait3A_297 : memref<10000x128xf32, #tpu.memory_space<hbm>>) dst(%dma_wait3A_291 : memref<128x128xf32, #tpu.memory_space<vmem>>)
    %rem3A_298 = arith.constant 79 : i32
    %rem3A_299 = arith.constant 8 : i32
    %rem3A_300 = arith.remsi %rem3A_298, %rem3A_299 : i32
    %dma_start3A_301 = arith.constant 1 : i32
    %dma_start3A_302 = arith.constant 0 : i32
    %dma_start3A_303 = arith.constant 0 : i32
    %dma_start3A_304 = tpu.memref_slice %arg8[%dma_start3A_301, %dma_start3A_302, %dma_start3A_303] : memref<2x128x128xf32, #tpu.memory_space<vmem>> -> memref<1x128x128xf32, #tpu.memory_space<vmem>>
    %dma_start3A_305 = tpu.memref_squeeze %dma_start3A_304 : memref<1x128x128xf32, #tpu.memory_space<vmem>> -> memref<128x128xf32, #tpu.memory_space<vmem>>
    %dma_start3A_306 = arith.constant 0 : i32
    %dma_start3A_307 = tpu.memref_slice %arg7[%rem3A_300, %dma_start3A_306] : memref<8x128xi32, #tpu.memory_space<vmem>> -> memref<1x128xi32, #tpu.memory_space<vmem>>
    %dma_start3A_308 = tpu.memref_squeeze %dma_start3A_307 : memref<1x128xi32, #tpu.memory_space<vmem>> -> memref<128xi32, #tpu.memory_space<vmem>>
    %dma_start3A_309 = arith.constant 0 : i32
    %dma_start3A_310 = arith.constant 0 : i32
    %dma_start3A_311 = tpu.memref_slice %arg9[%dma_start3A_309, %dma_start3A_310] : memref<10240x128xf32, #tpu.memory_space<vmem_shared>> -> memref<10240x128xf32, #tpu.memory_space<vmem_shared>>
    tpu.enqueue_indirect_dma source(%dma_start3A_305 : memref<128x128xf32, #tpu.memory_space<vmem>>) target(%dma_start3A_311 : memref<10240x128xf32, #tpu.memory_space<vmem_shared>>) offsets(%dma_start3A_308 : memref<128xi32, #tpu.memory_space<vmem>>) semaphore(%arg13 : memref<!tpu.dma_semaphore, #tpu.memory_space<semaphore_mem>>) {add = true}
    %dma_wait3A_312 = arith.constant 1 : i32
    %dma_wait3A_313 = arith.constant 0 : i32
    %dma_wait3A_314 = arith.constant 0 : i32
    %dma_wait3A_315 = tpu.memref_slice %arg8[%dma_wait3A_312, %dma_wait3A_313, %dma_wait3A_314] : memref<2x128x128xf32, #tpu.memory_space<vmem>> -> memref<1x128x128xf32, #tpu.memory_space<vmem>>
    %dma_wait3A_316 = tpu.memref_squeeze %dma_wait3A_315 : memref<1x128x128xf32, #tpu.memory_space<vmem>> -> memref<128x128xf32, #tpu.memory_space<vmem>>
    %dma_wait3A_317 = arith.constant 0 : i32
    %dma_wait3A_318 = tpu.memref_slice %arg7[%rem3A_300, %dma_wait3A_317] : memref<8x128xi32, #tpu.memory_space<vmem>> -> memref<1x128xi32, #tpu.memory_space<vmem>>
    %dma_wait3A_319 = tpu.memref_squeeze %dma_wait3A_318 : memref<1x128xi32, #tpu.memory_space<vmem>> -> memref<128xi32, #tpu.memory_space<vmem>>
    %dma_wait3A_320 = arith.constant 0 : i32
    %dma_wait3A_321 = arith.constant 0 : i32
    %dma_wait3A_322 = tpu.memref_slice %arg9[%dma_wait3A_320, %dma_wait3A_321] : memref<10240x128xf32, #tpu.memory_space<vmem_shared>> -> memref<10240x128xf32, #tpu.memory_space<vmem_shared>>
    tpu.wait_indirect_dma semaphore(%arg13 : memref<!tpu.dma_semaphore, #tpu.memory_space<semaphore_mem>>) src(%dma_wait3A_316 : memref<128x128xf32, #tpu.memory_space<vmem>>) dst(%dma_wait3A_322 : memref<10240x128xf32, #tpu.memory_space<vmem_shared>>)
    %dma_wait3A_323 = arith.constant 0 : i32
    %dma_wait3A_324 = arith.constant 0 : i32
    %dma_wait3A_325 = arith.constant 0 : i32
    %dma_wait3A_326 = tpu.memref_slice %arg6[%dma_wait3A_324, %dma_wait3A_325] : memref<8x128xi32, #tpu.memory_space<vmem>> -> memref<1x128xi32, #tpu.memory_space<vmem>>
    %dma_wait3A_327 = tpu.memref_squeeze %dma_wait3A_326 : memref<1x128xi32, #tpu.memory_space<vmem>> -> memref<128xi32, #tpu.memory_space<vmem>>
    %dma_wait3A_328 = arith.constant 0 : i32
    %dma_wait3A_329 = tpu.memref_slice %arg3[%add3A, %dma_wait3A_323, %dma_wait3A_328] : memref<32x80x128xi32, #tpu.memory_space<hbm>> -> memref<1x1x128xi32, #tpu.memory_space<hbm>>
    %dma_wait3A_330 = tpu.memref_squeeze %dma_wait3A_329 : memref<1x1x128xi32, #tpu.memory_space<hbm>> -> memref<128xi32, #tpu.memory_space<hbm>>
    %dma_wait3A_331 = arith.constant 0 : i32
    %dma_wait3A_332 = tpu.memref_slice %arg6[%dma_wait3A_324, %dma_wait3A_331] : memref<8x128xi32, #tpu.memory_space<vmem>> -> memref<1x128xi32, #tpu.memory_space<vmem>>
    %dma_wait3A_333 = tpu.memref_squeeze %dma_wait3A_332 : memref<1x128xi32, #tpu.memory_space<vmem>> -> memref<128xi32, #tpu.memory_space<vmem>>
    %dma_wait3A_334 = arith.constant 0 : i32
    %dma_wait3A_335 = tpu.memref_slice %arg3[%add3A, %dma_wait3A_323, %dma_wait3A_334] : memref<32x80x128xi32, #tpu.memory_space<hbm>> -> memref<1x1x128xi32, #tpu.memory_space<hbm>>
    %dma_wait3A_336 = tpu.memref_squeeze %dma_wait3A_335 : memref<1x1x128xi32, #tpu.memory_space<hbm>> -> memref<128xi32, #tpu.memory_space<hbm>>
    tpu.wait_dma2 semaphore(%arg14 : memref<!tpu.dma_semaphore, #tpu.memory_space<semaphore_mem>>) src(%dma_wait3A_336 : memref<128xi32, #tpu.memory_space<hbm>>) dst(%dma_wait3A_333 : memref<128xi32, #tpu.memory_space<vmem>>)
    %dma_wait3A_337 = arith.constant 0 : i32
    %dma_wait3A_338 = arith.constant 0 : i32
    %dma_wait3A_339 = arith.constant 0 : i32
    %dma_wait3A_340 = tpu.memref_slice %arg7[%dma_wait3A_338, %dma_wait3A_339] : memref<8x128xi32, #tpu.memory_space<vmem>> -> memref<1x128xi32, #tpu.memory_space<vmem>>
    %dma_wait3A_341 = tpu.memref_squeeze %dma_wait3A_340 : memref<1x128xi32, #tpu.memory_space<vmem>> -> memref<128xi32, #tpu.memory_space<vmem>>
    %dma_wait3A_342 = arith.constant 0 : i32
    %dma_wait3A_343 = tpu.memref_slice %arg4[%add3A, %dma_wait3A_337, %dma_wait3A_342] : memref<32x80x128xi32, #tpu.memory_space<hbm>> -> memref<1x1x128xi32, #tpu.memory_space<hbm>>
    %dma_wait3A_344 = tpu.memref_squeeze %dma_wait3A_343 : memref<1x1x128xi32, #tpu.memory_space<hbm>> -> memref<128xi32, #tpu.memory_space<hbm>>
    %dma_wait3A_345 = arith.constant 0 : i32
    %dma_wait3A_346 = tpu.memref_slice %arg7[%dma_wait3A_338, %dma_wait3A_345] : memref<8x128xi32, #tpu.memory_space<vmem>> -> memref<1x128xi32, #tpu.memory_space<vmem>>
    %dma_wait3A_347 = tpu.memref_squeeze %dma_wait3A_346 : memref<1x128xi32, #tpu.memory_space<vmem>> -> memref<128xi32, #tpu.memory_space<vmem>>
    %dma_wait3A_348 = arith.constant 0 : i32
    %dma_wait3A_349 = tpu.memref_slice %arg4[%add3A, %dma_wait3A_337, %dma_wait3A_348] : memref<32x80x128xi32, #tpu.memory_space<hbm>> -> memref<1x1x128xi32, #tpu.memory_space<hbm>>
    %dma_wait3A_350 = tpu.memref_squeeze %dma_wait3A_349 : memref<1x1x128xi32, #tpu.memory_space<hbm>> -> memref<128xi32, #tpu.memory_space<hbm>>
    tpu.wait_dma2 semaphore(%arg15 : memref<!tpu.dma_semaphore, #tpu.memory_space<semaphore_mem>>) src(%dma_wait3A_350 : memref<128xi32, #tpu.memory_space<hbm>>) dst(%dma_wait3A_347 : memref<128xi32, #tpu.memory_space<vmem>>)
    %dma_wait3A_351 = arith.constant 0 : i32
    %dma_wait3A_352 = arith.constant 0 : i32
    %dma_wait3A_353 = arith.constant 0 : i32
    %dma_wait3A_354 = tpu.memref_slice %arg6[%dma_wait3A_352, %dma_wait3A_353] : memref<8x128xi32, #tpu.memory_space<vmem>> -> memref<1x128xi32, #tpu.memory_space<vmem>>
    %dma_wait3A_355 = tpu.memref_squeeze %dma_wait3A_354 : memref<1x128xi32, #tpu.memory_space<vmem>> -> memref<128xi32, #tpu.memory_space<vmem>>
    %dma_wait3A_356 = arith.constant 0 : i32
    %dma_wait3A_357 = tpu.memref_slice %arg3[%add3A, %dma_wait3A_351, %dma_wait3A_356] : memref<32x80x128xi32, #tpu.memory_space<hbm>> -> memref<1x1x128xi32, #tpu.memory_space<hbm>>
    %dma_wait3A_358 = tpu.memref_squeeze %dma_wait3A_357 : memref<1x1x128xi32, #tpu.memory_space<hbm>> -> memref<128xi32, #tpu.memory_space<hbm>>
    %dma_wait3A_359 = arith.constant 0 : i32
    %dma_wait3A_360 = tpu.memref_slice %arg6[%dma_wait3A_352, %dma_wait3A_359] : memref<8x128xi32, #tpu.memory_space<vmem>> -> memref<1x128xi32, #tpu.memory_space<vmem>>
    %dma_wait3A_361 = tpu.memref_squeeze %dma_wait3A_360 : memref<1x128xi32, #tpu.memory_space<vmem>> -> memref<128xi32, #tpu.memory_space<vmem>>
    %dma_wait3A_362 = arith.constant 0 : i32
    %dma_wait3A_363 = tpu.memref_slice %arg3[%add3A, %dma_wait3A_351, %dma_wait3A_362] : memref<32x80x128xi32, #tpu.memory_space<hbm>> -> memref<1x1x128xi32, #tpu.memory_space<hbm>>
    %dma_wait3A_364 = tpu.memref_squeeze %dma_wait3A_363 : memref<1x1x128xi32, #tpu.memory_space<hbm>> -> memref<128xi32, #tpu.memory_space<hbm>>
    tpu.wait_dma2 semaphore(%arg14 : memref<!tpu.dma_semaphore, #tpu.memory_space<semaphore_mem>>) src(%dma_wait3A_364 : memref<128xi32, #tpu.memory_space<hbm>>) dst(%dma_wait3A_361 : memref<128xi32, #tpu.memory_space<vmem>>)
    %dma_wait3A_365 = arith.constant 0 : i32
    %dma_wait3A_366 = arith.constant 0 : i32
    %dma_wait3A_367 = arith.constant 0 : i32
    %dma_wait3A_368 = tpu.memref_slice %arg7[%dma_wait3A_366, %dma_wait3A_367] : memref<8x128xi32, #tpu.memory_space<vmem>> -> memref<1x128xi32, #tpu.memory_space<vmem>>
    %dma_wait3A_369 = tpu.memref_squeeze %dma_wait3A_368 : memref<1x128xi32, #tpu.memory_space<vmem>> -> memref<128xi32, #tpu.memory_space<vmem>>
    %dma_wait3A_370 = arith.constant 0 : i32
    %dma_wait3A_371 = tpu.memref_slice %arg4[%add3A, %dma_wait3A_365, %dma_wait3A_370] : memref<32x80x128xi32, #tpu.memory_space<hbm>> -> memref<1x1x128xi32, #tpu.memory_space<hbm>>
    %dma_wait3A_372 = tpu.memref_squeeze %dma_wait3A_371 : memref<1x1x128xi32, #tpu.memory_space<hbm>> -> memref<128xi32, #tpu.memory_space<hbm>>
    %dma_wait3A_373 = arith.constant 0 : i32
    %dma_wait3A_374 = tpu.memref_slice %arg7[%dma_wait3A_366, %dma_wait3A_373] : memref<8x128xi32, #tpu.memory_space<vmem>> -> memref<1x128xi32, #tpu.memory_space<vmem>>
    %dma_wait3A_375 = tpu.memref_squeeze %dma_wait3A_374 : memref<1x128xi32, #tpu.memory_space<vmem>> -> memref<128xi32, #tpu.memory_space<vmem>>
    %dma_wait3A_376 = arith.constant 0 : i32
    %dma_wait3A_377 = tpu.memref_slice %arg4[%add3A, %dma_wait3A_365, %dma_wait3A_376] : memref<32x80x128xi32, #tpu.memory_space<hbm>> -> memref<1x1x128xi32, #tpu.memory_space<hbm>>
    %dma_wait3A_378 = tpu.memref_squeeze %dma_wait3A_377 : memref<1x1x128xi32, #tpu.memory_space<hbm>> -> memref<128xi32, #tpu.memory_space<hbm>>
    tpu.wait_dma2 semaphore(%arg15 : memref<!tpu.dma_semaphore, #tpu.memory_space<semaphore_mem>>) src(%dma_wait3A_378 : memref<128xi32, #tpu.memory_space<hbm>>) dst(%dma_wait3A_375 : memref<128xi32, #tpu.memory_space<vmem>>)
    %dma_wait3A_379 = arith.constant 0 : i32
    %dma_wait3A_380 = arith.constant 0 : i32
    %dma_wait3A_381 = arith.constant 0 : i32
    %dma_wait3A_382 = tpu.memref_slice %arg6[%dma_wait3A_380, %dma_wait3A_381] : memref<8x128xi32, #tpu.memory_space<vmem>> -> memref<1x128xi32, #tpu.memory_space<vmem>>
    %dma_wait3A_383 = tpu.memref_squeeze %dma_wait3A_382 : memref<1x128xi32, #tpu.memory_space<vmem>> -> memref<128xi32, #tpu.memory_space<vmem>>
    %dma_wait3A_384 = arith.constant 0 : i32
    %dma_wait3A_385 = tpu.memref_slice %arg3[%add3A, %dma_wait3A_379, %dma_wait3A_384] : memref<32x80x128xi32, #tpu.memory_space<hbm>> -> memref<1x1x128xi32, #tpu.memory_space<hbm>>
    %dma_wait3A_386 = tpu.memref_squeeze %dma_wait3A_385 : memref<1x1x128xi32, #tpu.memory_space<hbm>> -> memref<128xi32, #tpu.memory_space<hbm>>
    %dma_wait3A_387 = arith.constant 0 : i32
    %dma_wait3A_388 = tpu.memref_slice %arg6[%dma_wait3A_380, %dma_wait3A_387] : memref<8x128xi32, #tpu.memory_space<vmem>> -> memref<1x128xi32, #tpu.memory_space<vmem>>
    %dma_wait3A_389 = tpu.memref_squeeze %dma_wait3A_388 : memref<1x128xi32, #tpu.memory_space<vmem>> -> memref<128xi32, #tpu.memory_space<vmem>>
    %dma_wait3A_390 = arith.constant 0 : i32
    %dma_wait3A_391 = tpu.memref_slice %arg3[%add3A, %dma_wait3A_379, %dma_wait3A_390] : memref<32x80x128xi32, #tpu.memory_space<hbm>> -> memref<1x1x128xi32, #tpu.memory_space<hbm>>
    %dma_wait3A_392 = tpu.memref_squeeze %dma_wait3A_391 : memref<1x1x128xi32, #tpu.memory_space<hbm>> -> memref<128xi32, #tpu.memory_space<hbm>>
    tpu.wait_dma2 semaphore(%arg14 : memref<!tpu.dma_semaphore, #tpu.memory_space<semaphore_mem>>) src(%dma_wait3A_392 : memref<128xi32, #tpu.memory_space<hbm>>) dst(%dma_wait3A_389 : memref<128xi32, #tpu.memory_space<vmem>>)
    %dma_wait3A_393 = arith.constant 0 : i32
    %dma_wait3A_394 = arith.constant 0 : i32
    %dma_wait3A_395 = arith.constant 0 : i32
    %dma_wait3A_396 = tpu.memref_slice %arg7[%dma_wait3A_394, %dma_wait3A_395] : memref<8x128xi32, #tpu.memory_space<vmem>> -> memref<1x128xi32, #tpu.memory_space<vmem>>
    %dma_wait3A_397 = tpu.memref_squeeze %dma_wait3A_396 : memref<1x128xi32, #tpu.memory_space<vmem>> -> memref<128xi32, #tpu.memory_space<vmem>>
    %dma_wait3A_398 = arith.constant 0 : i32
    %dma_wait3A_399 = tpu.memref_slice %arg4[%add3A, %dma_wait3A_393, %dma_wait3A_398] : memref<32x80x128xi32, #tpu.memory_space<hbm>> -> memref<1x1x128xi32, #tpu.memory_space<hbm>>
    %dma_wait3A_400 = tpu.memref_squeeze %dma_wait3A_399 : memref<1x1x128xi32, #tpu.memory_space<hbm>> -> memref<128xi32, #tpu.memory_space<hbm>>
    %dma_wait3A_401 = arith.constant 0 : i32
    %dma_wait3A_402 = tpu.memref_slice %arg7[%dma_wait3A_394, %dma_wait3A_401] : memref<8x128xi32, #tpu.memory_space<vmem>> -> memref<1x128xi32, #tpu.memory_space<vmem>>
    %dma_wait3A_403 = tpu.memref_squeeze %dma_wait3A_402 : memref<1x128xi32, #tpu.memory_space<vmem>> -> memref<128xi32, #tpu.memory_space<vmem>>
    %dma_wait3A_404 = arith.constant 0 : i32
    %dma_wait3A_405 = tpu.memref_slice %arg4[%add3A, %dma_wait3A_393, %dma_wait3A_404] : memref<32x80x128xi32, #tpu.memory_space<hbm>> -> memref<1x1x128xi32, #tpu.memory_space<hbm>>
    %dma_wait3A_406 = tpu.memref_squeeze %dma_wait3A_405 : memref<1x1x128xi32, #tpu.memory_space<hbm>> -> memref<128xi32, #tpu.memory_space<hbm>>
    tpu.wait_dma2 semaphore(%arg15 : memref<!tpu.dma_semaphore, #tpu.memory_space<semaphore_mem>>) src(%dma_wait3A_406 : memref<128xi32, #tpu.memory_space<hbm>>) dst(%dma_wait3A_403 : memref<128xi32, #tpu.memory_space<vmem>>)
    %barrier3A_407 = arith.constant 0 : index
    tpu.barrier barrier_id(%barrier3A_407)
    "tpu.region"() ({
      %run_scoped3A = tpu.sem_alloc : memref<!tpu.dma_semaphore, #tpu.memory_space<semaphore_mem>>
      %dma_start3A_408 = arith.constant 0 : i32
      %dma_start3A_409 = tpu.memref_slice %arg5[%arg0, %mul3A_2, %dma_start3A_408] : memref<2x10240x128xf32, #tpu.memory_space<hbm>> -> memref<1x640x128xf32, #tpu.memory_space<hbm>>
      %dma_start3A_410 = tpu.memref_squeeze %dma_start3A_409 : memref<1x640x128xf32, #tpu.memory_space<hbm>> -> memref<640x128xf32, #tpu.memory_space<hbm>>
      %dma_start3A_411 = arith.constant 0 : i32
      %dma_start3A_412 = tpu.memref_slice %arg9[%mul3A_2, %dma_start3A_411] : memref<10240x128xf32, #tpu.memory_space<vmem_shared>> -> memref<640x128xf32, #tpu.memory_space<vmem_shared>>
      tpu.enqueue_dma source(%dma_start3A_412 : memref<640x128xf32, #tpu.memory_space<vmem_shared>>) target(%dma_start3A_410 : memref<640x128xf32, #tpu.memory_space<hbm>>) target_semaphore(%run_scoped3A : memref<!tpu.dma_semaphore, #tpu.memory_space<semaphore_mem>>)
      %dma_wait3A_413 = arith.constant 0 : i32
      %dma_wait3A_414 = tpu.memref_slice %arg5[%arg0, %mul3A_2, %dma_wait3A_413] : memref<2x10240x128xf32, #tpu.memory_space<hbm>> -> memref<1x640x128xf32, #tpu.memory_space<hbm>>
      %dma_wait3A_415 = tpu.memref_squeeze %dma_wait3A_414 : memref<1x640x128xf32, #tpu.memory_space<hbm>> -> memref<640x128xf32, #tpu.memory_space<hbm>>
      %dma_wait3A_416 = arith.constant 0 : i32
      %dma_wait3A_417 = tpu.memref_slice %arg9[%mul3A_2, %dma_wait3A_416] : memref<10240x128xf32, #tpu.memory_space<vmem_shared>> -> memref<640x128xf32, #tpu.memory_space<vmem_shared>>
      tpu.wait_dma2 semaphore(%run_scoped3A : memref<!tpu.dma_semaphore, #tpu.memory_space<semaphore_mem>>) src(%dma_wait3A_417 : memref<640x128xf32, #tpu.memory_space<vmem_shared>>) dst(%dma_wait3A_415 : memref<640x128xf32, #tpu.memory_space<hbm>>)
      tpu.yield
    }) : () -> ()
    return
  }
}

#map = affine_map<(d0, d1) -> (0, 0, 0)>
module attributes {stable_mosaic.version = 14 : i64} {
  func.func @_sc_deg(%arg0: i32, %arg1: i32, %arg2: memref<32x80x128xi32, #tpu.memory_space<hbm>>, %arg3: memref<2x10240x16xf32, #tpu.memory_space<hbm>>, %arg4: memref<80x128xi32, #tpu.memory_space<vmem>>, %arg5: memref<128x16xf32, #tpu.memory_space<vmem>>, %arg6: memref<128x16xf32, #tpu.memory_space<vmem>>, %arg7: memref<10240x16xf32, #tpu.memory_space<vmem_shared>>) attributes {dimension_semantics = [#tpu.dimension_semantics<core_parallel>, #tpu.dimension_semantics<subcore_parallel>], iteration_bounds = array<i64: 2, 16>, scalar_prefetch = 0 : i64, scratch_operands = 4 : i64, tpu.core_type = #tpu.core_type<sc_vector_subcore>, window_params = [{transform_indices = #map}, {transform_indices = #map}]} {
    %mul3A = arith.constant 16 : i32
    %mul3A_0 = arith.muli %arg0, %mul3A : i32
    %add3A = arith.addi %mul3A_0, %arg1 : i32
    %mul3A_1 = arith.constant 640 : i32
    %mul3A_2 = arith.muli %arg1, %mul3A_1 : i32
    %scan3A = arith.constant 0 : i32
    %scan3A_3 = arith.constant 0 : i32
    %scan3A_4 = arith.constant 128 : i32
    %scan3A_5 = arith.addi %scan3A_3, %scan3A_4 : i32
    %scan3A_6 = arith.constant 1 : i32
    scf.for %scan3A_21 = %scan3A_3 to %scan3A_5 step %scan3A_6  : i32 {
      %broadcast_in_dim3A = arith.constant 1.000000e+00 : f32
      %broadcast_in_dim3A_22 = vector.broadcast %broadcast_in_dim3A : f32 to vector<16xf32>
      %swap3A = arith.index_cast %scan3A_21 : i32 to index
      %swap3A_23 = arith.constant 0 : index
      %swap3A_24 = tpu.vector_load %arg5[%swap3A, %swap3A_23] {strides = array<i32>} : memref<128x16xf32, #tpu.memory_space<vmem>>, vector<1x16xf32>,
      %swap3A_25 = vector.shape_cast %swap3A_24 : vector<1x16xf32> to vector<16xf32>
      %swap3A_26 = vector.shape_cast %broadcast_in_dim3A_22 : vector<16xf32> to vector<1x16xf32>
      tpu.vector_store %arg5[%swap3A, %swap3A_23], %swap3A_26 {strides = array<i32>} : memref<128x16xf32, #tpu.memory_space<vmem>>, vector<1x16xf32>,
      %broadcast_in_dim3A_27 = arith.constant 0.000000e+00 : f32
      %broadcast_in_dim3A_28 = vector.broadcast %broadcast_in_dim3A_27 : f32 to vector<16xf32>
      %swap3A_29 = arith.index_cast %scan3A_21 : i32 to index
      %swap3A_30 = arith.constant 0 : index
      %swap3A_31 = tpu.vector_load %arg6[%swap3A_29, %swap3A_30] {strides = array<i32>} : memref<128x16xf32, #tpu.memory_space<vmem>>, vector<1x16xf32>,
      %swap3A_32 = vector.shape_cast %swap3A_31 : vector<1x16xf32> to vector<16xf32>
      %swap3A_33 = vector.shape_cast %broadcast_in_dim3A_28 : vector<16xf32> to vector<1x16xf32>
      tpu.vector_store %arg6[%swap3A_29, %swap3A_30], %swap3A_33 {strides = array<i32>} : memref<128x16xf32, #tpu.memory_space<vmem>>, vector<1x16xf32>,
    }
    %scan3A_7 = arith.constant 128 : i32
    %scan3A_8 = arith.constant 0 : i32
    %scan3A_9 = arith.constant 0 : i32
    %scan3A_10 = arith.constant 5 : i32
    %scan3A_11 = arith.addi %scan3A_9, %scan3A_10 : i32
    %scan3A_12 = arith.constant 1 : i32
    scf.for %scan3A_21 = %scan3A_9 to %scan3A_11 step %scan3A_12  : i32 {
      %mul3A_22 = arith.constant 128 : i32
      %mul3A_23 = arith.muli %scan3A_21, %mul3A_22 : i32
      %add3A_24 = arith.addi %mul3A_2, %mul3A_23 : i32
      "tpu.region"() ({
        %run_scoped3A = tpu.sem_alloc : memref<!tpu.dma_semaphore, #tpu.memory_space<semaphore_mem>>
        %dma_start3A = arith.constant 0 : i32
        %dma_start3A_25 = tpu.memref_slice %arg7[%add3A_24, %dma_start3A] : memref<10240x16xf32, #tpu.memory_space<vmem_shared>> -> memref<128x16xf32, #tpu.memory_space<vmem_shared>>
        %dma_start3A_26 = arith.constant 0 : i32
        %dma_start3A_27 = tpu.memref_slice %arg7[%add3A_24, %dma_start3A_26] : memref<10240x16xf32, #tpu.memory_space<vmem_shared>> -> memref<128x16xf32, #tpu.memory_space<vmem_shared>>
        tpu.enqueue_dma source(%arg6 : memref<128x16xf32, #tpu.memory_space<vmem>>) target(%dma_start3A_27 : memref<128x16xf32, #tpu.memory_space<vmem_shared>>) target_semaphore(%run_scoped3A : memref<!tpu.dma_semaphore, #tpu.memory_space<semaphore_mem>>)
        %dma_wait3A = arith.constant 0 : i32
        %dma_wait3A_28 = tpu.memref_slice %arg7[%add3A_24, %dma_wait3A] : memref<10240x16xf32, #tpu.memory_space<vmem_shared>> -> memref<128x16xf32, #tpu.memory_space<vmem_shared>>
        %dma_wait3A_29 = arith.constant 0 : i32
        %dma_wait3A_30 = tpu.memref_slice %arg7[%add3A_24, %dma_wait3A_29] : memref<10240x16xf32, #tpu.memory_space<vmem_shared>> -> memref<128x16xf32, #tpu.memory_space<vmem_shared>>
        tpu.wait_dma2 semaphore(%run_scoped3A : memref<!tpu.dma_semaphore, #tpu.memory_space<semaphore_mem>>) src(%arg6 : memref<128x16xf32, #tpu.memory_space<vmem>>) dst(%dma_wait3A_30 : memref<128x16xf32, #tpu.memory_space<vmem_shared>>)
        tpu.yield
      }) : () -> ()
    }
    %scan3A_13 = arith.constant 5 : i32
    "tpu.region"() ({
      %run_scoped3A = tpu.sem_alloc : memref<!tpu.dma_semaphore, #tpu.memory_space<semaphore_mem>>
      %dma_start3A = arith.constant 0 : i32
      %dma_start3A_21 = arith.constant 0 : i32
      %dma_start3A_22 = tpu.memref_slice %arg2[%add3A, %dma_start3A, %dma_start3A_21] : memref<32x80x128xi32, #tpu.memory_space<hbm>> -> memref<1x80x128xi32, #tpu.memory_space<hbm>>
      %dma_start3A_23 = tpu.memref_squeeze %dma_start3A_22 : memref<1x80x128xi32, #tpu.memory_space<hbm>> -> memref<80x128xi32, #tpu.memory_space<hbm>>
      %dma_start3A_24 = arith.constant 0 : i32
      %dma_start3A_25 = arith.constant 0 : i32
      %dma_start3A_26 = tpu.memref_slice %arg2[%add3A, %dma_start3A_24, %dma_start3A_25] : memref<32x80x128xi32, #tpu.memory_space<hbm>> -> memref<1x80x128xi32, #tpu.memory_space<hbm>>
      %dma_start3A_27 = tpu.memref_squeeze %dma_start3A_26 : memref<1x80x128xi32, #tpu.memory_space<hbm>> -> memref<80x128xi32, #tpu.memory_space<hbm>>
      tpu.enqueue_dma source(%dma_start3A_27 : memref<80x128xi32, #tpu.memory_space<hbm>>) target(%arg4 : memref<80x128xi32, #tpu.memory_space<vmem>>) target_semaphore(%run_scoped3A : memref<!tpu.dma_semaphore, #tpu.memory_space<semaphore_mem>>)
      %dma_wait3A = arith.constant 0 : i32
      %dma_wait3A_28 = arith.constant 0 : i32
      %dma_wait3A_29 = tpu.memref_slice %arg2[%add3A, %dma_wait3A, %dma_wait3A_28] : memref<32x80x128xi32, #tpu.memory_space<hbm>> -> memref<1x80x128xi32, #tpu.memory_space<hbm>>
      %dma_wait3A_30 = tpu.memref_squeeze %dma_wait3A_29 : memref<1x80x128xi32, #tpu.memory_space<hbm>> -> memref<80x128xi32, #tpu.memory_space<hbm>>
      %dma_wait3A_31 = arith.constant 0 : i32
      %dma_wait3A_32 = arith.constant 0 : i32
      %dma_wait3A_33 = tpu.memref_slice %arg2[%add3A, %dma_wait3A_31, %dma_wait3A_32] : memref<32x80x128xi32, #tpu.memory_space<hbm>> -> memref<1x80x128xi32, #tpu.memory_space<hbm>>
      %dma_wait3A_34 = tpu.memref_squeeze %dma_wait3A_33 : memref<1x80x128xi32, #tpu.memory_space<hbm>> -> memref<80x128xi32, #tpu.memory_space<hbm>>
      tpu.wait_dma2 semaphore(%run_scoped3A : memref<!tpu.dma_semaphore, #tpu.memory_space<semaphore_mem>>) src(%dma_wait3A_34 : memref<80x128xi32, #tpu.memory_space<hbm>>) dst(%arg4 : memref<80x128xi32, #tpu.memory_space<vmem>>)
      tpu.yield
    }) : () -> ()
    %barrier3A = arith.constant 0 : index
    tpu.barrier barrier_id(%barrier3A)
    %scan3A_14 = arith.constant 0 : i32
    %scan3A_15 = arith.constant 0 : i32
    %scan3A_16 = arith.constant 80 : i32
    %scan3A_17 = arith.addi %scan3A_15, %scan3A_16 : i32
    %scan3A_18 = arith.constant 1 : i32
    scf.for %scan3A_21 = %scan3A_15 to %scan3A_17 step %scan3A_18  : i32 {
      "tpu.region"() ({
        %run_scoped3A = tpu.sem_alloc : memref<!tpu.dma_semaphore, #tpu.memory_space<semaphore_mem>>
        %dma_start3A = arith.constant 0 : i32
        %dma_start3A_22 = tpu.memref_slice %arg4[%scan3A_21, %dma_start3A] : memref<80x128xi32, #tpu.memory_space<vmem>> -> memref<1x128xi32, #tpu.memory_space<vmem>>
        %dma_start3A_23 = tpu.memref_squeeze %dma_start3A_22 : memref<1x128xi32, #tpu.memory_space<vmem>> -> memref<128xi32, #tpu.memory_space<vmem>>
        %dma_start3A_24 = arith.constant 0 : i32
        %dma_start3A_25 = arith.constant 0 : i32
        %dma_start3A_26 = tpu.memref_slice %arg7[%dma_start3A_24, %dma_start3A_25] : memref<10240x16xf32, #tpu.memory_space<vmem_shared>> -> memref<10240x16xf32, #tpu.memory_space<vmem_shared>>
        tpu.enqueue_indirect_dma source(%arg5 : memref<128x16xf32, #tpu.memory_space<vmem>>) target(%dma_start3A_26 : memref<10240x16xf32, #tpu.memory_space<vmem_shared>>) offsets(%dma_start3A_23 : memref<128xi32, #tpu.memory_space<vmem>>) semaphore(%run_scoped3A : memref<!tpu.dma_semaphore, #tpu.memory_space<semaphore_mem>>) {add = true}
        %dma_wait3A = arith.constant 0 : i32
        %dma_wait3A_27 = tpu.memref_slice %arg4[%scan3A_21, %dma_wait3A] : memref<80x128xi32, #tpu.memory_space<vmem>> -> memref<1x128xi32, #tpu.memory_space<vmem>>
        %dma_wait3A_28 = tpu.memref_squeeze %dma_wait3A_27 : memref<1x128xi32, #tpu.memory_space<vmem>> -> memref<128xi32, #tpu.memory_space<vmem>>
        %dma_wait3A_29 = arith.constant 0 : i32
        %dma_wait3A_30 = arith.constant 0 : i32
        %dma_wait3A_31 = tpu.memref_slice %arg7[%dma_wait3A_29, %dma_wait3A_30] : memref<10240x16xf32, #tpu.memory_space<vmem_shared>> -> memref<10240x16xf32, #tpu.memory_space<vmem_shared>>
        tpu.wait_indirect_dma semaphore(%run_scoped3A : memref<!tpu.dma_semaphore, #tpu.memory_space<semaphore_mem>>) src(%arg5 : memref<128x16xf32, #tpu.memory_space<vmem>>) dst(%dma_wait3A_31 : memref<10240x16xf32, #tpu.memory_space<vmem_shared>>)
        tpu.yield
      }) : () -> ()
    }
    %scan3A_19 = arith.constant 80 : i32
    %barrier3A_20 = arith.constant 0 : index
    tpu.barrier barrier_id(%barrier3A_20)
    "tpu.region"() ({
      %run_scoped3A = tpu.sem_alloc : memref<!tpu.dma_semaphore, #tpu.memory_space<semaphore_mem>>
      %dma_start3A = arith.constant 0 : i32
      %dma_start3A_21 = tpu.memref_slice %arg3[%arg0, %mul3A_2, %dma_start3A] : memref<2x10240x16xf32, #tpu.memory_space<hbm>> -> memref<1x640x16xf32, #tpu.memory_space<hbm>>
      %dma_start3A_22 = tpu.memref_squeeze %dma_start3A_21 : memref<1x640x16xf32, #tpu.memory_space<hbm>> -> memref<640x16xf32, #tpu.memory_space<hbm>>
      %dma_start3A_23 = arith.constant 0 : i32
      %dma_start3A_24 = tpu.memref_slice %arg7[%mul3A_2, %dma_start3A_23] : memref<10240x16xf32, #tpu.memory_space<vmem_shared>> -> memref<640x16xf32, #tpu.memory_space<vmem_shared>>
      tpu.enqueue_dma source(%dma_start3A_24 : memref<640x16xf32, #tpu.memory_space<vmem_shared>>) target(%dma_start3A_22 : memref<640x16xf32, #tpu.memory_space<hbm>>) target_semaphore(%run_scoped3A : memref<!tpu.dma_semaphore, #tpu.memory_space<semaphore_mem>>)
      %dma_wait3A = arith.constant 0 : i32
      %dma_wait3A_25 = tpu.memref_slice %arg3[%arg0, %mul3A_2, %dma_wait3A] : memref<2x10240x16xf32, #tpu.memory_space<hbm>> -> memref<1x640x16xf32, #tpu.memory_space<hbm>>
      %dma_wait3A_26 = tpu.memref_squeeze %dma_wait3A_25 : memref<1x640x16xf32, #tpu.memory_space<hbm>> -> memref<640x16xf32, #tpu.memory_space<hbm>>
      %dma_wait3A_27 = arith.constant 0 : i32
      %dma_wait3A_28 = tpu.memref_slice %arg7[%mul3A_2, %dma_wait3A_27] : memref<10240x16xf32, #tpu.memory_space<vmem_shared>> -> memref<640x16xf32, #tpu.memory_space<vmem_shared>>
      tpu.wait_dma2 semaphore(%run_scoped3A : memref<!tpu.dma_semaphore, #tpu.memory_space<semaphore_mem>>) src(%dma_wait3A_28 : memref<640x16xf32, #tpu.memory_space<vmem_shared>>) dst(%dma_wait3A_26 : memref<640x16xf32, #tpu.memory_space<hbm>>)
      tpu.yield
    }) : () -> ()
    return
  }
}

#map = affine_map<(d0, d1) -> (0, 0)>
#map1 = affine_map<(d0, d1) -> (0, 0, 0)>
module attributes {stable_mosaic.version = 14 : i64} {
  func.func @_sc_agg(%arg0: i32, %arg1: i32, %arg2: memref<10000x128xf32, #tpu.memory_space<hbm>>, %arg3: memref<32x80x128xi32, #tpu.memory_space<hbm>>, %arg4: memref<32x80x128xi32, #tpu.memory_space<hbm>>, %arg5: memref<2x10240x128xf32, #tpu.memory_space<hbm>>, %arg6: memref<8x128xi32, #tpu.memory_space<vmem>>, %arg7: memref<8x128xi32, #tpu.memory_space<vmem>>, %arg8: memref<2x128x128xf32, #tpu.memory_space<vmem>>, %arg9: memref<10240x128xf32, #tpu.memory_space<vmem_shared>>, %arg10: memref<!tpu.dma_semaphore, #tpu.memory_space<semaphore_mem>>, %arg11: memref<!tpu.dma_semaphore, #tpu.memory_space<semaphore_mem>>, %arg12: memref<!tpu.dma_semaphore, #tpu.memory_space<semaphore_mem>>, %arg13: memref<!tpu.dma_semaphore, #tpu.memory_space<semaphore_mem>>, %arg14: memref<!tpu.dma_semaphore, #tpu.memory_space<semaphore_mem>>, %arg15: memref<!tpu.dma_semaphore, #tpu.memory_space<semaphore_mem>>) attributes {dimension_semantics = [#tpu.dimension_semantics<core_parallel>, #tpu.dimension_semantics<subcore_parallel>], iteration_bounds = array<i64: 2, 16>, scalar_prefetch = 0 : i64, scratch_operands = 10 : i64, tpu.core_type = #tpu.core_type<sc_vector_subcore>, window_params = [{transform_indices = #map}, {transform_indices = #map1}, {transform_indices = #map1}, {transform_indices = #map1}]} {
    %mul3A = arith.constant 16 : i32
    %mul3A_0 = arith.muli %arg0, %mul3A : i32
    %add3A = arith.addi %mul3A_0, %arg1 : i32
    %mul3A_1 = arith.constant 640 : i32
    %mul3A_2 = arith.muli %arg1, %mul3A_1 : i32
    %scan3A = arith.constant 0 : i32
    %scan3A_3 = arith.constant 0 : i32
    %scan3A_4 = arith.constant 128 : i32
    %scan3A_5 = arith.addi %scan3A_3, %scan3A_4 : i32
    %scan3A_6 = arith.constant 1 : i32
    scf.for %scan3A_408 = %scan3A_3 to %scan3A_5 step %scan3A_6  : i32 {
      %broadcast_in_dim3A = arith.constant 0.000000e+00 : f32
      %broadcast_in_dim3A_409 = vector.broadcast %broadcast_in_dim3A : f32 to vector<16xf32>
      %swap3A = arith.constant 0 : i32
      %swap3A_410 = arith.index_cast %swap3A : i32 to index
      %swap3A_411 = arith.index_cast %scan3A_408 : i32 to index
      %swap3A_412 = arith.constant 0 : index
      %swap3A_413 = tpu.vector_load %arg8[%swap3A_410, %swap3A_411, %swap3A_412] {strides = array<i32>} : memref<2x128x128xf32, #tpu.memory_space<vmem>>, vector<1x1x16xf32>,
      %swap3A_414 = vector.shape_cast %swap3A_413 : vector<1x1x16xf32> to vector<16xf32>
      %swap3A_415 = vector.shape_cast %broadcast_in_dim3A_409 : vector<16xf32> to vector<1x1x16xf32>
      tpu.vector_store %arg8[%swap3A_410, %swap3A_411, %swap3A_412], %swap3A_415 {strides = array<i32>} : memref<2x128x128xf32, #tpu.memory_space<vmem>>, vector<1x1x16xf32>,
      %broadcast_in_dim3A_416 = arith.constant 0.000000e+00 : f32
      %broadcast_in_dim3A_417 = vector.broadcast %broadcast_in_dim3A_416 : f32 to vector<16xf32>
      %swap3A_418 = arith.constant 0 : i32
      %swap3A_419 = arith.index_cast %swap3A_418 : i32 to index
      %swap3A_420 = arith.index_cast %scan3A_408 : i32 to index
      %swap3A_421 = arith.constant 16 : index
      %swap3A_422 = tpu.vector_load %arg8[%swap3A_419, %swap3A_420, %swap3A_421] {strides = array<i32>} : memref<2x128x128xf32, #tpu.memory_space<vmem>>, vector<1x1x16xf32>,
      %swap3A_423 = vector.shape_cast %swap3A_422 : vector<1x1x16xf32> to vector<16xf32>
      %swap3A_424 = vector.shape_cast %broadcast_in_dim3A_417 : vector<16xf32> to vector<1x1x16xf32>
      tpu.vector_store %arg8[%swap3A_419, %swap3A_420, %swap3A_421], %swap3A_424 {strides = array<i32>} : memref<2x128x128xf32, #tpu.memory_space<vmem>>, vector<1x1x16xf32>,
      %broadcast_in_dim3A_425 = arith.constant 0.000000e+00 : f32
      %broadcast_in_dim3A_426 = vector.broadcast %broadcast_in_dim3A_425 : f32 to vector<16xf32>
      %swap3A_427 = arith.constant 0 : i32
      %swap3A_428 = arith.index_cast %swap3A_427 : i32 to index
      %swap3A_429 = arith.index_cast %scan3A_408 : i32 to index
      %swap3A_430 = arith.constant 32 : index
      %swap3A_431 = tpu.vector_load %arg8[%swap3A_428, %swap3A_429, %swap3A_430] {strides = array<i32>} : memref<2x128x128xf32, #tpu.memory_space<vmem>>, vector<1x1x16xf32>,
      %swap3A_432 = vector.shape_cast %swap3A_431 : vector<1x1x16xf32> to vector<16xf32>
      %swap3A_433 = vector.shape_cast %broadcast_in_dim3A_426 : vector<16xf32> to vector<1x1x16xf32>
      tpu.vector_store %arg8[%swap3A_428, %swap3A_429, %swap3A_430], %swap3A_433 {strides = array<i32>} : memref<2x128x128xf32, #tpu.memory_space<vmem>>, vector<1x1x16xf32>,
      %broadcast_in_dim3A_434 = arith.constant 0.000000e+00 : f32
      %broadcast_in_dim3A_435 = vector.broadcast %broadcast_in_dim3A_434 : f32 to vector<16xf32>
      %swap3A_436 = arith.constant 0 : i32
      %swap3A_437 = arith.index_cast %swap3A_436 : i32 to index
      %swap3A_438 = arith.index_cast %scan3A_408 : i32 to index
      %swap3A_439 = arith.constant 48 : index
      %swap3A_440 = tpu.vector_load %arg8[%swap3A_437, %swap3A_438, %swap3A_439] {strides = array<i32>} : memref<2x128x128xf32, #tpu.memory_space<vmem>>, vector<1x1x16xf32>,
      %swap3A_441 = vector.shape_cast %swap3A_440 : vector<1x1x16xf32> to vector<16xf32>
      %swap3A_442 = vector.shape_cast %broadcast_in_dim3A_435 : vector<16xf32> to vector<1x1x16xf32>
      tpu.vector_store %arg8[%swap3A_437, %swap3A_438, %swap3A_439], %swap3A_442 {strides = array<i32>} : memref<2x128x128xf32, #tpu.memory_space<vmem>>, vector<1x1x16xf32>,
      %broadcast_in_dim3A_443 = arith.constant 0.000000e+00 : f32
      %broadcast_in_dim3A_444 = vector.broadcast %broadcast_in_dim3A_443 : f32 to vector<16xf32>
      %swap3A_445 = arith.constant 0 : i32
      %swap3A_446 = arith.index_cast %swap3A_445 : i32 to index
      %swap3A_447 = arith.index_cast %scan3A_408 : i32 to index
      %swap3A_448 = arith.constant 64 : index
      %swap3A_449 = tpu.vector_load %arg8[%swap3A_446, %swap3A_447, %swap3A_448] {strides = array<i32>} : memref<2x128x128xf32, #tpu.memory_space<vmem>>, vector<1x1x16xf32>,
      %swap3A_450 = vector.shape_cast %swap3A_449 : vector<1x1x16xf32> to vector<16xf32>
      %swap3A_451 = vector.shape_cast %broadcast_in_dim3A_444 : vector<16xf32> to vector<1x1x16xf32>
      tpu.vector_store %arg8[%swap3A_446, %swap3A_447, %swap3A_448], %swap3A_451 {strides = array<i32>} : memref<2x128x128xf32, #tpu.memory_space<vmem>>, vector<1x1x16xf32>,
      %broadcast_in_dim3A_452 = arith.constant 0.000000e+00 : f32
      %broadcast_in_dim3A_453 = vector.broadcast %broadcast_in_dim3A_452 : f32 to vector<16xf32>
      %swap3A_454 = arith.constant 0 : i32
      %swap3A_455 = arith.index_cast %swap3A_454 : i32 to index
      %swap3A_456 = arith.index_cast %scan3A_408 : i32 to index
      %swap3A_457 = arith.constant 80 : index
      %swap3A_458 = tpu.vector_load %arg8[%swap3A_455, %swap3A_456, %swap3A_457] {strides = array<i32>} : memref<2x128x128xf32, #tpu.memory_space<vmem>>, vector<1x1x16xf32>,
      %swap3A_459 = vector.shape_cast %swap3A_458 : vector<1x1x16xf32> to vector<16xf32>
      %swap3A_460 = vector.shape_cast %broadcast_in_dim3A_453 : vector<16xf32> to vector<1x1x16xf32>
      tpu.vector_store %arg8[%swap3A_455, %swap3A_456, %swap3A_457], %swap3A_460 {strides = array<i32>} : memref<2x128x128xf32, #tpu.memory_space<vmem>>, vector<1x1x16xf32>,
      %broadcast_in_dim3A_461 = arith.constant 0.000000e+00 : f32
      %broadcast_in_dim3A_462 = vector.broadcast %broadcast_in_dim3A_461 : f32 to vector<16xf32>
      %swap3A_463 = arith.constant 0 : i32
      %swap3A_464 = arith.index_cast %swap3A_463 : i32 to index
      %swap3A_465 = arith.index_cast %scan3A_408 : i32 to index
      %swap3A_466 = arith.constant 96 : index
      %swap3A_467 = tpu.vector_load %arg8[%swap3A_464, %swap3A_465, %swap3A_466] {strides = array<i32>} : memref<2x128x128xf32, #tpu.memory_space<vmem>>, vector<1x1x16xf32>,
      %swap3A_468 = vector.shape_cast %swap3A_467 : vector<1x1x16xf32> to vector<16xf32>
      %swap3A_469 = vector.shape_cast %broadcast_in_dim3A_462 : vector<16xf32> to vector<1x1x16xf32>
      tpu.vector_store %arg8[%swap3A_464, %swap3A_465, %swap3A_466], %swap3A_469 {strides = array<i32>} : memref<2x128x128xf32, #tpu.memory_space<vmem>>, vector<1x1x16xf32>,
      %broadcast_in_dim3A_470 = arith.constant 0.000000e+00 : f32
      %broadcast_in_dim3A_471 = vector.broadcast %broadcast_in_dim3A_470 : f32 to vector<16xf32>
      %swap3A_472 = arith.constant 0 : i32
      %swap3A_473 = arith.index_cast %swap3A_472 : i32 to index
      %swap3A_474 = arith.index_cast %scan3A_408 : i32 to index
      %swap3A_475 = arith.constant 112 : index
      %swap3A_476 = tpu.vector_load %arg8[%swap3A_473, %swap3A_474, %swap3A_475] {strides = array<i32>} : memref<2x128x128xf32, #tpu.memory_space<vmem>>, vector<1x1x16xf32>,
      %swap3A_477 = vector.shape_cast %swap3A_476 : vector<1x1x16xf32> to vector<16xf32>
      %swap3A_478 = vector.shape_cast %broadcast_in_dim3A_471 : vector<16xf32> to vector<1x1x16xf32>
      tpu.vector_store %arg8[%swap3A_473, %swap3A_474, %swap3A_475], %swap3A_478 {strides = array<i32>} : memref<2x128x128xf32, #tpu.memory_space<vmem>>, vector<1x1x16xf32>,
    }
    %scan3A_7 = arith.constant 128 : i32
    %scan3A_8 = arith.constant 0 : i32
    %scan3A_9 = arith.constant 0 : i32
    %scan3A_10 = arith.constant 5 : i32
    %scan3A_11 = arith.addi %scan3A_9, %scan3A_10 : i32
    %scan3A_12 = arith.constant 1 : i32
    scf.for %scan3A_408 = %scan3A_9 to %scan3A_11 step %scan3A_12  : i32 {
      %mul3A_409 = arith.constant 128 : i32
      %mul3A_410 = arith.muli %scan3A_408, %mul3A_409 : i32
      %add3A_411 = arith.addi %mul3A_2, %mul3A_410 : i32
      %run_scoped3A = arith.constant 0 : i32
      "tpu.region"() ({
        %run_scoped3A_412 = tpu.sem_alloc : memref<!tpu.dma_semaphore, #tpu.memory_space<semaphore_mem>>
        %dma_start3A_413 = arith.constant 0 : i32
        %dma_start3A_414 = arith.constant 0 : i32
        %dma_start3A_415 = tpu.memref_slice %arg8[%run_scoped3A, %dma_start3A_413, %dma_start3A_414] : memref<2x128x128xf32, #tpu.memory_space<vmem>> -> memref<1x128x128xf32, #tpu.memory_space<vmem>>
        %dma_start3A_416 = tpu.memref_squeeze %dma_start3A_415 : memref<1x128x128xf32, #tpu.memory_space<vmem>> -> memref<128x128xf32, #tpu.memory_space<vmem>>
        %dma_start3A_417 = arith.constant 0 : i32
        %dma_start3A_418 = tpu.memref_slice %arg9[%add3A_411, %dma_start3A_417] : memref<10240x128xf32, #tpu.memory_space<vmem_shared>> -> memref<128x128xf32, #tpu.memory_space<vmem_shared>>
        %dma_start3A_419 = arith.constant 0 : i32
        %dma_start3A_420 = tpu.memref_slice %arg9[%add3A_411, %dma_start3A_419] : memref<10240x128xf32, #tpu.memory_space<vmem_shared>> -> memref<128x128xf32, #tpu.memory_space<vmem_shared>>
        %dma_start3A_421 = arith.constant 0 : i32
        %dma_start3A_422 = arith.constant 0 : i32
        %dma_start3A_423 = tpu.memref_slice %arg8[%run_scoped3A, %dma_start3A_421, %dma_start3A_422] : memref<2x128x128xf32, #tpu.memory_space<vmem>> -> memref<1x128x128xf32, #tpu.memory_space<vmem>>
        %dma_start3A_424 = tpu.memref_squeeze %dma_start3A_423 : memref<1x128x128xf32, #tpu.memory_space<vmem>> -> memref<128x128xf32, #tpu.memory_space<vmem>>
        tpu.enqueue_dma source(%dma_start3A_424 : memref<128x128xf32, #tpu.memory_space<vmem>>) target(%dma_start3A_420 : memref<128x128xf32, #tpu.memory_space<vmem_shared>>) target_semaphore(%run_scoped3A_412 : memref<!tpu.dma_semaphore, #tpu.memory_space<semaphore_mem>>)
        %dma_wait3A_425 = arith.constant 0 : i32
        %dma_wait3A_426 = arith.constant 0 : i32
        %dma_wait3A_427 = tpu.memref_slice %arg8[%run_scoped3A, %dma_wait3A_425, %dma_wait3A_426] : memref<2x128x128xf32, #tpu.memory_space<vmem>> -> memref<1x128x128xf32, #tpu.memory_space<vmem>>
        %dma_wait3A_428 = tpu.memref_squeeze %dma_wait3A_427 : memref<1x128x128xf32, #tpu.memory_space<vmem>> -> memref<128x128xf32, #tpu.memory_space<vmem>>
        %dma_wait3A_429 = arith.constant 0 : i32
        %dma_wait3A_430 = tpu.memref_slice %arg9[%add3A_411, %dma_wait3A_429] : memref<10240x128xf32, #tpu.memory_space<vmem_shared>> -> memref<128x128xf32, #tpu.memory_space<vmem_shared>>
        %dma_wait3A_431 = arith.constant 0 : i32
        %dma_wait3A_432 = tpu.memref_slice %arg9[%add3A_411, %dma_wait3A_431] : memref<10240x128xf32, #tpu.memory_space<vmem_shared>> -> memref<128x128xf32, #tpu.memory_space<vmem_shared>>
        %dma_wait3A_433 = arith.constant 0 : i32
        %dma_wait3A_434 = arith.constant 0 : i32
        %dma_wait3A_435 = tpu.memref_slice %arg8[%run_scoped3A, %dma_wait3A_433, %dma_wait3A_434] : memref<2x128x128xf32, #tpu.memory_space<vmem>> -> memref<1x128x128xf32, #tpu.memory_space<vmem>>
        %dma_wait3A_436 = tpu.memref_squeeze %dma_wait3A_435 : memref<1x128x128xf32, #tpu.memory_space<vmem>> -> memref<128x128xf32, #tpu.memory_space<vmem>>
        tpu.wait_dma2 semaphore(%run_scoped3A_412 : memref<!tpu.dma_semaphore, #tpu.memory_space<semaphore_mem>>) src(%dma_wait3A_436 : memref<128x128xf32, #tpu.memory_space<vmem>>) dst(%dma_wait3A_432 : memref<128x128xf32, #tpu.memory_space<vmem_shared>>)
        tpu.yield
      }) : () -> ()
    }
    %scan3A_13 = arith.constant 5 : i32
    %barrier3A = arith.constant 0 : index
    tpu.barrier barrier_id(%barrier3A)
    %min3A = arith.constant 0 : i32
    %min3A_14 = arith.constant 79 : i32
    %min3A_15 = arith.minsi %min3A, %min3A_14 : i32
    %rem3A = arith.constant 8 : i32
    %rem3A_16 = arith.remsi %min3A_15, %rem3A : i32
    %dma_start3A = arith.constant 0 : i32
    %dma_start3A_17 = tpu.memref_slice %arg6[%rem3A_16, %dma_start3A] : memref<8x128xi32, #tpu.memory_space<vmem>> -> memref<1x128xi32, #tpu.memory_space<vmem>>
    %dma_start3A_18 = tpu.memref_squeeze %dma_start3A_17 : memref<1x128xi32, #tpu.memory_space<vmem>> -> memref<128xi32, #tpu.memory_space<vmem>>
    %dma_start3A_19 = arith.constant 0 : i32
    %dma_start3A_20 = tpu.memref_slice %arg3[%add3A, %min3A_15, %dma_start3A_19] : memref<32x80x128xi32, #tpu.memory_space<hbm>> -> memref<1x1x128xi32, #tpu.memory_space<hbm>>
    %dma_start3A_21 = tpu.memref_squeeze %dma_start3A_20 : memref<1x1x128xi32, #tpu.memory_space<hbm>> -> memref<128xi32, #tpu.memory_space<hbm>>
    %dma_start3A_22 = arith.constant 0 : i32
    %dma_start3A_23 = tpu.memref_slice %arg6[%rem3A_16, %dma_start3A_22] : memref<8x128xi32, #tpu.memory_space<vmem>> -> memref<1x128xi32, #tpu.memory_space<vmem>>
    %dma_start3A_24 = tpu.memref_squeeze %dma_start3A_23 : memref<1x128xi32, #tpu.memory_space<vmem>> -> memref<128xi32, #tpu.memory_space<vmem>>
    %dma_start3A_25 = arith.constant 0 : i32
    %dma_start3A_26 = tpu.memref_slice %arg3[%add3A, %min3A_15, %dma_start3A_25] : memref<32x80x128xi32, #tpu.memory_space<hbm>> -> memref<1x1x128xi32, #tpu.memory_space<hbm>>
    %dma_start3A_27 = tpu.memref_squeeze %dma_start3A_26 : memref<1x1x128xi32, #tpu.memory_space<hbm>> -> memref<128xi32, #tpu.memory_space<hbm>>
    tpu.enqueue_dma source(%dma_start3A_27 : memref<128xi32, #tpu.memory_space<hbm>>) target(%dma_start3A_24 : memref<128xi32, #tpu.memory_space<vmem>>) target_semaphore(%arg14 : memref<!tpu.dma_semaphore, #tpu.memory_space<semaphore_mem>>)
    %dma_start3A_28 = arith.constant 0 : i32
    %dma_start3A_29 = tpu.memref_slice %arg7[%rem3A_16, %dma_start3A_28] : memref<8x128xi32, #tpu.memory_space<vmem>> -> memref<1x128xi32, #tpu.memory_space<vmem>>
    %dma_start3A_30 = tpu.memref_squeeze %dma_start3A_29 : memref<1x128xi32, #tpu.memory_space<vmem>> -> memref<128xi32, #tpu.memory_space<vmem>>
    %dma_start3A_31 = arith.constant 0 : i32
    %dma_start3A_32 = tpu.memref_slice %arg4[%add3A, %min3A_15, %dma_start3A_31] : memref<32x80x128xi32, #tpu.memory_space<hbm>> -> memref<1x1x128xi32, #tpu.memory_space<hbm>>
    %dma_start3A_33 = tpu.memref_squeeze %dma_start3A_32 : memref<1x1x128xi32, #tpu.memory_space<hbm>> -> memref<128xi32, #tpu.memory_space<hbm>>
    %dma_start3A_34 = arith.constant 0 : i32
    %dma_start3A_35 = tpu.memref_slice %arg7[%rem3A_16, %dma_start3A_34] : memref<8x128xi32, #tpu.memory_space<vmem>> -> memref<1x128xi32, #tpu.memory_space<vmem>>
    %dma_start3A_36 = tpu.memref_squeeze %dma_start3A_35 : memref<1x128xi32, #tpu.memory_space<vmem>> -> memref<128xi32, #tpu.memory_space<vmem>>
    %dma_start3A_37 = arith.constant 0 : i32
    %dma_start3A_38 = tpu.memref_slice %arg4[%add3A, %min3A_15, %dma_start3A_37] : memref<32x80x128xi32, #tpu.memory_space<hbm>> -> memref<1x1x128xi32, #tpu.memory_space<hbm>>
    %dma_start3A_39 = tpu.memref_squeeze %dma_start3A_38 : memref<1x1x128xi32, #tpu.memory_space<hbm>> -> memref<128xi32, #tpu.memory_space<hbm>>
    tpu.enqueue_dma source(%dma_start3A_39 : memref<128xi32, #tpu.memory_space<hbm>>) target(%dma_start3A_36 : memref<128xi32, #tpu.memory_space<vmem>>) target_semaphore(%arg15 : memref<!tpu.dma_semaphore, #tpu.memory_space<semaphore_mem>>)
    %min3A_40 = arith.constant 1 : i32
    %min3A_41 = arith.constant 79 : i32
    %min3A_42 = arith.minsi %min3A_40, %min3A_41 : i32
    %rem3A_43 = arith.constant 8 : i32
    %rem3A_44 = arith.remsi %min3A_42, %rem3A_43 : i32
    %dma_start3A_45 = arith.constant 0 : i32
    %dma_start3A_46 = tpu.memref_slice %arg6[%rem3A_44, %dma_start3A_45] : memref<8x128xi32, #tpu.memory_space<vmem>> -> memref<1x128xi32, #tpu.memory_space<vmem>>
    %dma_start3A_47 = tpu.memref_squeeze %dma_start3A_46 : memref<1x128xi32, #tpu.memory_space<vmem>> -> memref<128xi32, #tpu.memory_space<vmem>>
    %dma_start3A_48 = arith.constant 0 : i32
    %dma_start3A_49 = tpu.memref_slice %arg3[%add3A, %min3A_42, %dma_start3A_48] : memref<32x80x128xi32, #tpu.memory_space<hbm>> -> memref<1x1x128xi32, #tpu.memory_space<hbm>>
    %dma_start3A_50 = tpu.memref_squeeze %dma_start3A_49 : memref<1x1x128xi32, #tpu.memory_space<hbm>> -> memref<128xi32, #tpu.memory_space<hbm>>
    %dma_start3A_51 = arith.constant 0 : i32
    %dma_start3A_52 = tpu.memref_slice %arg6[%rem3A_44, %dma_start3A_51] : memref<8x128xi32, #tpu.memory_space<vmem>> -> memref<1x128xi32, #tpu.memory_space<vmem>>
    %dma_start3A_53 = tpu.memref_squeeze %dma_start3A_52 : memref<1x128xi32, #tpu.memory_space<vmem>> -> memref<128xi32, #tpu.memory_space<vmem>>
    %dma_start3A_54 = arith.constant 0 : i32
    %dma_start3A_55 = tpu.memref_slice %arg3[%add3A, %min3A_42, %dma_start3A_54] : memref<32x80x128xi32, #tpu.memory_space<hbm>> -> memref<1x1x128xi32, #tpu.memory_space<hbm>>
    %dma_start3A_56 = tpu.memref_squeeze %dma_start3A_55 : memref<1x1x128xi32, #tpu.memory_space<hbm>> -> memref<128xi32, #tpu.memory_space<hbm>>
    tpu.enqueue_dma source(%dma_start3A_56 : memref<128xi32, #tpu.memory_space<hbm>>) target(%dma_start3A_53 : memref<128xi32, #tpu.memory_space<vmem>>) target_semaphore(%arg14 : memref<!tpu.dma_semaphore, #tpu.memory_space<semaphore_mem>>)
    %dma_start3A_57 = arith.constant 0 : i32
    %dma_start3A_58 = tpu.memref_slice %arg7[%rem3A_44, %dma_start3A_57] : memref<8x128xi32, #tpu.memory_space<vmem>> -> memref<1x128xi32, #tpu.memory_space<vmem>>
    %dma_start3A_59 = tpu.memref_squeeze %dma_start3A_58 : memref<1x128xi32, #tpu.memory_space<vmem>> -> memref<128xi32, #tpu.memory_space<vmem>>
    %dma_start3A_60 = arith.constant 0 : i32
    %dma_start3A_61 = tpu.memref_slice %arg4[%add3A, %min3A_42, %dma_start3A_60] : memref<32x80x128xi32, #tpu.memory_space<hbm>> -> memref<1x1x128xi32, #tpu.memory_space<hbm>>
    %dma_start3A_62 = tpu.memref_squeeze %dma_start3A_61 : memref<1x1x128xi32, #tpu.memory_space<hbm>> -> memref<128xi32, #tpu.memory_space<hbm>>
    %dma_start3A_63 = arith.constant 0 : i32
    %dma_start3A_64 = tpu.memref_slice %arg7[%rem3A_44, %dma_start3A_63] : memref<8x128xi32, #tpu.memory_space<vmem>> -> memref<1x128xi32, #tpu.memory_space<vmem>>
    %dma_start3A_65 = tpu.memref_squeeze %dma_start3A_64 : memref<1x128xi32, #tpu.memory_space<vmem>> -> memref<128xi32, #tpu.memory_space<vmem>>
    %dma_start3A_66 = arith.constant 0 : i32
    %dma_start3A_67 = tpu.memref_slice %arg4[%add3A, %min3A_42, %dma_start3A_66] : memref<32x80x128xi32, #tpu.memory_space<hbm>> -> memref<1x1x128xi32, #tpu.memory_space<hbm>>
    %dma_start3A_68 = tpu.memref_squeeze %dma_start3A_67 : memref<1x1x128xi32, #tpu.memory_space<hbm>> -> memref<128xi32, #tpu.memory_space<hbm>>
    tpu.enqueue_dma source(%dma_start3A_68 : memref<128xi32, #tpu.memory_space<hbm>>) target(%dma_start3A_65 : memref<128xi32, #tpu.memory_space<vmem>>) target_semaphore(%arg15 : memref<!tpu.dma_semaphore, #tpu.memory_space<semaphore_mem>>)
    %min3A_69 = arith.constant 2 : i32
    %min3A_70 = arith.constant 79 : i32
    %min3A_71 = arith.minsi %min3A_69, %min3A_70 : i32
    %rem3A_72 = arith.constant 8 : i32
    %rem3A_73 = arith.remsi %min3A_71, %rem3A_72 : i32
    %dma_start3A_74 = arith.constant 0 : i32
    %dma_start3A_75 = tpu.memref_slice %arg6[%rem3A_73, %dma_start3A_74] : memref<8x128xi32, #tpu.memory_space<vmem>> -> memref<1x128xi32, #tpu.memory_space<vmem>>
    %dma_start3A_76 = tpu.memref_squeeze %dma_start3A_75 : memref<1x128xi32, #tpu.memory_space<vmem>> -> memref<128xi32, #tpu.memory_space<vmem>>
    %dma_start3A_77 = arith.constant 0 : i32
    %dma_start3A_78 = tpu.memref_slice %arg3[%add3A, %min3A_71, %dma_start3A_77] : memref<32x80x128xi32, #tpu.memory_space<hbm>> -> memref<1x1x128xi32, #tpu.memory_space<hbm>>
    %dma_start3A_79 = tpu.memref_squeeze %dma_start3A_78 : memref<1x1x128xi32, #tpu.memory_space<hbm>> -> memref<128xi32, #tpu.memory_space<hbm>>
    %dma_start3A_80 = arith.constant 0 : i32
    %dma_start3A_81 = tpu.memref_slice %arg6[%rem3A_73, %dma_start3A_80] : memref<8x128xi32, #tpu.memory_space<vmem>> -> memref<1x128xi32, #tpu.memory_space<vmem>>
    %dma_start3A_82 = tpu.memref_squeeze %dma_start3A_81 : memref<1x128xi32, #tpu.memory_space<vmem>> -> memref<128xi32, #tpu.memory_space<vmem>>
    %dma_start3A_83 = arith.constant 0 : i32
    %dma_start3A_84 = tpu.memref_slice %arg3[%add3A, %min3A_71, %dma_start3A_83] : memref<32x80x128xi32, #tpu.memory_space<hbm>> -> memref<1x1x128xi32, #tpu.memory_space<hbm>>
    %dma_start3A_85 = tpu.memref_squeeze %dma_start3A_84 : memref<1x1x128xi32, #tpu.memory_space<hbm>> -> memref<128xi32, #tpu.memory_space<hbm>>
    tpu.enqueue_dma source(%dma_start3A_85 : memref<128xi32, #tpu.memory_space<hbm>>) target(%dma_start3A_82 : memref<128xi32, #tpu.memory_space<vmem>>) target_semaphore(%arg14 : memref<!tpu.dma_semaphore, #tpu.memory_space<semaphore_mem>>)
    %dma_start3A_86 = arith.constant 0 : i32
    %dma_start3A_87 = tpu.memref_slice %arg7[%rem3A_73, %dma_start3A_86] : memref<8x128xi32, #tpu.memory_space<vmem>> -> memref<1x128xi32, #tpu.memory_space<vmem>>
    %dma_start3A_88 = tpu.memref_squeeze %dma_start3A_87 : memref<1x128xi32, #tpu.memory_space<vmem>> -> memref<128xi32, #tpu.memory_space<vmem>>
    %dma_start3A_89 = arith.constant 0 : i32
    %dma_start3A_90 = tpu.memref_slice %arg4[%add3A, %min3A_71, %dma_start3A_89] : memref<32x80x128xi32, #tpu.memory_space<hbm>> -> memref<1x1x128xi32, #tpu.memory_space<hbm>>
    %dma_start3A_91 = tpu.memref_squeeze %dma_start3A_90 : memref<1x1x128xi32, #tpu.memory_space<hbm>> -> memref<128xi32, #tpu.memory_space<hbm>>
    %dma_start3A_92 = arith.constant 0 : i32
    %dma_start3A_93 = tpu.memref_slice %arg7[%rem3A_73, %dma_start3A_92] : memref<8x128xi32, #tpu.memory_space<vmem>> -> memref<1x128xi32, #tpu.memory_space<vmem>>
    %dma_start3A_94 = tpu.memref_squeeze %dma_start3A_93 : memref<1x128xi32, #tpu.memory_space<vmem>> -> memref<128xi32, #tpu.memory_space<vmem>>
    %dma_start3A_95 = arith.constant 0 : i32
    %dma_start3A_96 = tpu.memref_slice %arg4[%add3A, %min3A_71, %dma_start3A_95] : memref<32x80x128xi32, #tpu.memory_space<hbm>> -> memref<1x1x128xi32, #tpu.memory_space<hbm>>
    %dma_start3A_97 = tpu.memref_squeeze %dma_start3A_96 : memref<1x1x128xi32, #tpu.memory_space<hbm>> -> memref<128xi32, #tpu.memory_space<hbm>>
    tpu.enqueue_dma source(%dma_start3A_97 : memref<128xi32, #tpu.memory_space<hbm>>) target(%dma_start3A_94 : memref<128xi32, #tpu.memory_space<vmem>>) target_semaphore(%arg15 : memref<!tpu.dma_semaphore, #tpu.memory_space<semaphore_mem>>)
    %min3A_98 = arith.constant 3 : i32
    %min3A_99 = arith.constant 79 : i32
    %min3A_100 = arith.minsi %min3A_98, %min3A_99 : i32
    %rem3A_101 = arith.constant 8 : i32
    %rem3A_102 = arith.remsi %min3A_100, %rem3A_101 : i32
    %dma_start3A_103 = arith.constant 0 : i32
    %dma_start3A_104 = tpu.memref_slice %arg6[%rem3A_102, %dma_start3A_103] : memref<8x128xi32, #tpu.memory_space<vmem>> -> memref<1x128xi32, #tpu.memory_space<vmem>>
    %dma_start3A_105 = tpu.memref_squeeze %dma_start3A_104 : memref<1x128xi32, #tpu.memory_space<vmem>> -> memref<128xi32, #tpu.memory_space<vmem>>
    %dma_start3A_106 = arith.constant 0 : i32
    %dma_start3A_107 = tpu.memref_slice %arg3[%add3A, %min3A_100, %dma_start3A_106] : memref<32x80x128xi32, #tpu.memory_space<hbm>> -> memref<1x1x128xi32, #tpu.memory_space<hbm>>
    %dma_start3A_108 = tpu.memref_squeeze %dma_start3A_107 : memref<1x1x128xi32, #tpu.memory_space<hbm>> -> memref<128xi32, #tpu.memory_space<hbm>>
    %dma_start3A_109 = arith.constant 0 : i32
    %dma_start3A_110 = tpu.memref_slice %arg6[%rem3A_102, %dma_start3A_109] : memref<8x128xi32, #tpu.memory_space<vmem>> -> memref<1x128xi32, #tpu.memory_space<vmem>>
    %dma_start3A_111 = tpu.memref_squeeze %dma_start3A_110 : memref<1x128xi32, #tpu.memory_space<vmem>> -> memref<128xi32, #tpu.memory_space<vmem>>
    %dma_start3A_112 = arith.constant 0 : i32
    %dma_start3A_113 = tpu.memref_slice %arg3[%add3A, %min3A_100, %dma_start3A_112] : memref<32x80x128xi32, #tpu.memory_space<hbm>> -> memref<1x1x128xi32, #tpu.memory_space<hbm>>
    %dma_start3A_114 = tpu.memref_squeeze %dma_start3A_113 : memref<1x1x128xi32, #tpu.memory_space<hbm>> -> memref<128xi32, #tpu.memory_space<hbm>>
    tpu.enqueue_dma source(%dma_start3A_114 : memref<128xi32, #tpu.memory_space<hbm>>) target(%dma_start3A_111 : memref<128xi32, #tpu.memory_space<vmem>>) target_semaphore(%arg14 : memref<!tpu.dma_semaphore, #tpu.memory_space<semaphore_mem>>)
    %dma_start3A_115 = arith.constant 0 : i32
    %dma_start3A_116 = tpu.memref_slice %arg7[%rem3A_102, %dma_start3A_115] : memref<8x128xi32, #tpu.memory_space<vmem>> -> memref<1x128xi32, #tpu.memory_space<vmem>>
    %dma_start3A_117 = tpu.memref_squeeze %dma_start3A_116 : memref<1x128xi32, #tpu.memory_space<vmem>> -> memref<128xi32, #tpu.memory_space<vmem>>
    %dma_start3A_118 = arith.constant 0 : i32
    %dma_start3A_119 = tpu.memref_slice %arg4[%add3A, %min3A_100, %dma_start3A_118] : memref<32x80x128xi32, #tpu.memory_space<hbm>> -> memref<1x1x128xi32, #tpu.memory_space<hbm>>
    %dma_start3A_120 = tpu.memref_squeeze %dma_start3A_119 : memref<1x1x128xi32, #tpu.memory_space<hbm>> -> memref<128xi32, #tpu.memory_space<hbm>>
    %dma_start3A_121 = arith.constant 0 : i32
    %dma_start3A_122 = tpu.memref_slice %arg7[%rem3A_102, %dma_start3A_121] : memref<8x128xi32, #tpu.memory_space<vmem>> -> memref<1x128xi32, #tpu.memory_space<vmem>>
    %dma_start3A_123 = tpu.memref_squeeze %dma_start3A_122 : memref<1x128xi32, #tpu.memory_space<vmem>> -> memref<128xi32, #tpu.memory_space<vmem>>
    %dma_start3A_124 = arith.constant 0 : i32
    %dma_start3A_125 = tpu.memref_slice %arg4[%add3A, %min3A_100, %dma_start3A_124] : memref<32x80x128xi32, #tpu.memory_space<hbm>> -> memref<1x1x128xi32, #tpu.memory_space<hbm>>
    %dma_start3A_126 = tpu.memref_squeeze %dma_start3A_125 : memref<1x1x128xi32, #tpu.memory_space<hbm>> -> memref<128xi32, #tpu.memory_space<hbm>>
    tpu.enqueue_dma source(%dma_start3A_126 : memref<128xi32, #tpu.memory_space<hbm>>) target(%dma_start3A_123 : memref<128xi32, #tpu.memory_space<vmem>>) target_semaphore(%arg15 : memref<!tpu.dma_semaphore, #tpu.memory_space<semaphore_mem>>)
    %min3A_127 = arith.constant 4 : i32
    %min3A_128 = arith.constant 79 : i32
    %min3A_129 = arith.minsi %min3A_127, %min3A_128 : i32
    %rem3A_130 = arith.constant 8 : i32
    %rem3A_131 = arith.remsi %min3A_129, %rem3A_130 : i32
    %dma_start3A_132 = arith.constant 0 : i32
    %dma_start3A_133 = tpu.memref_slice %arg6[%rem3A_131, %dma_start3A_132] : memref<8x128xi32, #tpu.memory_space<vmem>> -> memref<1x128xi32, #tpu.memory_space<vmem>>
    %dma_start3A_134 = tpu.memref_squeeze %dma_start3A_133 : memref<1x128xi32, #tpu.memory_space<vmem>> -> memref<128xi32, #tpu.memory_space<vmem>>
    %dma_start3A_135 = arith.constant 0 : i32
    %dma_start3A_136 = tpu.memref_slice %arg3[%add3A, %min3A_129, %dma_start3A_135] : memref<32x80x128xi32, #tpu.memory_space<hbm>> -> memref<1x1x128xi32, #tpu.memory_space<hbm>>
    %dma_start3A_137 = tpu.memref_squeeze %dma_start3A_136 : memref<1x1x128xi32, #tpu.memory_space<hbm>> -> memref<128xi32, #tpu.memory_space<hbm>>
    %dma_start3A_138 = arith.constant 0 : i32
    %dma_start3A_139 = tpu.memref_slice %arg6[%rem3A_131, %dma_start3A_138] : memref<8x128xi32, #tpu.memory_space<vmem>> -> memref<1x128xi32, #tpu.memory_space<vmem>>
    %dma_start3A_140 = tpu.memref_squeeze %dma_start3A_139 : memref<1x128xi32, #tpu.memory_space<vmem>> -> memref<128xi32, #tpu.memory_space<vmem>>
    %dma_start3A_141 = arith.constant 0 : i32
    %dma_start3A_142 = tpu.memref_slice %arg3[%add3A, %min3A_129, %dma_start3A_141] : memref<32x80x128xi32, #tpu.memory_space<hbm>> -> memref<1x1x128xi32, #tpu.memory_space<hbm>>
    %dma_start3A_143 = tpu.memref_squeeze %dma_start3A_142 : memref<1x1x128xi32, #tpu.memory_space<hbm>> -> memref<128xi32, #tpu.memory_space<hbm>>
    tpu.enqueue_dma source(%dma_start3A_143 : memref<128xi32, #tpu.memory_space<hbm>>) target(%dma_start3A_140 : memref<128xi32, #tpu.memory_space<vmem>>) target_semaphore(%arg14 : memref<!tpu.dma_semaphore, #tpu.memory_space<semaphore_mem>>)
    %dma_start3A_144 = arith.constant 0 : i32
    %dma_start3A_145 = tpu.memref_slice %arg7[%rem3A_131, %dma_start3A_144] : memref<8x128xi32, #tpu.memory_space<vmem>> -> memref<1x128xi32, #tpu.memory_space<vmem>>
    %dma_start3A_146 = tpu.memref_squeeze %dma_start3A_145 : memref<1x128xi32, #tpu.memory_space<vmem>> -> memref<128xi32, #tpu.memory_space<vmem>>
    %dma_start3A_147 = arith.constant 0 : i32
    %dma_start3A_148 = tpu.memref_slice %arg4[%add3A, %min3A_129, %dma_start3A_147] : memref<32x80x128xi32, #tpu.memory_space<hbm>> -> memref<1x1x128xi32, #tpu.memory_space<hbm>>
    %dma_start3A_149 = tpu.memref_squeeze %dma_start3A_148 : memref<1x1x128xi32, #tpu.memory_space<hbm>> -> memref<128xi32, #tpu.memory_space<hbm>>
    %dma_start3A_150 = arith.constant 0 : i32
    %dma_start3A_151 = tpu.memref_slice %arg7[%rem3A_131, %dma_start3A_150] : memref<8x128xi32, #tpu.memory_space<vmem>> -> memref<1x128xi32, #tpu.memory_space<vmem>>
    %dma_start3A_152 = tpu.memref_squeeze %dma_start3A_151 : memref<1x128xi32, #tpu.memory_space<vmem>> -> memref<128xi32, #tpu.memory_space<vmem>>
    %dma_start3A_153 = arith.constant 0 : i32
    %dma_start3A_154 = tpu.memref_slice %arg4[%add3A, %min3A_129, %dma_start3A_153] : memref<32x80x128xi32, #tpu.memory_space<hbm>> -> memref<1x1x128xi32, #tpu.memory_space<hbm>>
    %dma_start3A_155 = tpu.memref_squeeze %dma_start3A_154 : memref<1x1x128xi32, #tpu.memory_space<hbm>> -> memref<128xi32, #tpu.memory_space<hbm>>
    tpu.enqueue_dma source(%dma_start3A_155 : memref<128xi32, #tpu.memory_space<hbm>>) target(%dma_start3A_152 : memref<128xi32, #tpu.memory_space<vmem>>) target_semaphore(%arg15 : memref<!tpu.dma_semaphore, #tpu.memory_space<semaphore_mem>>)
    %dma_wait3A = arith.constant 0 : i32
    %dma_wait3A_156 = arith.constant 0 : i32
    %dma_wait3A_157 = arith.constant 0 : i32
    %dma_wait3A_158 = tpu.memref_slice %arg6[%dma_wait3A_156, %dma_wait3A_157] : memref<8x128xi32, #tpu.memory_space<vmem>> -> memref<1x128xi32, #tpu.memory_space<vmem>>
    %dma_wait3A_159 = tpu.memref_squeeze %dma_wait3A_158 : memref<1x128xi32, #tpu.memory_space<vmem>> -> memref<128xi32, #tpu.memory_space<vmem>>
    %dma_wait3A_160 = arith.constant 0 : i32
    %dma_wait3A_161 = tpu.memref_slice %arg3[%add3A, %dma_wait3A, %dma_wait3A_160] : memref<32x80x128xi32, #tpu.memory_space<hbm>> -> memref<1x1x128xi32, #tpu.memory_space<hbm>>
    %dma_wait3A_162 = tpu.memref_squeeze %dma_wait3A_161 : memref<1x1x128xi32, #tpu.memory_space<hbm>> -> memref<128xi32, #tpu.memory_space<hbm>>
    %dma_wait3A_163 = arith.constant 0 : i32
    %dma_wait3A_164 = tpu.memref_slice %arg6[%dma_wait3A_156, %dma_wait3A_163] : memref<8x128xi32, #tpu.memory_space<vmem>> -> memref<1x128xi32, #tpu.memory_space<vmem>>
    %dma_wait3A_165 = tpu.memref_squeeze %dma_wait3A_164 : memref<1x128xi32, #tpu.memory_space<vmem>> -> memref<128xi32, #tpu.memory_space<vmem>>
    %dma_wait3A_166 = arith.constant 0 : i32
    %dma_wait3A_167 = tpu.memref_slice %arg3[%add3A, %dma_wait3A, %dma_wait3A_166] : memref<32x80x128xi32, #tpu.memory_space<hbm>> -> memref<1x1x128xi32, #tpu.memory_space<hbm>>
    %dma_wait3A_168 = tpu.memref_squeeze %dma_wait3A_167 : memref<1x1x128xi32, #tpu.memory_space<hbm>> -> memref<128xi32, #tpu.memory_space<hbm>>
    tpu.wait_dma2 semaphore(%arg14 : memref<!tpu.dma_semaphore, #tpu.memory_space<semaphore_mem>>) src(%dma_wait3A_168 : memref<128xi32, #tpu.memory_space<hbm>>) dst(%dma_wait3A_165 : memref<128xi32, #tpu.memory_space<vmem>>)
    %dma_wait3A_169 = arith.constant 0 : i32
    %dma_wait3A_170 = arith.constant 0 : i32
    %dma_wait3A_171 = arith.constant 0 : i32
    %dma_wait3A_172 = tpu.memref_slice %arg7[%dma_wait3A_170, %dma_wait3A_171] : memref<8x128xi32, #tpu.memory_space<vmem>> -> memref<1x128xi32, #tpu.memory_space<vmem>>
    %dma_wait3A_173 = tpu.memref_squeeze %dma_wait3A_172 : memref<1x128xi32, #tpu.memory_space<vmem>> -> memref<128xi32, #tpu.memory_space<vmem>>
    %dma_wait3A_174 = arith.constant 0 : i32
    %dma_wait3A_175 = tpu.memref_slice %arg4[%add3A, %dma_wait3A_169, %dma_wait3A_174] : memref<32x80x128xi32, #tpu.memory_space<hbm>> -> memref<1x1x128xi32, #tpu.memory_space<hbm>>
    %dma_wait3A_176 = tpu.memref_squeeze %dma_wait3A_175 : memref<1x1x128xi32, #tpu.memory_space<hbm>> -> memref<128xi32, #tpu.memory_space<hbm>>
    %dma_wait3A_177 = arith.constant 0 : i32
    %dma_wait3A_178 = tpu.memref_slice %arg7[%dma_wait3A_170, %dma_wait3A_177] : memref<8x128xi32, #tpu.memory_space<vmem>> -> memref<1x128xi32, #tpu.memory_space<vmem>>
    %dma_wait3A_179 = tpu.memref_squeeze %dma_wait3A_178 : memref<1x128xi32, #tpu.memory_space<vmem>> -> memref<128xi32, #tpu.memory_space<vmem>>
    %dma_wait3A_180 = arith.constant 0 : i32
    %dma_wait3A_181 = tpu.memref_slice %arg4[%add3A, %dma_wait3A_169, %dma_wait3A_180] : memref<32x80x128xi32, #tpu.memory_space<hbm>> -> memref<1x1x128xi32, #tpu.memory_space<hbm>>
    %dma_wait3A_182 = tpu.memref_squeeze %dma_wait3A_181 : memref<1x1x128xi32, #tpu.memory_space<hbm>> -> memref<128xi32, #tpu.memory_space<hbm>>
    tpu.wait_dma2 semaphore(%arg15 : memref<!tpu.dma_semaphore, #tpu.memory_space<semaphore_mem>>) src(%dma_wait3A_182 : memref<128xi32, #tpu.memory_space<hbm>>) dst(%dma_wait3A_179 : memref<128xi32, #tpu.memory_space<vmem>>)
    %dma_wait3A_183 = arith.constant 0 : i32
    %dma_wait3A_184 = arith.constant 0 : i32
    %dma_wait3A_185 = arith.constant 0 : i32
    %dma_wait3A_186 = tpu.memref_slice %arg6[%dma_wait3A_184, %dma_wait3A_185] : memref<8x128xi32, #tpu.memory_space<vmem>> -> memref<1x128xi32, #tpu.memory_space<vmem>>
    %dma_wait3A_187 = tpu.memref_squeeze %dma_wait3A_186 : memref<1x128xi32, #tpu.memory_space<vmem>> -> memref<128xi32, #tpu.memory_space<vmem>>
    %dma_wait3A_188 = arith.constant 0 : i32
    %dma_wait3A_189 = tpu.memref_slice %arg3[%add3A, %dma_wait3A_183, %dma_wait3A_188] : memref<32x80x128xi32, #tpu.memory_space<hbm>> -> memref<1x1x128xi32, #tpu.memory_space<hbm>>
    %dma_wait3A_190 = tpu.memref_squeeze %dma_wait3A_189 : memref<1x1x128xi32, #tpu.memory_space<hbm>> -> memref<128xi32, #tpu.memory_space<hbm>>
    %dma_wait3A_191 = arith.constant 0 : i32
    %dma_wait3A_192 = tpu.memref_slice %arg6[%dma_wait3A_184, %dma_wait3A_191] : memref<8x128xi32, #tpu.memory_space<vmem>> -> memref<1x128xi32, #tpu.memory_space<vmem>>
    %dma_wait3A_193 = tpu.memref_squeeze %dma_wait3A_192 : memref<1x128xi32, #tpu.memory_space<vmem>> -> memref<128xi32, #tpu.memory_space<vmem>>
    %dma_wait3A_194 = arith.constant 0 : i32
    %dma_wait3A_195 = tpu.memref_slice %arg3[%add3A, %dma_wait3A_183, %dma_wait3A_194] : memref<32x80x128xi32, #tpu.memory_space<hbm>> -> memref<1x1x128xi32, #tpu.memory_space<hbm>>
    %dma_wait3A_196 = tpu.memref_squeeze %dma_wait3A_195 : memref<1x1x128xi32, #tpu.memory_space<hbm>> -> memref<128xi32, #tpu.memory_space<hbm>>
    tpu.wait_dma2 semaphore(%arg14 : memref<!tpu.dma_semaphore, #tpu.memory_space<semaphore_mem>>) src(%dma_wait3A_196 : memref<128xi32, #tpu.memory_space<hbm>>) dst(%dma_wait3A_193 : memref<128xi32, #tpu.memory_space<vmem>>)
    %dma_wait3A_197 = arith.constant 0 : i32
    %dma_wait3A_198 = arith.constant 0 : i32
    %dma_wait3A_199 = arith.constant 0 : i32
    %dma_wait3A_200 = tpu.memref_slice %arg7[%dma_wait3A_198, %dma_wait3A_199] : memref<8x128xi32, #tpu.memory_space<vmem>> -> memref<1x128xi32, #tpu.memory_space<vmem>>
    %dma_wait3A_201 = tpu.memref_squeeze %dma_wait3A_200 : memref<1x128xi32, #tpu.memory_space<vmem>> -> memref<128xi32, #tpu.memory_space<vmem>>
    %dma_wait3A_202 = arith.constant 0 : i32
    %dma_wait3A_203 = tpu.memref_slice %arg4[%add3A, %dma_wait3A_197, %dma_wait3A_202] : memref<32x80x128xi32, #tpu.memory_space<hbm>> -> memref<1x1x128xi32, #tpu.memory_space<hbm>>
    %dma_wait3A_204 = tpu.memref_squeeze %dma_wait3A_203 : memref<1x1x128xi32, #tpu.memory_space<hbm>> -> memref<128xi32, #tpu.memory_space<hbm>>
    %dma_wait3A_205 = arith.constant 0 : i32
    %dma_wait3A_206 = tpu.memref_slice %arg7[%dma_wait3A_198, %dma_wait3A_205] : memref<8x128xi32, #tpu.memory_space<vmem>> -> memref<1x128xi32, #tpu.memory_space<vmem>>
    %dma_wait3A_207 = tpu.memref_squeeze %dma_wait3A_206 : memref<1x128xi32, #tpu.memory_space<vmem>> -> memref<128xi32, #tpu.memory_space<vmem>>
    %dma_wait3A_208 = arith.constant 0 : i32
    %dma_wait3A_209 = tpu.memref_slice %arg4[%add3A, %dma_wait3A_197, %dma_wait3A_208] : memref<32x80x128xi32, #tpu.memory_space<hbm>> -> memref<1x1x128xi32, #tpu.memory_space<hbm>>
    %dma_wait3A_210 = tpu.memref_squeeze %dma_wait3A_209 : memref<1x1x128xi32, #tpu.memory_space<hbm>> -> memref<128xi32, #tpu.memory_space<hbm>>
    tpu.wait_dma2 semaphore(%arg15 : memref<!tpu.dma_semaphore, #tpu.memory_space<semaphore_mem>>) src(%dma_wait3A_210 : memref<128xi32, #tpu.memory_space<hbm>>) dst(%dma_wait3A_207 : memref<128xi32, #tpu.memory_space<vmem>>)
    %rem3A_211 = arith.constant 0 : i32
    %rem3A_212 = arith.constant 8 : i32
    %rem3A_213 = arith.remsi %rem3A_211, %rem3A_212 : i32
    %dma_start3A_214 = arith.constant 0 : i32
    %dma_start3A_215 = arith.constant 0 : i32
    %dma_start3A_216 = arith.constant 0 : i32
    %dma_start3A_217 = tpu.memref_slice %arg8[%dma_start3A_214, %dma_start3A_215, %dma_start3A_216] : memref<2x128x128xf32, #tpu.memory_space<vmem>> -> memref<1x128x128xf32, #tpu.memory_space<vmem>>
    %dma_start3A_218 = tpu.memref_squeeze %dma_start3A_217 : memref<1x128x128xf32, #tpu.memory_space<vmem>> -> memref<128x128xf32, #tpu.memory_space<vmem>>
    %dma_start3A_219 = arith.constant 0 : i32
    %dma_start3A_220 = tpu.memref_slice %arg6[%rem3A_213, %dma_start3A_219] : memref<8x128xi32, #tpu.memory_space<vmem>> -> memref<1x128xi32, #tpu.memory_space<vmem>>
    %dma_start3A_221 = tpu.memref_squeeze %dma_start3A_220 : memref<1x128xi32, #tpu.memory_space<vmem>> -> memref<128xi32, #tpu.memory_space<vmem>>
    %dma_start3A_222 = arith.constant 0 : i32
    %dma_start3A_223 = arith.constant 0 : i32
    %dma_start3A_224 = tpu.memref_slice %arg2[%dma_start3A_222, %dma_start3A_223] : memref<10000x128xf32, #tpu.memory_space<hbm>> -> memref<10000x128xf32, #tpu.memory_space<hbm>>
    tpu.enqueue_indirect_dma source(%dma_start3A_224 : memref<10000x128xf32, #tpu.memory_space<hbm>>) target(%dma_start3A_218 : memref<128x128xf32, #tpu.memory_space<vmem>>) offsets(%dma_start3A_221 : memref<128xi32, #tpu.memory_space<vmem>>) semaphore(%arg10 : memref<!tpu.dma_semaphore, #tpu.memory_space<semaphore_mem>>)
    %rem3A_225 = arith.constant 1 : i32
    %rem3A_226 = arith.constant 8 : i32
    %rem3A_227 = arith.remsi %rem3A_225, %rem3A_226 : i32
    %dma_start3A_228 = arith.constant 1 : i32
    %dma_start3A_229 = arith.constant 0 : i32
    %dma_start3A_230 = arith.constant 0 : i32
    %dma_start3A_231 = tpu.memref_slice %arg8[%dma_start3A_228, %dma_start3A_229, %dma_start3A_230] : memref<2x128x128xf32, #tpu.memory_space<vmem>> -> memref<1x128x128xf32, #tpu.memory_space<vmem>>
    %dma_start3A_232 = tpu.memref_squeeze %dma_start3A_231 : memref<1x128x128xf32, #tpu.memory_space<vmem>> -> memref<128x128xf32, #tpu.memory_space<vmem>>
    %dma_start3A_233 = arith.constant 0 : i32
    %dma_start3A_234 = tpu.memref_slice %arg6[%rem3A_227, %dma_start3A_233] : memref<8x128xi32, #tpu.memory_space<vmem>> -> memref<1x128xi32, #tpu.memory_space<vmem>>
    %dma_start3A_235 = tpu.memref_squeeze %dma_start3A_234 : memref<1x128xi32, #tpu.memory_space<vmem>> -> memref<128xi32, #tpu.memory_space<vmem>>
    %dma_start3A_236 = arith.constant 0 : i32
    %dma_start3A_237 = arith.constant 0 : i32
    %dma_start3A_238 = tpu.memref_slice %arg2[%dma_start3A_236, %dma_start3A_237] : memref<10000x128xf32, #tpu.memory_space<hbm>> -> memref<10000x128xf32, #tpu.memory_space<hbm>>
    tpu.enqueue_indirect_dma source(%dma_start3A_238 : memref<10000x128xf32, #tpu.memory_space<hbm>>) target(%dma_start3A_232 : memref<128x128xf32, #tpu.memory_space<vmem>>) offsets(%dma_start3A_235 : memref<128xi32, #tpu.memory_space<vmem>>) semaphore(%arg11 : memref<!tpu.dma_semaphore, #tpu.memory_space<semaphore_mem>>)
    %scan3A_239 = arith.constant 0 : i32
    %scan3A_240 = arith.constant 0 : i32
    %scan3A_241 = arith.constant 39 : i32
    %scan3A_242 = arith.addi %scan3A_240, %scan3A_241 : i32
    %scan3A_243 = arith.constant 1 : i32
    scf.for %scan3A_408 = %scan3A_240 to %scan3A_242 step %scan3A_243  : i32 {
      %mul3A_409 = arith.constant 2 : i32
      %mul3A_410 = arith.muli %scan3A_408, %mul3A_409 : i32
      %add3A_411 = arith.constant 0 : i32
      %add3A_412 = arith.addi %mul3A_410, %add3A_411 : i32
      %add3A_413 = arith.constant 3 : i32
      %add3A_414 = arith.addi %add3A_412, %add3A_413 : i32
      %add3A_415 = arith.constant 2 : i32
      %add3A_416 = arith.addi %add3A_414, %add3A_415 : i32
      %min3A_417 = arith.constant 79 : i32
      %min3A_418 = arith.minsi %add3A_416, %min3A_417 : i32
      %rem3A_419 = arith.constant 8 : i32
      %rem3A_420 = arith.remsi %min3A_418, %rem3A_419 : i32
      %dma_start3A_421 = arith.constant 0 : i32
      %dma_start3A_422 = tpu.memref_slice %arg6[%rem3A_420, %dma_start3A_421] : memref<8x128xi32, #tpu.memory_space<vmem>> -> memref<1x128xi32, #tpu.memory_space<vmem>>
      %dma_start3A_423 = tpu.memref_squeeze %dma_start3A_422 : memref<1x128xi32, #tpu.memory_space<vmem>> -> memref<128xi32, #tpu.memory_space<vmem>>
      %dma_start3A_424 = arith.constant 0 : i32
      %dma_start3A_425 = tpu.memref_slice %arg3[%add3A, %min3A_418, %dma_start3A_424] : memref<32x80x128xi32, #tpu.memory_space<hbm>> -> memref<1x1x128xi32, #tpu.memory_space<hbm>>
      %dma_start3A_426 = tpu.memref_squeeze %dma_start3A_425 : memref<1x1x128xi32, #tpu.memory_space<hbm>> -> memref<128xi32, #tpu.memory_space<hbm>>
      %dma_start3A_427 = arith.constant 0 : i32
      %dma_start3A_428 = tpu.memref_slice %arg6[%rem3A_420, %dma_start3A_427] : memref<8x128xi32, #tpu.memory_space<vmem>> -> memref<1x128xi32, #tpu.memory_space<vmem>>
      %dma_start3A_429 = tpu.memref_squeeze %dma_start3A_428 : memref<1x128xi32, #tpu.memory_space<vmem>> -> memref<128xi32, #tpu.memory_space<vmem>>
      %dma_start3A_430 = arith.constant 0 : i32
      %dma_start3A_431 = tpu.memref_slice %arg3[%add3A, %min3A_418, %dma_start3A_430] : memref<32x80x128xi32, #tpu.memory_space<hbm>> -> memref<1x1x128xi32, #tpu.memory_space<hbm>>
      %dma_start3A_432 = tpu.memref_squeeze %dma_start3A_431 : memref<1x1x128xi32, #tpu.memory_space<hbm>> -> memref<128xi32, #tpu.memory_space<hbm>>
      tpu.enqueue_dma source(%dma_start3A_432 : memref<128xi32, #tpu.memory_space<hbm>>) target(%dma_start3A_429 : memref<128xi32, #tpu.memory_space<vmem>>) target_semaphore(%arg14 : memref<!tpu.dma_semaphore, #tpu.memory_space<semaphore_mem>>)
      %dma_start3A_433 = arith.constant 0 : i32
      %dma_start3A_434 = tpu.memref_slice %arg7[%rem3A_420, %dma_start3A_433] : memref<8x128xi32, #tpu.memory_space<vmem>> -> memref<1x128xi32, #tpu.memory_space<vmem>>
      %dma_start3A_435 = tpu.memref_squeeze %dma_start3A_434 : memref<1x128xi32, #tpu.memory_space<vmem>> -> memref<128xi32, #tpu.memory_space<vmem>>
      %dma_start3A_436 = arith.constant 0 : i32
      %dma_start3A_437 = tpu.memref_slice %arg4[%add3A, %min3A_418, %dma_start3A_436] : memref<32x80x128xi32, #tpu.memory_space<hbm>> -> memref<1x1x128xi32, #tpu.memory_space<hbm>>
      %dma_start3A_438 = tpu.memref_squeeze %dma_start3A_437 : memref<1x1x128xi32, #tpu.memory_space<hbm>> -> memref<128xi32, #tpu.memory_space<hbm>>
      %dma_start3A_439 = arith.constant 0 : i32
      %dma_start3A_440 = tpu.memref_slice %arg7[%rem3A_420, %dma_start3A_439] : memref<8x128xi32, #tpu.memory_space<vmem>> -> memref<1x128xi32, #tpu.memory_space<vmem>>
      %dma_start3A_441 = tpu.memref_squeeze %dma_start3A_440 : memref<1x128xi32, #tpu.memory_space<vmem>> -> memref<128xi32, #tpu.memory_space<vmem>>
      %dma_start3A_442 = arith.constant 0 : i32
      %dma_start3A_443 = tpu.memref_slice %arg4[%add3A, %min3A_418, %dma_start3A_442] : memref<32x80x128xi32, #tpu.memory_space<hbm>> -> memref<1x1x128xi32, #tpu.memory_space<hbm>>
      %dma_start3A_444 = tpu.memref_squeeze %dma_start3A_443 : memref<1x1x128xi32, #tpu.memory_space<hbm>> -> memref<128xi32, #tpu.memory_space<hbm>>
      tpu.enqueue_dma source(%dma_start3A_444 : memref<128xi32, #tpu.memory_space<hbm>>) target(%dma_start3A_441 : memref<128xi32, #tpu.memory_space<vmem>>) target_semaphore(%arg15 : memref<!tpu.dma_semaphore, #tpu.memory_space<semaphore_mem>>)
      %dma_wait3A_445 = arith.constant 0 : i32
      %dma_wait3A_446 = arith.constant 0 : i32
      %dma_wait3A_447 = arith.constant 0 : i32
      %dma_wait3A_448 = tpu.memref_slice %arg6[%dma_wait3A_446, %dma_wait3A_447] : memref<8x128xi32, #tpu.memory_space<vmem>> -> memref<1x128xi32, #tpu.memory_space<vmem>>
      %dma_wait3A_449 = tpu.memref_squeeze %dma_wait3A_448 : memref<1x128xi32, #tpu.memory_space<vmem>> -> memref<128xi32, #tpu.memory_space<vmem>>
      %dma_wait3A_450 = arith.constant 0 : i32
      %dma_wait3A_451 = tpu.memref_slice %arg3[%add3A, %dma_wait3A_445, %dma_wait3A_450] : memref<32x80x128xi32, #tpu.memory_space<hbm>> -> memref<1x1x128xi32, #tpu.memory_space<hbm>>
      %dma_wait3A_452 = tpu.memref_squeeze %dma_wait3A_451 : memref<1x1x128xi32, #tpu.memory_space<hbm>> -> memref<128xi32, #tpu.memory_space<hbm>>
      %dma_wait3A_453 = arith.constant 0 : i32
      %dma_wait3A_454 = tpu.memref_slice %arg6[%dma_wait3A_446, %dma_wait3A_453] : memref<8x128xi32, #tpu.memory_space<vmem>> -> memref<1x128xi32, #tpu.memory_space<vmem>>
      %dma_wait3A_455 = tpu.memref_squeeze %dma_wait3A_454 : memref<1x128xi32, #tpu.memory_space<vmem>> -> memref<128xi32, #tpu.memory_space<vmem>>
      %dma_wait3A_456 = arith.constant 0 : i32
      %dma_wait3A_457 = tpu.memref_slice %arg3[%add3A, %dma_wait3A_445, %dma_wait3A_456] : memref<32x80x128xi32, #tpu.memory_space<hbm>> -> memref<1x1x128xi32, #tpu.memory_space<hbm>>
      %dma_wait3A_458 = tpu.memref_squeeze %dma_wait3A_457 : memref<1x1x128xi32, #tpu.memory_space<hbm>> -> memref<128xi32, #tpu.memory_space<hbm>>
      tpu.wait_dma2 semaphore(%arg14 : memref<!tpu.dma_semaphore, #tpu.memory_space<semaphore_mem>>) src(%dma_wait3A_458 : memref<128xi32, #tpu.memory_space<hbm>>) dst(%dma_wait3A_455 : memref<128xi32, #tpu.memory_space<vmem>>)
      %dma_wait3A_459 = arith.constant 0 : i32
      %dma_wait3A_460 = arith.constant 0 : i32
      %dma_wait3A_461 = arith.constant 0 : i32
      %dma_wait3A_462 = tpu.memref_slice %arg7[%dma_wait3A_460, %dma_wait3A_461] : memref<8x128xi32, #tpu.memory_space<vmem>> -> memref<1x128xi32, #tpu.memory_space<vmem>>
      %dma_wait3A_463 = tpu.memref_squeeze %dma_wait3A_462 : memref<1x128xi32, #tpu.memory_space<vmem>> -> memref<128xi32, #tpu.memory_space<vmem>>
      %dma_wait3A_464 = arith.constant 0 : i32
      %dma_wait3A_465 = tpu.memref_slice %arg4[%add3A, %dma_wait3A_459, %dma_wait3A_464] : memref<32x80x128xi32, #tpu.memory_space<hbm>> -> memref<1x1x128xi32, #tpu.memory_space<hbm>>
      %dma_wait3A_466 = tpu.memref_squeeze %dma_wait3A_465 : memref<1x1x128xi32, #tpu.memory_space<hbm>> -> memref<128xi32, #tpu.memory_space<hbm>>
      %dma_wait3A_467 = arith.constant 0 : i32
      %dma_wait3A_468 = tpu.memref_slice %arg7[%dma_wait3A_460, %dma_wait3A_467] : memref<8x128xi32, #tpu.memory_space<vmem>> -> memref<1x128xi32, #tpu.memory_space<vmem>>
      %dma_wait3A_469 = tpu.memref_squeeze %dma_wait3A_468 : memref<1x128xi32, #tpu.memory_space<vmem>> -> memref<128xi32, #tpu.memory_space<vmem>>
      %dma_wait3A_470 = arith.constant 0 : i32
      %dma_wait3A_471 = tpu.memref_slice %arg4[%add3A, %dma_wait3A_459, %dma_wait3A_470] : memref<32x80x128xi32, #tpu.memory_space<hbm>> -> memref<1x1x128xi32, #tpu.memory_space<hbm>>
      %dma_wait3A_472 = tpu.memref_squeeze %dma_wait3A_471 : memref<1x1x128xi32, #tpu.memory_space<hbm>> -> memref<128xi32, #tpu.memory_space<hbm>>
      tpu.wait_dma2 semaphore(%arg15 : memref<!tpu.dma_semaphore, #tpu.memory_space<semaphore_mem>>) src(%dma_wait3A_472 : memref<128xi32, #tpu.memory_space<hbm>>) dst(%dma_wait3A_469 : memref<128xi32, #tpu.memory_space<vmem>>)
      %rem3A_473 = arith.constant 8 : i32
      %rem3A_474 = arith.remsi %add3A_412, %rem3A_473 : i32
      %dma_wait3A_475 = arith.constant 0 : i32
      %dma_wait3A_476 = arith.constant 0 : i32
      %dma_wait3A_477 = arith.constant 0 : i32
      %dma_wait3A_478 = tpu.memref_slice %arg8[%dma_wait3A_475, %dma_wait3A_476, %dma_wait3A_477] : memref<2x128x128xf32, #tpu.memory_space<vmem>> -> memref<1x128x128xf32, #tpu.memory_space<vmem>>
      %dma_wait3A_479 = tpu.memref_squeeze %dma_wait3A_478 : memref<1x128x128xf32, #tpu.memory_space<vmem>> -> memref<128x128xf32, #tpu.memory_space<vmem>>
      %dma_wait3A_480 = arith.constant 0 : i32
      %dma_wait3A_481 = tpu.memref_slice %arg6[%rem3A_474, %dma_wait3A_480] : memref<8x128xi32, #tpu.memory_space<vmem>> -> memref<1x128xi32, #tpu.memory_space<vmem>>
      %dma_wait3A_482 = tpu.memref_squeeze %dma_wait3A_481 : memref<1x128xi32, #tpu.memory_space<vmem>> -> memref<128xi32, #tpu.memory_space<vmem>>
      %dma_wait3A_483 = arith.constant 0 : i32
      %dma_wait3A_484 = arith.constant 0 : i32
      %dma_wait3A_485 = tpu.memref_slice %arg2[%dma_wait3A_483, %dma_wait3A_484] : memref<10000x128xf32, #tpu.memory_space<hbm>> -> memref<10000x128xf32, #tpu.memory_space<hbm>>
      tpu.wait_indirect_dma semaphore(%arg10 : memref<!tpu.dma_semaphore, #tpu.memory_space<semaphore_mem>>) src(%dma_wait3A_485 : memref<10000x128xf32, #tpu.memory_space<hbm>>) dst(%dma_wait3A_479 : memref<128x128xf32, #tpu.memory_space<vmem>>)
      %rem3A_486 = arith.constant 8 : i32
      %rem3A_487 = arith.remsi %add3A_412, %rem3A_486 : i32
      %dma_start3A_488 = arith.constant 0 : i32
      %dma_start3A_489 = arith.constant 0 : i32
      %dma_start3A_490 = arith.constant 0 : i32
      %dma_start3A_491 = tpu.memref_slice %arg8[%dma_start3A_488, %dma_start3A_489, %dma_start3A_490] : memref<2x128x128xf32, #tpu.memory_space<vmem>> -> memref<1x128x128xf32, #tpu.memory_space<vmem>>
      %dma_start3A_492 = tpu.memref_squeeze %dma_start3A_491 : memref<1x128x128xf32, #tpu.memory_space<vmem>> -> memref<128x128xf32, #tpu.memory_space<vmem>>
      %dma_start3A_493 = arith.constant 0 : i32
      %dma_start3A_494 = tpu.memref_slice %arg7[%rem3A_487, %dma_start3A_493] : memref<8x128xi32, #tpu.memory_space<vmem>> -> memref<1x128xi32, #tpu.memory_space<vmem>>
      %dma_start3A_495 = tpu.memref_squeeze %dma_start3A_494 : memref<1x128xi32, #tpu.memory_space<vmem>> -> memref<128xi32, #tpu.memory_space<vmem>>
      %dma_start3A_496 = arith.constant 0 : i32
      %dma_start3A_497 = arith.constant 0 : i32
      %dma_start3A_498 = tpu.memref_slice %arg9[%dma_start3A_496, %dma_start3A_497] : memref<10240x128xf32, #tpu.memory_space<vmem_shared>> -> memref<10240x128xf32, #tpu.memory_space<vmem_shared>>
      tpu.enqueue_indirect_dma source(%dma_start3A_492 : memref<128x128xf32, #tpu.memory_space<vmem>>) target(%dma_start3A_498 : memref<10240x128xf32, #tpu.memory_space<vmem_shared>>) offsets(%dma_start3A_495 : memref<128xi32, #tpu.memory_space<vmem>>) semaphore(%arg12 : memref<!tpu.dma_semaphore, #tpu.memory_space<semaphore_mem>>) {add = true}
      %dma_wait3A_499 = arith.constant 0 : i32
      %dma_wait3A_500 = arith.constant 0 : i32
      %dma_wait3A_501 = arith.constant 0 : i32
      %dma_wait3A_502 = tpu.memref_slice %arg8[%dma_wait3A_499, %dma_wait3A_500, %dma_wait3A_501] : memref<2x128x128xf32, #tpu.memory_space<vmem>> -> memref<1x128x128xf32, #tpu.memory_space<vmem>>
      %dma_wait3A_503 = tpu.memref_squeeze %dma_wait3A_502 : memref<1x128x128xf32, #tpu.memory_space<vmem>> -> memref<128x128xf32, #tpu.memory_space<vmem>>
      %dma_wait3A_504 = arith.constant 0 : i32
      %dma_wait3A_505 = tpu.memref_slice %arg7[%rem3A_487, %dma_wait3A_504] : memref<8x128xi32, #tpu.memory_space<vmem>> -> memref<1x128xi32, #tpu.memory_space<vmem>>
      %dma_wait3A_506 = tpu.memref_squeeze %dma_wait3A_505 : memref<1x128xi32, #tpu.memory_space<vmem>> -> memref<128xi32, #tpu.memory_space<vmem>>
      %dma_wait3A_507 = arith.constant 0 : i32
      %dma_wait3A_508 = arith.constant 0 : i32
      %dma_wait3A_509 = tpu.memref_slice %arg9[%dma_wait3A_507, %dma_wait3A_508] : memref<10240x128xf32, #tpu.memory_space<vmem_shared>> -> memref<10240x128xf32, #tpu.memory_space<vmem_shared>>
      tpu.wait_indirect_dma semaphore(%arg12 : memref<!tpu.dma_semaphore, #tpu.memory_space<semaphore_mem>>) src(%dma_wait3A_503 : memref<128x128xf32, #tpu.memory_space<vmem>>) dst(%dma_wait3A_509 : memref<10240x128xf32, #tpu.memory_space<vmem_shared>>)
      %add3A_510 = arith.constant 2 : i32
      %add3A_511 = arith.addi %add3A_412, %add3A_510 : i32
      %rem3A_512 = arith.constant 8 : i32
      %rem3A_513 = arith.remsi %add3A_511, %rem3A_512 : i32
      %dma_start3A_514 = arith.constant 0 : i32
      %dma_start3A_515 = arith.constant 0 : i32
      %dma_start3A_516 = arith.constant 0 : i32
      %dma_start3A_517 = tpu.memref_slice %arg8[%dma_start3A_514, %dma_start3A_515, %dma_start3A_516] : memref<2x128x128xf32, #tpu.memory_space<vmem>> -> memref<1x128x128xf32, #tpu.memory_space<vmem>>
      %dma_start3A_518 = tpu.memref_squeeze %dma_start3A_517 : memref<1x128x128xf32, #tpu.memory_space<vmem>> -> memref<128x128xf32, #tpu.memory_space<vmem>>
      %dma_start3A_519 = arith.constant 0 : i32
      %dma_start3A_520 = tpu.memref_slice %arg6[%rem3A_513, %dma_start3A_519] : memref<8x128xi32, #tpu.memory_space<vmem>> -> memref<1x128xi32, #tpu.memory_space<vmem>>
      %dma_start3A_521 = tpu.memref_squeeze %dma_start3A_520 : memref<1x128xi32, #tpu.memory_space<vmem>> -> memref<128xi32, #tpu.memory_space<vmem>>
      %dma_start3A_522 = arith.constant 0 : i32
      %dma_start3A_523 = arith.constant 0 : i32
      %dma_start3A_524 = tpu.memref_slice %arg2[%dma_start3A_522, %dma_start3A_523] : memref<10000x128xf32, #tpu.memory_space<hbm>> -> memref<10000x128xf32, #tpu.memory_space<hbm>>
      tpu.enqueue_indirect_dma source(%dma_start3A_524 : memref<10000x128xf32, #tpu.memory_space<hbm>>) target(%dma_start3A_518 : memref<128x128xf32, #tpu.memory_space<vmem>>) offsets(%dma_start3A_521 : memref<128xi32, #tpu.memory_space<vmem>>) semaphore(%arg10 : memref<!tpu.dma_semaphore, #tpu.memory_space<semaphore_mem>>)
      %mul3A_525 = arith.constant 2 : i32
      %mul3A_526 = arith.muli %scan3A_408, %mul3A_525 : i32
      %add3A_527 = arith.constant 1 : i32
      %add3A_528 = arith.addi %mul3A_526, %add3A_527 : i32
      %add3A_529 = arith.constant 3 : i32
      %add3A_530 = arith.addi %add3A_528, %add3A_529 : i32
      %add3A_531 = arith.constant 2 : i32
      %add3A_532 = arith.addi %add3A_530, %add3A_531 : i32
      %min3A_533 = arith.constant 79 : i32
      %min3A_534 = arith.minsi %add3A_532, %min3A_533 : i32
      %rem3A_535 = arith.constant 8 : i32
      %rem3A_536 = arith.remsi %min3A_534, %rem3A_535 : i32
      %dma_start3A_537 = arith.constant 0 : i32
      %dma_start3A_538 = tpu.memref_slice %arg6[%rem3A_536, %dma_start3A_537] : memref<8x128xi32, #tpu.memory_space<vmem>> -> memref<1x128xi32, #tpu.memory_space<vmem>>
      %dma_start3A_539 = tpu.memref_squeeze %dma_start3A_538 : memref<1x128xi32, #tpu.memory_space<vmem>> -> memref<128xi32, #tpu.memory_space<vmem>>
      %dma_start3A_540 = arith.constant 0 : i32
      %dma_start3A_541 = tpu.memref_slice %arg3[%add3A, %min3A_534, %dma_start3A_540] : memref<32x80x128xi32, #tpu.memory_space<hbm>> -> memref<1x1x128xi32, #tpu.memory_space<hbm>>
      %dma_start3A_542 = tpu.memref_squeeze %dma_start3A_541 : memref<1x1x128xi32, #tpu.memory_space<hbm>> -> memref<128xi32, #tpu.memory_space<hbm>>
      %dma_start3A_543 = arith.constant 0 : i32
      %dma_start3A_544 = tpu.memref_slice %arg6[%rem3A_536, %dma_start3A_543] : memref<8x128xi32, #tpu.memory_space<vmem>> -> memref<1x128xi32, #tpu.memory_space<vmem>>
      %dma_start3A_545 = tpu.memref_squeeze %dma_start3A_544 : memref<1x128xi32, #tpu.memory_space<vmem>> -> memref<128xi32, #tpu.memory_space<vmem>>
      %dma_start3A_546 = arith.constant 0 : i32
      %dma_start3A_547 = tpu.memref_slice %arg3[%add3A, %min3A_534, %dma_start3A_546] : memref<32x80x128xi32, #tpu.memory_space<hbm>> -> memref<1x1x128xi32, #tpu.memory_space<hbm>>
      %dma_start3A_548 = tpu.memref_squeeze %dma_start3A_547 : memref<1x1x128xi32, #tpu.memory_space<hbm>> -> memref<128xi32, #tpu.memory_space<hbm>>
      tpu.enqueue_dma source(%dma_start3A_548 : memref<128xi32, #tpu.memory_space<hbm>>) target(%dma_start3A_545 : memref<128xi32, #tpu.memory_space<vmem>>) target_semaphore(%arg14 : memref<!tpu.dma_semaphore, #tpu.memory_space<semaphore_mem>>)
      %dma_start3A_549 = arith.constant 0 : i32
      %dma_start3A_550 = tpu.memref_slice %arg7[%rem3A_536, %dma_start3A_549] : memref<8x128xi32, #tpu.memory_space<vmem>> -> memref<1x128xi32, #tpu.memory_space<vmem>>
      %dma_start3A_551 = tpu.memref_squeeze %dma_start3A_550 : memref<1x128xi32, #tpu.memory_space<vmem>> -> memref<128xi32, #tpu.memory_space<vmem>>
      %dma_start3A_552 = arith.constant 0 : i32
      %dma_start3A_553 = tpu.memref_slice %arg4[%add3A, %min3A_534, %dma_start3A_552] : memref<32x80x128xi32, #tpu.memory_space<hbm>> -> memref<1x1x128xi32, #tpu.memory_space<hbm>>
      %dma_start3A_554 = tpu.memref_squeeze %dma_start3A_553 : memref<1x1x128xi32, #tpu.memory_space<hbm>> -> memref<128xi32, #tpu.memory_space<hbm>>
      %dma_start3A_555 = arith.constant 0 : i32
      %dma_start3A_556 = tpu.memref_slice %arg7[%rem3A_536, %dma_start3A_555] : memref<8x128xi32, #tpu.memory_space<vmem>> -> memref<1x128xi32, #tpu.memory_space<vmem>>
      %dma_start3A_557 = tpu.memref_squeeze %dma_start3A_556 : memref<1x128xi32, #tpu.memory_space<vmem>> -> memref<128xi32, #tpu.memory_space<vmem>>
      %dma_start3A_558 = arith.constant 0 : i32
      %dma_start3A_559 = tpu.memref_slice %arg4[%add3A, %min3A_534, %dma_start3A_558] : memref<32x80x128xi32, #tpu.memory_space<hbm>> -> memref<1x1x128xi32, #tpu.memory_space<hbm>>
      %dma_start3A_560 = tpu.memref_squeeze %dma_start3A_559 : memref<1x1x128xi32, #tpu.memory_space<hbm>> -> memref<128xi32, #tpu.memory_space<hbm>>
      tpu.enqueue_dma source(%dma_start3A_560 : memref<128xi32, #tpu.memory_space<hbm>>) target(%dma_start3A_557 : memref<128xi32, #tpu.memory_space<vmem>>) target_semaphore(%arg15 : memref<!tpu.dma_semaphore, #tpu.memory_space<semaphore_mem>>)
      %dma_wait3A_561 = arith.constant 0 : i32
      %dma_wait3A_562 = arith.constant 0 : i32
      %dma_wait3A_563 = arith.constant 0 : i32
      %dma_wait3A_564 = tpu.memref_slice %arg6[%dma_wait3A_562, %dma_wait3A_563] : memref<8x128xi32, #tpu.memory_space<vmem>> -> memref<1x128xi32, #tpu.memory_space<vmem>>
      %dma_wait3A_565 = tpu.memref_squeeze %dma_wait3A_564 : memref<1x128xi32, #tpu.memory_space<vmem>> -> memref<128xi32, #tpu.memory_space<vmem>>
      %dma_wait3A_566 = arith.constant 0 : i32
      %dma_wait3A_567 = tpu.memref_slice %arg3[%add3A, %dma_wait3A_561, %dma_wait3A_566] : memref<32x80x128xi32, #tpu.memory_space<hbm>> -> memref<1x1x128xi32, #tpu.memory_space<hbm>>
      %dma_wait3A_568 = tpu.memref_squeeze %dma_wait3A_567 : memref<1x1x128xi32, #tpu.memory_space<hbm>> -> memref<128xi32, #tpu.memory_space<hbm>>
      %dma_wait3A_569 = arith.constant 0 : i32
      %dma_wait3A_570 = tpu.memref_slice %arg6[%dma_wait3A_562, %dma_wait3A_569] : memref<8x128xi32, #tpu.memory_space<vmem>> -> memref<1x128xi32, #tpu.memory_space<vmem>>
      %dma_wait3A_571 = tpu.memref_squeeze %dma_wait3A_570 : memref<1x128xi32, #tpu.memory_space<vmem>> -> memref<128xi32, #tpu.memory_space<vmem>>
      %dma_wait3A_572 = arith.constant 0 : i32
      %dma_wait3A_573 = tpu.memref_slice %arg3[%add3A, %dma_wait3A_561, %dma_wait3A_572] : memref<32x80x128xi32, #tpu.memory_space<hbm>> -> memref<1x1x128xi32, #tpu.memory_space<hbm>>
      %dma_wait3A_574 = tpu.memref_squeeze %dma_wait3A_573 : memref<1x1x128xi32, #tpu.memory_space<hbm>> -> memref<128xi32, #tpu.memory_space<hbm>>
      tpu.wait_dma2 semaphore(%arg14 : memref<!tpu.dma_semaphore, #tpu.memory_space<semaphore_mem>>) src(%dma_wait3A_574 : memref<128xi32, #tpu.memory_space<hbm>>) dst(%dma_wait3A_571 : memref<128xi32, #tpu.memory_space<vmem>>)
      %dma_wait3A_575 = arith.constant 0 : i32
      %dma_wait3A_576 = arith.constant 0 : i32
      %dma_wait3A_577 = arith.constant 0 : i32
      %dma_wait3A_578 = tpu.memref_slice %arg7[%dma_wait3A_576, %dma_wait3A_577] : memref<8x128xi32, #tpu.memory_space<vmem>> -> memref<1x128xi32, #tpu.memory_space<vmem>>
      %dma_wait3A_579 = tpu.memref_squeeze %dma_wait3A_578 : memref<1x128xi32, #tpu.memory_space<vmem>> -> memref<128xi32, #tpu.memory_space<vmem>>
      %dma_wait3A_580 = arith.constant 0 : i32
      %dma_wait3A_581 = tpu.memref_slice %arg4[%add3A, %dma_wait3A_575, %dma_wait3A_580] : memref<32x80x128xi32, #tpu.memory_space<hbm>> -> memref<1x1x128xi32, #tpu.memory_space<hbm>>
      %dma_wait3A_582 = tpu.memref_squeeze %dma_wait3A_581 : memref<1x1x128xi32, #tpu.memory_space<hbm>> -> memref<128xi32, #tpu.memory_space<hbm>>
      %dma_wait3A_583 = arith.constant 0 : i32
      %dma_wait3A_584 = tpu.memref_slice %arg7[%dma_wait3A_576, %dma_wait3A_583] : memref<8x128xi32, #tpu.memory_space<vmem>> -> memref<1x128xi32, #tpu.memory_space<vmem>>
      %dma_wait3A_585 = tpu.memref_squeeze %dma_wait3A_584 : memref<1x128xi32, #tpu.memory_space<vmem>> -> memref<128xi32, #tpu.memory_space<vmem>>
      %dma_wait3A_586 = arith.constant 0 : i32
      %dma_wait3A_587 = tpu.memref_slice %arg4[%add3A, %dma_wait3A_575, %dma_wait3A_586] : memref<32x80x128xi32, #tpu.memory_space<hbm>> -> memref<1x1x128xi32, #tpu.memory_space<hbm>>
      %dma_wait3A_588 = tpu.memref_squeeze %dma_wait3A_587 : memref<1x1x128xi32, #tpu.memory_space<hbm>> -> memref<128xi32, #tpu.memory_space<hbm>>
      tpu.wait_dma2 semaphore(%arg15 : memref<!tpu.dma_semaphore, #tpu.memory_space<semaphore_mem>>) src(%dma_wait3A_588 : memref<128xi32, #tpu.memory_space<hbm>>) dst(%dma_wait3A_585 : memref<128xi32, #tpu.memory_space<vmem>>)
      %rem3A_589 = arith.constant 8 : i32
      %rem3A_590 = arith.remsi %add3A_528, %rem3A_589 : i32
      %dma_wait3A_591 = arith.constant 1 : i32
      %dma_wait3A_592 = arith.constant 0 : i32
      %dma_wait3A_593 = arith.constant 0 : i32
      %dma_wait3A_594 = tpu.memref_slice %arg8[%dma_wait3A_591, %dma_wait3A_592, %dma_wait3A_593] : memref<2x128x128xf32, #tpu.memory_space<vmem>> -> memref<1x128x128xf32, #tpu.memory_space<vmem>>
      %dma_wait3A_595 = tpu.memref_squeeze %dma_wait3A_594 : memref<1x128x128xf32, #tpu.memory_space<vmem>> -> memref<128x128xf32, #tpu.memory_space<vmem>>
      %dma_wait3A_596 = arith.constant 0 : i32
      %dma_wait3A_597 = tpu.memref_slice %arg6[%rem3A_590, %dma_wait3A_596] : memref<8x128xi32, #tpu.memory_space<vmem>> -> memref<1x128xi32, #tpu.memory_space<vmem>>
      %dma_wait3A_598 = tpu.memref_squeeze %dma_wait3A_597 : memref<1x128xi32, #tpu.memory_space<vmem>> -> memref<128xi32, #tpu.memory_space<vmem>>
      %dma_wait3A_599 = arith.constant 0 : i32
      %dma_wait3A_600 = arith.constant 0 : i32
      %dma_wait3A_601 = tpu.memref_slice %arg2[%dma_wait3A_599, %dma_wait3A_600] : memref<10000x128xf32, #tpu.memory_space<hbm>> -> memref<10000x128xf32, #tpu.memory_space<hbm>>
      tpu.wait_indirect_dma semaphore(%arg11 : memref<!tpu.dma_semaphore, #tpu.memory_space<semaphore_mem>>) src(%dma_wait3A_601 : memref<10000x128xf32, #tpu.memory_space<hbm>>) dst(%dma_wait3A_595 : memref<128x128xf32, #tpu.memory_space<vmem>>)
      %rem3A_602 = arith.constant 8 : i32
      %rem3A_603 = arith.remsi %add3A_528, %rem3A_602 : i32
      %dma_start3A_604 = arith.constant 1 : i32
      %dma_start3A_605 = arith.constant 0 : i32
      %dma_start3A_606 = arith.constant 0 : i32
      %dma_start3A_607 = tpu.memref_slice %arg8[%dma_start3A_604, %dma_start3A_605, %dma_start3A_606] : memref<2x128x128xf32, #tpu.memory_space<vmem>> -> memref<1x128x128xf32, #tpu.memory_space<vmem>>
      %dma_start3A_608 = tpu.memref_squeeze %dma_start3A_607 : memref<1x128x128xf32, #tpu.memory_space<vmem>> -> memref<128x128xf32, #tpu.memory_space<vmem>>
      %dma_start3A_609 = arith.constant 0 : i32
      %dma_start3A_610 = tpu.memref_slice %arg7[%rem3A_603, %dma_start3A_609] : memref<8x128xi32, #tpu.memory_space<vmem>> -> memref<1x128xi32, #tpu.memory_space<vmem>>
      %dma_start3A_611 = tpu.memref_squeeze %dma_start3A_610 : memref<1x128xi32, #tpu.memory_space<vmem>> -> memref<128xi32, #tpu.memory_space<vmem>>
      %dma_start3A_612 = arith.constant 0 : i32
      %dma_start3A_613 = arith.constant 0 : i32
      %dma_start3A_614 = tpu.memref_slice %arg9[%dma_start3A_612, %dma_start3A_613] : memref<10240x128xf32, #tpu.memory_space<vmem_shared>> -> memref<10240x128xf32, #tpu.memory_space<vmem_shared>>
      tpu.enqueue_indirect_dma source(%dma_start3A_608 : memref<128x128xf32, #tpu.memory_space<vmem>>) target(%dma_start3A_614 : memref<10240x128xf32, #tpu.memory_space<vmem_shared>>) offsets(%dma_start3A_611 : memref<128xi32, #tpu.memory_space<vmem>>) semaphore(%arg13 : memref<!tpu.dma_semaphore, #tpu.memory_space<semaphore_mem>>) {add = true}
      %dma_wait3A_615 = arith.constant 1 : i32
      %dma_wait3A_616 = arith.constant 0 : i32
      %dma_wait3A_617 = arith.constant 0 : i32
      %dma_wait3A_618 = tpu.memref_slice %arg8[%dma_wait3A_615, %dma_wait3A_616, %dma_wait3A_617] : memref<2x128x128xf32, #tpu.memory_space<vmem>> -> memref<1x128x128xf32, #tpu.memory_space<vmem>>
      %dma_wait3A_619 = tpu.memref_squeeze %dma_wait3A_618 : memref<1x128x128xf32, #tpu.memory_space<vmem>> -> memref<128x128xf32, #tpu.memory_space<vmem>>
      %dma_wait3A_620 = arith.constant 0 : i32
      %dma_wait3A_621 = tpu.memref_slice %arg7[%rem3A_603, %dma_wait3A_620] : memref<8x128xi32, #tpu.memory_space<vmem>> -> memref<1x128xi32, #tpu.memory_space<vmem>>
      %dma_wait3A_622 = tpu.memref_squeeze %dma_wait3A_621 : memref<1x128xi32, #tpu.memory_space<vmem>> -> memref<128xi32, #tpu.memory_space<vmem>>
      %dma_wait3A_623 = arith.constant 0 : i32
      %dma_wait3A_624 = arith.constant 0 : i32
      %dma_wait3A_625 = tpu.memref_slice %arg9[%dma_wait3A_623, %dma_wait3A_624] : memref<10240x128xf32, #tpu.memory_space<vmem_shared>> -> memref<10240x128xf32, #tpu.memory_space<vmem_shared>>
      tpu.wait_indirect_dma semaphore(%arg13 : memref<!tpu.dma_semaphore, #tpu.memory_space<semaphore_mem>>) src(%dma_wait3A_619 : memref<128x128xf32, #tpu.memory_space<vmem>>) dst(%dma_wait3A_625 : memref<10240x128xf32, #tpu.memory_space<vmem_shared>>)
      %add3A_626 = arith.constant 2 : i32
      %add3A_627 = arith.addi %add3A_528, %add3A_626 : i32
      %rem3A_628 = arith.constant 8 : i32
      %rem3A_629 = arith.remsi %add3A_627, %rem3A_628 : i32
      %dma_start3A_630 = arith.constant 1 : i32
      %dma_start3A_631 = arith.constant 0 : i32
      %dma_start3A_632 = arith.constant 0 : i32
      %dma_start3A_633 = tpu.memref_slice %arg8[%dma_start3A_630, %dma_start3A_631, %dma_start3A_632] : memref<2x128x128xf32, #tpu.memory_space<vmem>> -> memref<1x128x128xf32, #tpu.memory_space<vmem>>
      %dma_start3A_634 = tpu.memref_squeeze %dma_start3A_633 : memref<1x128x128xf32, #tpu.memory_space<vmem>> -> memref<128x128xf32, #tpu.memory_space<vmem>>
      %dma_start3A_635 = arith.constant 0 : i32
      %dma_start3A_636 = tpu.memref_slice %arg6[%rem3A_629, %dma_start3A_635] : memref<8x128xi32, #tpu.memory_space<vmem>> -> memref<1x128xi32, #tpu.memory_space<vmem>>
      %dma_start3A_637 = tpu.memref_squeeze %dma_start3A_636 : memref<1x128xi32, #tpu.memory_space<vmem>> -> memref<128xi32, #tpu.memory_space<vmem>>
      %dma_start3A_638 = arith.constant 0 : i32
      %dma_start3A_639 = arith.constant 0 : i32
      %dma_start3A_640 = tpu.memref_slice %arg2[%dma_start3A_638, %dma_start3A_639] : memref<10000x128xf32, #tpu.memory_space<hbm>> -> memref<10000x128xf32, #tpu.memory_space<hbm>>
      tpu.enqueue_indirect_dma source(%dma_start3A_640 : memref<10000x128xf32, #tpu.memory_space<hbm>>) target(%dma_start3A_634 : memref<128x128xf32, #tpu.memory_space<vmem>>) offsets(%dma_start3A_637 : memref<128xi32, #tpu.memory_space<vmem>>) semaphore(%arg11 : memref<!tpu.dma_semaphore, #tpu.memory_space<semaphore_mem>>)
    }
    %scan3A_244 = arith.constant 39 : i32
    %rem3A_245 = arith.constant 78 : i32
    %rem3A_246 = arith.constant 8 : i32
    %rem3A_247 = arith.remsi %rem3A_245, %rem3A_246 : i32
    %dma_wait3A_248 = arith.constant 0 : i32
    %dma_wait3A_249 = arith.constant 0 : i32
    %dma_wait3A_250 = arith.constant 0 : i32
    %dma_wait3A_251 = tpu.memref_slice %arg8[%dma_wait3A_248, %dma_wait3A_249, %dma_wait3A_250] : memref<2x128x128xf32, #tpu.memory_space<vmem>> -> memref<1x128x128xf32, #tpu.memory_space<vmem>>
    %dma_wait3A_252 = tpu.memref_squeeze %dma_wait3A_251 : memref<1x128x128xf32, #tpu.memory_space<vmem>> -> memref<128x128xf32, #tpu.memory_space<vmem>>
    %dma_wait3A_253 = arith.constant 0 : i32
    %dma_wait3A_254 = tpu.memref_slice %arg6[%rem3A_247, %dma_wait3A_253] : memref<8x128xi32, #tpu.memory_space<vmem>> -> memref<1x128xi32, #tpu.memory_space<vmem>>
    %dma_wait3A_255 = tpu.memref_squeeze %dma_wait3A_254 : memref<1x128xi32, #tpu.memory_space<vmem>> -> memref<128xi32, #tpu.memory_space<vmem>>
    %dma_wait3A_256 = arith.constant 0 : i32
    %dma_wait3A_257 = arith.constant 0 : i32
    %dma_wait3A_258 = tpu.memref_slice %arg2[%dma_wait3A_256, %dma_wait3A_257] : memref<10000x128xf32, #tpu.memory_space<hbm>> -> memref<10000x128xf32, #tpu.memory_space<hbm>>
    tpu.wait_indirect_dma semaphore(%arg10 : memref<!tpu.dma_semaphore, #tpu.memory_space<semaphore_mem>>) src(%dma_wait3A_258 : memref<10000x128xf32, #tpu.memory_space<hbm>>) dst(%dma_wait3A_252 : memref<128x128xf32, #tpu.memory_space<vmem>>)
    %rem3A_259 = arith.constant 78 : i32
    %rem3A_260 = arith.constant 8 : i32
    %rem3A_261 = arith.remsi %rem3A_259, %rem3A_260 : i32
    %dma_start3A_262 = arith.constant 0 : i32
    %dma_start3A_263 = arith.constant 0 : i32
    %dma_start3A_264 = arith.constant 0 : i32
    %dma_start3A_265 = tpu.memref_slice %arg8[%dma_start3A_262, %dma_start3A_263, %dma_start3A_264] : memref<2x128x128xf32, #tpu.memory_space<vmem>> -> memref<1x128x128xf32, #tpu.memory_space<vmem>>
    %dma_start3A_266 = tpu.memref_squeeze %dma_start3A_265 : memref<1x128x128xf32, #tpu.memory_space<vmem>> -> memref<128x128xf32, #tpu.memory_space<vmem>>
    %dma_start3A_267 = arith.constant 0 : i32
    %dma_start3A_268 = tpu.memref_slice %arg7[%rem3A_261, %dma_start3A_267] : memref<8x128xi32, #tpu.memory_space<vmem>> -> memref<1x128xi32, #tpu.memory_space<vmem>>
    %dma_start3A_269 = tpu.memref_squeeze %dma_start3A_268 : memref<1x128xi32, #tpu.memory_space<vmem>> -> memref<128xi32, #tpu.memory_space<vmem>>
    %dma_start3A_270 = arith.constant 0 : i32
    %dma_start3A_271 = arith.constant 0 : i32
    %dma_start3A_272 = tpu.memref_slice %arg9[%dma_start3A_270, %dma_start3A_271] : memref<10240x128xf32, #tpu.memory_space<vmem_shared>> -> memref<10240x128xf32, #tpu.memory_space<vmem_shared>>
    tpu.enqueue_indirect_dma source(%dma_start3A_266 : memref<128x128xf32, #tpu.memory_space<vmem>>) target(%dma_start3A_272 : memref<10240x128xf32, #tpu.memory_space<vmem_shared>>) offsets(%dma_start3A_269 : memref<128xi32, #tpu.memory_space<vmem>>) semaphore(%arg12 : memref<!tpu.dma_semaphore, #tpu.memory_space<semaphore_mem>>) {add = true}
    %dma_wait3A_273 = arith.constant 0 : i32
    %dma_wait3A_274 = arith.constant 0 : i32
    %dma_wait3A_275 = arith.constant 0 : i32
    %dma_wait3A_276 = tpu.memref_slice %arg8[%dma_wait3A_273, %dma_wait3A_274, %dma_wait3A_275] : memref<2x128x128xf32, #tpu.memory_space<vmem>> -> memref<1x128x128xf32, #tpu.memory_space<vmem>>
    %dma_wait3A_277 = tpu.memref_squeeze %dma_wait3A_276 : memref<1x128x128xf32, #tpu.memory_space<vmem>> -> memref<128x128xf32, #tpu.memory_space<vmem>>
    %dma_wait3A_278 = arith.constant 0 : i32
    %dma_wait3A_279 = tpu.memref_slice %arg7[%rem3A_261, %dma_wait3A_278] : memref<8x128xi32, #tpu.memory_space<vmem>> -> memref<1x128xi32, #tpu.memory_space<vmem>>
    %dma_wait3A_280 = tpu.memref_squeeze %dma_wait3A_279 : memref<1x128xi32, #tpu.memory_space<vmem>> -> memref<128xi32, #tpu.memory_space<vmem>>
    %dma_wait3A_281 = arith.constant 0 : i32
    %dma_wait3A_282 = arith.constant 0 : i32
    %dma_wait3A_283 = tpu.memref_slice %arg9[%dma_wait3A_281, %dma_wait3A_282] : memref<10240x128xf32, #tpu.memory_space<vmem_shared>> -> memref<10240x128xf32, #tpu.memory_space<vmem_shared>>
    tpu.wait_indirect_dma semaphore(%arg12 : memref<!tpu.dma_semaphore, #tpu.memory_space<semaphore_mem>>) src(%dma_wait3A_277 : memref<128x128xf32, #tpu.memory_space<vmem>>) dst(%dma_wait3A_283 : memref<10240x128xf32, #tpu.memory_space<vmem_shared>>)
    %rem3A_284 = arith.constant 79 : i32
    %rem3A_285 = arith.constant 8 : i32
    %rem3A_286 = arith.remsi %rem3A_284, %rem3A_285 : i32
    %dma_wait3A_287 = arith.constant 1 : i32
    %dma_wait3A_288 = arith.constant 0 : i32
    %dma_wait3A_289 = arith.constant 0 : i32
    %dma_wait3A_290 = tpu.memref_slice %arg8[%dma_wait3A_287, %dma_wait3A_288, %dma_wait3A_289] : memref<2x128x128xf32, #tpu.memory_space<vmem>> -> memref<1x128x128xf32, #tpu.memory_space<vmem>>
    %dma_wait3A_291 = tpu.memref_squeeze %dma_wait3A_290 : memref<1x128x128xf32, #tpu.memory_space<vmem>> -> memref<128x128xf32, #tpu.memory_space<vmem>>
    %dma_wait3A_292 = arith.constant 0 : i32
    %dma_wait3A_293 = tpu.memref_slice %arg6[%rem3A_286, %dma_wait3A_292] : memref<8x128xi32, #tpu.memory_space<vmem>> -> memref<1x128xi32, #tpu.memory_space<vmem>>
    %dma_wait3A_294 = tpu.memref_squeeze %dma_wait3A_293 : memref<1x128xi32, #tpu.memory_space<vmem>> -> memref<128xi32, #tpu.memory_space<vmem>>
    %dma_wait3A_295 = arith.constant 0 : i32
    %dma_wait3A_296 = arith.constant 0 : i32
    %dma_wait3A_297 = tpu.memref_slice %arg2[%dma_wait3A_295, %dma_wait3A_296] : memref<10000x128xf32, #tpu.memory_space<hbm>> -> memref<10000x128xf32, #tpu.memory_space<hbm>>
    tpu.wait_indirect_dma semaphore(%arg11 : memref<!tpu.dma_semaphore, #tpu.memory_space<semaphore_mem>>) src(%dma_wait3A_297 : memref<10000x128xf32, #tpu.memory_space<hbm>>) dst(%dma_wait3A_291 : memref<128x128xf32, #tpu.memory_space<vmem>>)
    %rem3A_298 = arith.constant 79 : i32
    %rem3A_299 = arith.constant 8 : i32
    %rem3A_300 = arith.remsi %rem3A_298, %rem3A_299 : i32
    %dma_start3A_301 = arith.constant 1 : i32
    %dma_start3A_302 = arith.constant 0 : i32
    %dma_start3A_303 = arith.constant 0 : i32
    %dma_start3A_304 = tpu.memref_slice %arg8[%dma_start3A_301, %dma_start3A_302, %dma_start3A_303] : memref<2x128x128xf32, #tpu.memory_space<vmem>> -> memref<1x128x128xf32, #tpu.memory_space<vmem>>
    %dma_start3A_305 = tpu.memref_squeeze %dma_start3A_304 : memref<1x128x128xf32, #tpu.memory_space<vmem>> -> memref<128x128xf32, #tpu.memory_space<vmem>>
    %dma_start3A_306 = arith.constant 0 : i32
    %dma_start3A_307 = tpu.memref_slice %arg7[%rem3A_300, %dma_start3A_306] : memref<8x128xi32, #tpu.memory_space<vmem>> -> memref<1x128xi32, #tpu.memory_space<vmem>>
    %dma_start3A_308 = tpu.memref_squeeze %dma_start3A_307 : memref<1x128xi32, #tpu.memory_space<vmem>> -> memref<128xi32, #tpu.memory_space<vmem>>
    %dma_start3A_309 = arith.constant 0 : i32
    %dma_start3A_310 = arith.constant 0 : i32
    %dma_start3A_311 = tpu.memref_slice %arg9[%dma_start3A_309, %dma_start3A_310] : memref<10240x128xf32, #tpu.memory_space<vmem_shared>> -> memref<10240x128xf32, #tpu.memory_space<vmem_shared>>
    tpu.enqueue_indirect_dma source(%dma_start3A_305 : memref<128x128xf32, #tpu.memory_space<vmem>>) target(%dma_start3A_311 : memref<10240x128xf32, #tpu.memory_space<vmem_shared>>) offsets(%dma_start3A_308 : memref<128xi32, #tpu.memory_space<vmem>>) semaphore(%arg13 : memref<!tpu.dma_semaphore, #tpu.memory_space<semaphore_mem>>) {add = true}
    %dma_wait3A_312 = arith.constant 1 : i32
    %dma_wait3A_313 = arith.constant 0 : i32
    %dma_wait3A_314 = arith.constant 0 : i32
    %dma_wait3A_315 = tpu.memref_slice %arg8[%dma_wait3A_312, %dma_wait3A_313, %dma_wait3A_314] : memref<2x128x128xf32, #tpu.memory_space<vmem>> -> memref<1x128x128xf32, #tpu.memory_space<vmem>>
    %dma_wait3A_316 = tpu.memref_squeeze %dma_wait3A_315 : memref<1x128x128xf32, #tpu.memory_space<vmem>> -> memref<128x128xf32, #tpu.memory_space<vmem>>
    %dma_wait3A_317 = arith.constant 0 : i32
    %dma_wait3A_318 = tpu.memref_slice %arg7[%rem3A_300, %dma_wait3A_317] : memref<8x128xi32, #tpu.memory_space<vmem>> -> memref<1x128xi32, #tpu.memory_space<vmem>>
    %dma_wait3A_319 = tpu.memref_squeeze %dma_wait3A_318 : memref<1x128xi32, #tpu.memory_space<vmem>> -> memref<128xi32, #tpu.memory_space<vmem>>
    %dma_wait3A_320 = arith.constant 0 : i32
    %dma_wait3A_321 = arith.constant 0 : i32
    %dma_wait3A_322 = tpu.memref_slice %arg9[%dma_wait3A_320, %dma_wait3A_321] : memref<10240x128xf32, #tpu.memory_space<vmem_shared>> -> memref<10240x128xf32, #tpu.memory_space<vmem_shared>>
    tpu.wait_indirect_dma semaphore(%arg13 : memref<!tpu.dma_semaphore, #tpu.memory_space<semaphore_mem>>) src(%dma_wait3A_316 : memref<128x128xf32, #tpu.memory_space<vmem>>) dst(%dma_wait3A_322 : memref<10240x128xf32, #tpu.memory_space<vmem_shared>>)
    %dma_wait3A_323 = arith.constant 0 : i32
    %dma_wait3A_324 = arith.constant 0 : i32
    %dma_wait3A_325 = arith.constant 0 : i32
    %dma_wait3A_326 = tpu.memref_slice %arg6[%dma_wait3A_324, %dma_wait3A_325] : memref<8x128xi32, #tpu.memory_space<vmem>> -> memref<1x128xi32, #tpu.memory_space<vmem>>
    %dma_wait3A_327 = tpu.memref_squeeze %dma_wait3A_326 : memref<1x128xi32, #tpu.memory_space<vmem>> -> memref<128xi32, #tpu.memory_space<vmem>>
    %dma_wait3A_328 = arith.constant 0 : i32
    %dma_wait3A_329 = tpu.memref_slice %arg3[%add3A, %dma_wait3A_323, %dma_wait3A_328] : memref<32x80x128xi32, #tpu.memory_space<hbm>> -> memref<1x1x128xi32, #tpu.memory_space<hbm>>
    %dma_wait3A_330 = tpu.memref_squeeze %dma_wait3A_329 : memref<1x1x128xi32, #tpu.memory_space<hbm>> -> memref<128xi32, #tpu.memory_space<hbm>>
    %dma_wait3A_331 = arith.constant 0 : i32
    %dma_wait3A_332 = tpu.memref_slice %arg6[%dma_wait3A_324, %dma_wait3A_331] : memref<8x128xi32, #tpu.memory_space<vmem>> -> memref<1x128xi32, #tpu.memory_space<vmem>>
    %dma_wait3A_333 = tpu.memref_squeeze %dma_wait3A_332 : memref<1x128xi32, #tpu.memory_space<vmem>> -> memref<128xi32, #tpu.memory_space<vmem>>
    %dma_wait3A_334 = arith.constant 0 : i32
    %dma_wait3A_335 = tpu.memref_slice %arg3[%add3A, %dma_wait3A_323, %dma_wait3A_334] : memref<32x80x128xi32, #tpu.memory_space<hbm>> -> memref<1x1x128xi32, #tpu.memory_space<hbm>>
    %dma_wait3A_336 = tpu.memref_squeeze %dma_wait3A_335 : memref<1x1x128xi32, #tpu.memory_space<hbm>> -> memref<128xi32, #tpu.memory_space<hbm>>
    tpu.wait_dma2 semaphore(%arg14 : memref<!tpu.dma_semaphore, #tpu.memory_space<semaphore_mem>>) src(%dma_wait3A_336 : memref<128xi32, #tpu.memory_space<hbm>>) dst(%dma_wait3A_333 : memref<128xi32, #tpu.memory_space<vmem>>)
    %dma_wait3A_337 = arith.constant 0 : i32
    %dma_wait3A_338 = arith.constant 0 : i32
    %dma_wait3A_339 = arith.constant 0 : i32
    %dma_wait3A_340 = tpu.memref_slice %arg7[%dma_wait3A_338, %dma_wait3A_339] : memref<8x128xi32, #tpu.memory_space<vmem>> -> memref<1x128xi32, #tpu.memory_space<vmem>>
    %dma_wait3A_341 = tpu.memref_squeeze %dma_wait3A_340 : memref<1x128xi32, #tpu.memory_space<vmem>> -> memref<128xi32, #tpu.memory_space<vmem>>
    %dma_wait3A_342 = arith.constant 0 : i32
    %dma_wait3A_343 = tpu.memref_slice %arg4[%add3A, %dma_wait3A_337, %dma_wait3A_342] : memref<32x80x128xi32, #tpu.memory_space<hbm>> -> memref<1x1x128xi32, #tpu.memory_space<hbm>>
    %dma_wait3A_344 = tpu.memref_squeeze %dma_wait3A_343 : memref<1x1x128xi32, #tpu.memory_space<hbm>> -> memref<128xi32, #tpu.memory_space<hbm>>
    %dma_wait3A_345 = arith.constant 0 : i32
    %dma_wait3A_346 = tpu.memref_slice %arg7[%dma_wait3A_338, %dma_wait3A_345] : memref<8x128xi32, #tpu.memory_space<vmem>> -> memref<1x128xi32, #tpu.memory_space<vmem>>
    %dma_wait3A_347 = tpu.memref_squeeze %dma_wait3A_346 : memref<1x128xi32, #tpu.memory_space<vmem>> -> memref<128xi32, #tpu.memory_space<vmem>>
    %dma_wait3A_348 = arith.constant 0 : i32
    %dma_wait3A_349 = tpu.memref_slice %arg4[%add3A, %dma_wait3A_337, %dma_wait3A_348] : memref<32x80x128xi32, #tpu.memory_space<hbm>> -> memref<1x1x128xi32, #tpu.memory_space<hbm>>
    %dma_wait3A_350 = tpu.memref_squeeze %dma_wait3A_349 : memref<1x1x128xi32, #tpu.memory_space<hbm>> -> memref<128xi32, #tpu.memory_space<hbm>>
    tpu.wait_dma2 semaphore(%arg15 : memref<!tpu.dma_semaphore, #tpu.memory_space<semaphore_mem>>) src(%dma_wait3A_350 : memref<128xi32, #tpu.memory_space<hbm>>) dst(%dma_wait3A_347 : memref<128xi32, #tpu.memory_space<vmem>>)
    %dma_wait3A_351 = arith.constant 0 : i32
    %dma_wait3A_352 = arith.constant 0 : i32
    %dma_wait3A_353 = arith.constant 0 : i32
    %dma_wait3A_354 = tpu.memref_slice %arg6[%dma_wait3A_352, %dma_wait3A_353] : memref<8x128xi32, #tpu.memory_space<vmem>> -> memref<1x128xi32, #tpu.memory_space<vmem>>
    %dma_wait3A_355 = tpu.memref_squeeze %dma_wait3A_354 : memref<1x128xi32, #tpu.memory_space<vmem>> -> memref<128xi32, #tpu.memory_space<vmem>>
    %dma_wait3A_356 = arith.constant 0 : i32
    %dma_wait3A_357 = tpu.memref_slice %arg3[%add3A, %dma_wait3A_351, %dma_wait3A_356] : memref<32x80x128xi32, #tpu.memory_space<hbm>> -> memref<1x1x128xi32, #tpu.memory_space<hbm>>
    %dma_wait3A_358 = tpu.memref_squeeze %dma_wait3A_357 : memref<1x1x128xi32, #tpu.memory_space<hbm>> -> memref<128xi32, #tpu.memory_space<hbm>>
    %dma_wait3A_359 = arith.constant 0 : i32
    %dma_wait3A_360 = tpu.memref_slice %arg6[%dma_wait3A_352, %dma_wait3A_359] : memref<8x128xi32, #tpu.memory_space<vmem>> -> memref<1x128xi32, #tpu.memory_space<vmem>>
    %dma_wait3A_361 = tpu.memref_squeeze %dma_wait3A_360 : memref<1x128xi32, #tpu.memory_space<vmem>> -> memref<128xi32, #tpu.memory_space<vmem>>
    %dma_wait3A_362 = arith.constant 0 : i32
    %dma_wait3A_363 = tpu.memref_slice %arg3[%add3A, %dma_wait3A_351, %dma_wait3A_362] : memref<32x80x128xi32, #tpu.memory_space<hbm>> -> memref<1x1x128xi32, #tpu.memory_space<hbm>>
    %dma_wait3A_364 = tpu.memref_squeeze %dma_wait3A_363 : memref<1x1x128xi32, #tpu.memory_space<hbm>> -> memref<128xi32, #tpu.memory_space<hbm>>
    tpu.wait_dma2 semaphore(%arg14 : memref<!tpu.dma_semaphore, #tpu.memory_space<semaphore_mem>>) src(%dma_wait3A_364 : memref<128xi32, #tpu.memory_space<hbm>>) dst(%dma_wait3A_361 : memref<128xi32, #tpu.memory_space<vmem>>)
    %dma_wait3A_365 = arith.constant 0 : i32
    %dma_wait3A_366 = arith.constant 0 : i32
    %dma_wait3A_367 = arith.constant 0 : i32
    %dma_wait3A_368 = tpu.memref_slice %arg7[%dma_wait3A_366, %dma_wait3A_367] : memref<8x128xi32, #tpu.memory_space<vmem>> -> memref<1x128xi32, #tpu.memory_space<vmem>>
    %dma_wait3A_369 = tpu.memref_squeeze %dma_wait3A_368 : memref<1x128xi32, #tpu.memory_space<vmem>> -> memref<128xi32, #tpu.memory_space<vmem>>
    %dma_wait3A_370 = arith.constant 0 : i32
    %dma_wait3A_371 = tpu.memref_slice %arg4[%add3A, %dma_wait3A_365, %dma_wait3A_370] : memref<32x80x128xi32, #tpu.memory_space<hbm>> -> memref<1x1x128xi32, #tpu.memory_space<hbm>>
    %dma_wait3A_372 = tpu.memref_squeeze %dma_wait3A_371 : memref<1x1x128xi32, #tpu.memory_space<hbm>> -> memref<128xi32, #tpu.memory_space<hbm>>
    %dma_wait3A_373 = arith.constant 0 : i32
    %dma_wait3A_374 = tpu.memref_slice %arg7[%dma_wait3A_366, %dma_wait3A_373] : memref<8x128xi32, #tpu.memory_space<vmem>> -> memref<1x128xi32, #tpu.memory_space<vmem>>
    %dma_wait3A_375 = tpu.memref_squeeze %dma_wait3A_374 : memref<1x128xi32, #tpu.memory_space<vmem>> -> memref<128xi32, #tpu.memory_space<vmem>>
    %dma_wait3A_376 = arith.constant 0 : i32
    %dma_wait3A_377 = tpu.memref_slice %arg4[%add3A, %dma_wait3A_365, %dma_wait3A_376] : memref<32x80x128xi32, #tpu.memory_space<hbm>> -> memref<1x1x128xi32, #tpu.memory_space<hbm>>
    %dma_wait3A_378 = tpu.memref_squeeze %dma_wait3A_377 : memref<1x1x128xi32, #tpu.memory_space<hbm>> -> memref<128xi32, #tpu.memory_space<hbm>>
    tpu.wait_dma2 semaphore(%arg15 : memref<!tpu.dma_semaphore, #tpu.memory_space<semaphore_mem>>) src(%dma_wait3A_378 : memref<128xi32, #tpu.memory_space<hbm>>) dst(%dma_wait3A_375 : memref<128xi32, #tpu.memory_space<vmem>>)
    %dma_wait3A_379 = arith.constant 0 : i32
    %dma_wait3A_380 = arith.constant 0 : i32
    %dma_wait3A_381 = arith.constant 0 : i32
    %dma_wait3A_382 = tpu.memref_slice %arg6[%dma_wait3A_380, %dma_wait3A_381] : memref<8x128xi32, #tpu.memory_space<vmem>> -> memref<1x128xi32, #tpu.memory_space<vmem>>
    %dma_wait3A_383 = tpu.memref_squeeze %dma_wait3A_382 : memref<1x128xi32, #tpu.memory_space<vmem>> -> memref<128xi32, #tpu.memory_space<vmem>>
    %dma_wait3A_384 = arith.constant 0 : i32
    %dma_wait3A_385 = tpu.memref_slice %arg3[%add3A, %dma_wait3A_379, %dma_wait3A_384] : memref<32x80x128xi32, #tpu.memory_space<hbm>> -> memref<1x1x128xi32, #tpu.memory_space<hbm>>
    %dma_wait3A_386 = tpu.memref_squeeze %dma_wait3A_385 : memref<1x1x128xi32, #tpu.memory_space<hbm>> -> memref<128xi32, #tpu.memory_space<hbm>>
    %dma_wait3A_387 = arith.constant 0 : i32
    %dma_wait3A_388 = tpu.memref_slice %arg6[%dma_wait3A_380, %dma_wait3A_387] : memref<8x128xi32, #tpu.memory_space<vmem>> -> memref<1x128xi32, #tpu.memory_space<vmem>>
    %dma_wait3A_389 = tpu.memref_squeeze %dma_wait3A_388 : memref<1x128xi32, #tpu.memory_space<vmem>> -> memref<128xi32, #tpu.memory_space<vmem>>
    %dma_wait3A_390 = arith.constant 0 : i32
    %dma_wait3A_391 = tpu.memref_slice %arg3[%add3A, %dma_wait3A_379, %dma_wait3A_390] : memref<32x80x128xi32, #tpu.memory_space<hbm>> -> memref<1x1x128xi32, #tpu.memory_space<hbm>>
    %dma_wait3A_392 = tpu.memref_squeeze %dma_wait3A_391 : memref<1x1x128xi32, #tpu.memory_space<hbm>> -> memref<128xi32, #tpu.memory_space<hbm>>
    tpu.wait_dma2 semaphore(%arg14 : memref<!tpu.dma_semaphore, #tpu.memory_space<semaphore_mem>>) src(%dma_wait3A_392 : memref<128xi32, #tpu.memory_space<hbm>>) dst(%dma_wait3A_389 : memref<128xi32, #tpu.memory_space<vmem>>)
    %dma_wait3A_393 = arith.constant 0 : i32
    %dma_wait3A_394 = arith.constant 0 : i32
    %dma_wait3A_395 = arith.constant 0 : i32
    %dma_wait3A_396 = tpu.memref_slice %arg7[%dma_wait3A_394, %dma_wait3A_395] : memref<8x128xi32, #tpu.memory_space<vmem>> -> memref<1x128xi32, #tpu.memory_space<vmem>>
    %dma_wait3A_397 = tpu.memref_squeeze %dma_wait3A_396 : memref<1x128xi32, #tpu.memory_space<vmem>> -> memref<128xi32, #tpu.memory_space<vmem>>
    %dma_wait3A_398 = arith.constant 0 : i32
    %dma_wait3A_399 = tpu.memref_slice %arg4[%add3A, %dma_wait3A_393, %dma_wait3A_398] : memref<32x80x128xi32, #tpu.memory_space<hbm>> -> memref<1x1x128xi32, #tpu.memory_space<hbm>>
    %dma_wait3A_400 = tpu.memref_squeeze %dma_wait3A_399 : memref<1x1x128xi32, #tpu.memory_space<hbm>> -> memref<128xi32, #tpu.memory_space<hbm>>
    %dma_wait3A_401 = arith.constant 0 : i32
    %dma_wait3A_402 = tpu.memref_slice %arg7[%dma_wait3A_394, %dma_wait3A_401] : memref<8x128xi32, #tpu.memory_space<vmem>> -> memref<1x128xi32, #tpu.memory_space<vmem>>
    %dma_wait3A_403 = tpu.memref_squeeze %dma_wait3A_402 : memref<1x128xi32, #tpu.memory_space<vmem>> -> memref<128xi32, #tpu.memory_space<vmem>>
    %dma_wait3A_404 = arith.constant 0 : i32
    %dma_wait3A_405 = tpu.memref_slice %arg4[%add3A, %dma_wait3A_393, %dma_wait3A_404] : memref<32x80x128xi32, #tpu.memory_space<hbm>> -> memref<1x1x128xi32, #tpu.memory_space<hbm>>
    %dma_wait3A_406 = tpu.memref_squeeze %dma_wait3A_405 : memref<1x1x128xi32, #tpu.memory_space<hbm>> -> memref<128xi32, #tpu.memory_space<hbm>>
    tpu.wait_dma2 semaphore(%arg15 : memref<!tpu.dma_semaphore, #tpu.memory_space<semaphore_mem>>) src(%dma_wait3A_406 : memref<128xi32, #tpu.memory_space<hbm>>) dst(%dma_wait3A_403 : memref<128xi32, #tpu.memory_space<vmem>>)
    %barrier3A_407 = arith.constant 0 : index
    tpu.barrier barrier_id(%barrier3A_407)
    "tpu.region"() ({
      %run_scoped3A = tpu.sem_alloc : memref<!tpu.dma_semaphore, #tpu.memory_space<semaphore_mem>>
      %dma_start3A_408 = arith.constant 0 : i32
      %dma_start3A_409 = tpu.memref_slice %arg5[%arg0, %mul3A_2, %dma_start3A_408] : memref<2x10240x128xf32, #tpu.memory_space<hbm>> -> memref<1x640x128xf32, #tpu.memory_space<hbm>>
      %dma_start3A_410 = tpu.memref_squeeze %dma_start3A_409 : memref<1x640x128xf32, #tpu.memory_space<hbm>> -> memref<640x128xf32, #tpu.memory_space<hbm>>
      %dma_start3A_411 = arith.constant 0 : i32
      %dma_start3A_412 = tpu.memref_slice %arg9[%mul3A_2, %dma_start3A_411] : memref<10240x128xf32, #tpu.memory_space<vmem_shared>> -> memref<640x128xf32, #tpu.memory_space<vmem_shared>>
      tpu.enqueue_dma source(%dma_start3A_412 : memref<640x128xf32, #tpu.memory_space<vmem_shared>>) target(%dma_start3A_410 : memref<640x128xf32, #tpu.memory_space<hbm>>) target_semaphore(%run_scoped3A : memref<!tpu.dma_semaphore, #tpu.memory_space<semaphore_mem>>)
      %dma_wait3A_413 = arith.constant 0 : i32
      %dma_wait3A_414 = tpu.memref_slice %arg5[%arg0, %mul3A_2, %dma_wait3A_413] : memref<2x10240x128xf32, #tpu.memory_space<hbm>> -> memref<1x640x128xf32, #tpu.memory_space<hbm>>
      %dma_wait3A_415 = tpu.memref_squeeze %dma_wait3A_414 : memref<1x640x128xf32, #tpu.memory_space<hbm>> -> memref<640x128xf32, #tpu.memory_space<hbm>>
      %dma_wait3A_416 = arith.constant 0 : i32
      %dma_wait3A_417 = tpu.memref_slice %arg9[%mul3A_2, %dma_wait3A_416] : memref<10240x128xf32, #tpu.memory_space<vmem_shared>> -> memref<640x128xf32, #tpu.memory_space<vmem_shared>>
      tpu.wait_dma2 semaphore(%run_scoped3A : memref<!tpu.dma_semaphore, #tpu.memory_space<semaphore_mem>>) src(%dma_wait3A_417 : memref<640x128xf32, #tpu.memory_space<vmem_shared>>) dst(%dma_wait3A_415 : memref<640x128xf32, #tpu.memory_space<hbm>>)
      tpu.yield
    }) : () -> ()
    return
  }
}

module attributes {stable_mosaic.version = 14 : i64} {
  func.func @_tc_mm_body(%arg0: memref<10000x128xf32, #tpu.memory_space<vmem>>, %arg1: memref<128x128xf32, #tpu.memory_space<vmem>>, %arg2: memref<10000x128xf32, #tpu.memory_space<vmem>>) attributes {dimension_semantics = [], scalar_prefetch = 0 : i64, scratch_operands = 0 : i64, tpu.core_type = #tpu.core_type<tc>} {
    %get3A = arith.constant 0 : index
    %get3A_0 = arith.constant 0 : index
    %get3A_1 = vector.load %arg0[%get3A, %get3A_0] : memref<10000x128xf32, #tpu.memory_space<vmem>>, vector<10000x128xf32>
    %get3A_2 = arith.constant 0 : index
    %get3A_3 = arith.constant 0 : index
    %get3A_4 = vector.load %arg1[%get3A_2, %get3A_3] : memref<128x128xf32, #tpu.memory_space<vmem>>, vector<128x128xf32>
    %dot_general3A = arith.constant dense<0.000000e+00> : vector<10000x128xf32>
    %dot_general3A_5 = tpu.matmul %get3A_1, %get3A_4, %dot_general3A {dimension_numbers = #tpu.dot_dimension_numbers<[1], [0], [0], [1], [0, 0, 1, 1], [], []>, transpose_lhs_hint = false} : vector<10000x128xf32>, vector<128x128xf32>, vector<10000x128xf32> -> vector<10000x128xf32>
    %swap3A = arith.constant 0 : index
    %swap3A_6 = arith.constant 0 : index
    %swap3A_7 = vector.load %arg2[%swap3A, %swap3A_6] : memref<10000x128xf32, #tpu.memory_space<vmem>>, vector<10000x128xf32>
    tpu.vector_store %arg2[%swap3A, %swap3A_6], %dot_general3A_5 {strides = array<i32>} : memref<10000x128xf32, #tpu.memory_space<vmem>>, vector<10000x128xf32>,
    return
  }
}

module attributes {stable_mosaic.version = 14 : i64} {
  func.func @_tc_prep_body(%arg0: memref<2x10240x16xf32, #tpu.memory_space<vmem>>, %arg1: memref<10000x128xf32, #tpu.memory_space<vmem>>, %arg2: memref<10000x1xf32, #tpu.memory_space<vmem>>, %arg3: memref<10000x128xf32, #tpu.memory_space<vmem>>, %arg4: memref<10000x1xf32, #tpu.memory_space<vmem>>) attributes {dimension_semantics = [], scalar_prefetch = 0 : i64, scratch_operands = 0 : i64, tpu.core_type = #tpu.core_type<tc>} {
    %get3A = arith.constant 0 : index
    %get3A_0 = arith.constant 0 : index
    %get3A_1 = arith.constant 0 : index
    %get3A_2 = vector.load %arg0[%get3A, %get3A_0, %get3A_1] : memref<2x10240x16xf32, #tpu.memory_space<vmem>>, vector<1x10000x1xf32>
    %get3A_3 = vector.shape_cast %get3A_2 : vector<1x10000x1xf32> to vector<10000x1xf32>
    %get3A_4 = arith.constant 1 : index
    %get3A_5 = arith.constant 0 : index
    %get3A_6 = arith.constant 0 : index
    %get3A_7 = vector.load %arg0[%get3A_4, %get3A_5, %get3A_6] : memref<2x10240x16xf32, #tpu.memory_space<vmem>>, vector<1x10000x1xf32>
    %get3A_8 = vector.shape_cast %get3A_7 : vector<1x10000x1xf32> to vector<10000x1xf32>
    %add3A = arith.addf %get3A_3, %get3A_8 : vector<10000x1xf32>
    %get3A_9 = arith.constant 0 : index
    %get3A_10 = arith.constant 0 : index
    %get3A_11 = vector.load %arg2[%get3A_9, %get3A_10] : memref<10000x1xf32, #tpu.memory_space<vmem>>, vector<10000x1xf32>
    %add3A_12 = arith.addf %add3A, %get3A_11 : vector<10000x1xf32>
    %rsqrt3A = math.rsqrt %add3A_12 : vector<10000x1xf32>
    %swap3A = arith.constant 0 : index
    %swap3A_13 = arith.constant 0 : index
    %swap3A_14 = vector.load %arg4[%swap3A, %swap3A_13] : memref<10000x1xf32, #tpu.memory_space<vmem>>, vector<10000x1xf32>
    tpu.vector_store %arg4[%swap3A, %swap3A_13], %rsqrt3A {strides = array<i32>} : memref<10000x1xf32, #tpu.memory_space<vmem>>, vector<10000x1xf32>,
    %get3A_15 = arith.constant 0 : index
    %get3A_16 = arith.constant 0 : index
    %get3A_17 = vector.load %arg1[%get3A_15, %get3A_16] : memref<10000x128xf32, #tpu.memory_space<vmem>>, vector<10000x128xf32>
    %mul3A = vector.broadcast %rsqrt3A : vector<10000x1xf32> to vector<10000x128xf32>
    %mul3A_18 = arith.mulf %get3A_17, %mul3A : vector<10000x128xf32>
    %swap3A_19 = arith.constant 0 : index
    %swap3A_20 = arith.constant 0 : index
    %swap3A_21 = vector.load %arg3[%swap3A_19, %swap3A_20] : memref<10000x128xf32, #tpu.memory_space<vmem>>, vector<10000x128xf32>
    tpu.vector_store %arg3[%swap3A_19, %swap3A_20], %mul3A_18 {strides = array<i32>} : memref<10000x128xf32, #tpu.memory_space<vmem>>, vector<10000x128xf32>,
    return
  }
}

module attributes {stable_mosaic.version = 14 : i64} {
  func.func @_tc_mid_body(%arg0: memref<2x10240x128xf32, #tpu.memory_space<vmem>>, %arg1: memref<10000x128xf32, #tpu.memory_space<vmem>>, %arg2: memref<10000x1xf32, #tpu.memory_space<vmem>>, %arg3: memref<10000x1xf32, #tpu.memory_space<vmem>>, %arg4: memref<1x128xf32, #tpu.memory_space<vmem>>, %arg5: memref<10000x128xf32, #tpu.memory_space<vmem>>) attributes {dimension_semantics = [], scalar_prefetch = 0 : i64, scratch_operands = 0 : i64, tpu.core_type = #tpu.core_type<tc>} {
    %get3A = arith.constant 0 : index
    %get3A_0 = arith.constant 0 : index
    %get3A_1 = vector.load %arg2[%get3A, %get3A_0] : memref<10000x1xf32, #tpu.memory_space<vmem>>, vector<10000x1xf32>
    %get3A_2 = arith.constant 0 : index
    %get3A_3 = arith.constant 0 : index
    %get3A_4 = arith.constant 0 : index
    %get3A_5 = vector.load %arg0[%get3A_2, %get3A_3, %get3A_4] : memref<2x10240x128xf32, #tpu.memory_space<vmem>>, vector<1x10000x128xf32>
    %get3A_6 = vector.shape_cast %get3A_5 : vector<1x10000x128xf32> to vector<10000x128xf32>
    %get3A_7 = arith.constant 1 : index
    %get3A_8 = arith.constant 0 : index
    %get3A_9 = arith.constant 0 : index
    %get3A_10 = vector.load %arg0[%get3A_7, %get3A_8, %get3A_9] : memref<2x10240x128xf32, #tpu.memory_space<vmem>>, vector<1x10000x128xf32>
    %get3A_11 = vector.shape_cast %get3A_10 : vector<1x10000x128xf32> to vector<10000x128xf32>
    %add3A = arith.addf %get3A_6, %get3A_11 : vector<10000x128xf32>
    %get3A_12 = arith.constant 0 : index
    %get3A_13 = arith.constant 0 : index
    %get3A_14 = vector.load %arg3[%get3A_12, %get3A_13] : memref<10000x1xf32, #tpu.memory_space<vmem>>, vector<10000x1xf32>
    %get3A_15 = arith.constant 0 : index
    %get3A_16 = arith.constant 0 : index
    %get3A_17 = vector.load %arg1[%get3A_15, %get3A_16] : memref<10000x128xf32, #tpu.memory_space<vmem>>, vector<10000x128xf32>
    %mul3A = vector.broadcast %get3A_14 : vector<10000x1xf32> to vector<10000x128xf32>
    %mul3A_18 = arith.mulf %mul3A, %get3A_17 : vector<10000x128xf32>
    %add3A_19 = arith.addf %add3A, %mul3A_18 : vector<10000x128xf32>
    %mul3A_20 = vector.broadcast %get3A_1 : vector<10000x1xf32> to vector<10000x128xf32>
    %mul3A_21 = arith.mulf %add3A_19, %mul3A_20 : vector<10000x128xf32>
    %get3A_22 = arith.constant 0 : index
    %get3A_23 = arith.constant 0 : index
    %get3A_24 = vector.load %arg4[%get3A_22, %get3A_23] : memref<1x128xf32, #tpu.memory_space<vmem>>, vector<1x128xf32>
    %add3A_25 = vector.broadcast %get3A_24 : vector<1x128xf32> to vector<10000x128xf32>
    %add3A_26 = arith.addf %mul3A_21, %add3A_25 : vector<10000x128xf32>
    %max3A = arith.constant 0.000000e+00 : f32
    %max3A_27 = vector.broadcast %max3A : f32 to vector<10000x128xf32>
    %max3A_28 = arith.maximumf %add3A_26, %max3A_27 : vector<10000x128xf32>
    %mul3A_29 = vector.broadcast %get3A_1 : vector<10000x1xf32> to vector<10000x128xf32>
    %mul3A_30 = arith.mulf %max3A_28, %mul3A_29 : vector<10000x128xf32>
    %swap3A = arith.constant 0 : index
    %swap3A_31 = arith.constant 0 : index
    %swap3A_32 = vector.load %arg5[%swap3A, %swap3A_31] : memref<10000x128xf32, #tpu.memory_space<vmem>>, vector<10000x128xf32>
    tpu.vector_store %arg5[%swap3A, %swap3A_31], %mul3A_30 {strides = array<i32>} : memref<10000x128xf32, #tpu.memory_space<vmem>>, vector<10000x128xf32>,
    return
  }
}

module attributes {stable_mosaic.version = 14 : i64} {
  func.func @_tc_out_body(%arg0: memref<2x10240x128xf32, #tpu.memory_space<vmem>>, %arg1: memref<10000x128xf32, #tpu.memory_space<vmem>>, %arg2: memref<10000x1xf32, #tpu.memory_space<vmem>>, %arg3: memref<10000x1xf32, #tpu.memory_space<vmem>>, %arg4: memref<128x64xf32, #tpu.memory_space<vmem>>, %arg5: memref<1x64xf32, #tpu.memory_space<vmem>>, %arg6: memref<128x64xf32, #tpu.memory_space<vmem>>, %arg7: memref<1x64xf32, #tpu.memory_space<vmem>>, %arg8: memref<10000x64xf32, #tpu.memory_space<vmem>>, %arg9: memref<10000x64xf32, #tpu.memory_space<vmem>>) attributes {dimension_semantics = [], scalar_prefetch = 0 : i64, scratch_operands = 0 : i64, tpu.core_type = #tpu.core_type<tc>} {
    %get3A = arith.constant 0 : index
    %get3A_0 = arith.constant 0 : index
    %get3A_1 = arith.constant 0 : index
    %get3A_2 = vector.load %arg0[%get3A, %get3A_0, %get3A_1] : memref<2x10240x128xf32, #tpu.memory_space<vmem>>, vector<1x10000x128xf32>
    %get3A_3 = vector.shape_cast %get3A_2 : vector<1x10000x128xf32> to vector<10000x128xf32>
    %get3A_4 = arith.constant 1 : index
    %get3A_5 = arith.constant 0 : index
    %get3A_6 = arith.constant 0 : index
    %get3A_7 = vector.load %arg0[%get3A_4, %get3A_5, %get3A_6] : memref<2x10240x128xf32, #tpu.memory_space<vmem>>, vector<1x10000x128xf32>
    %get3A_8 = vector.shape_cast %get3A_7 : vector<1x10000x128xf32> to vector<10000x128xf32>
    %add3A = arith.addf %get3A_3, %get3A_8 : vector<10000x128xf32>
    %get3A_9 = arith.constant 0 : index
    %get3A_10 = arith.constant 0 : index
    %get3A_11 = vector.load %arg3[%get3A_9, %get3A_10] : memref<10000x1xf32, #tpu.memory_space<vmem>>, vector<10000x1xf32>
    %get3A_12 = arith.constant 0 : index
    %get3A_13 = arith.constant 0 : index
    %get3A_14 = vector.load %arg1[%get3A_12, %get3A_13] : memref<10000x128xf32, #tpu.memory_space<vmem>>, vector<10000x128xf32>
    %mul3A = vector.broadcast %get3A_11 : vector<10000x1xf32> to vector<10000x128xf32>
    %mul3A_15 = arith.mulf %mul3A, %get3A_14 : vector<10000x128xf32>
    %add3A_16 = arith.addf %add3A, %mul3A_15 : vector<10000x128xf32>
    %get3A_17 = arith.constant 0 : index
    %get3A_18 = arith.constant 0 : index
    %get3A_19 = vector.load %arg2[%get3A_17, %get3A_18] : memref<10000x1xf32, #tpu.memory_space<vmem>>, vector<10000x1xf32>
    %mul3A_20 = vector.broadcast %get3A_19 : vector<10000x1xf32> to vector<10000x128xf32>
    %mul3A_21 = arith.mulf %add3A_16, %mul3A_20 : vector<10000x128xf32>
    %get3A_22 = arith.constant 0 : index
    %get3A_23 = arith.constant 0 : index
    %get3A_24 = vector.load %arg4[%get3A_22, %get3A_23] : memref<128x64xf32, #tpu.memory_space<vmem>>, vector<128x64xf32>
    %dot_general3A = arith.constant dense<0.000000e+00> : vector<10000x64xf32>
    %dot_general3A_25 = tpu.matmul %mul3A_21, %get3A_24, %dot_general3A {dimension_numbers = #tpu.dot_dimension_numbers<[1], [0], [0], [1], [0, 0, 1, 1], [], []>, transpose_lhs_hint = false} : vector<10000x128xf32>, vector<128x64xf32>, vector<10000x64xf32> -> vector<10000x64xf32>
    %get3A_26 = arith.constant 0 : index
    %get3A_27 = arith.constant 0 : index
    %get3A_28 = vector.load %arg5[%get3A_26, %get3A_27] : memref<1x64xf32, #tpu.memory_space<vmem>>, vector<1x64xf32>
    %add3A_29 = vector.broadcast %get3A_28 : vector<1x64xf32> to vector<10000x64xf32>
    %add3A_30 = arith.addf %dot_general3A_25, %add3A_29 : vector<10000x64xf32>
    %swap3A = arith.constant 0 : index
    %swap3A_31 = arith.constant 0 : index
    %swap3A_32 = vector.load %arg8[%swap3A, %swap3A_31] : memref<10000x64xf32, #tpu.memory_space<vmem>>, vector<10000x64xf32>
    tpu.vector_store %arg8[%swap3A, %swap3A_31], %add3A_30 {strides = array<i32>} : memref<10000x64xf32, #tpu.memory_space<vmem>>, vector<10000x64xf32>,
    %get3A_33 = arith.constant 0 : index
    %get3A_34 = arith.constant 0 : index
    %get3A_35 = vector.load %arg6[%get3A_33, %get3A_34] : memref<128x64xf32, #tpu.memory_space<vmem>>, vector<128x64xf32>
    %dot_general3A_36 = arith.constant dense<0.000000e+00> : vector<10000x64xf32>
    %dot_general3A_37 = tpu.matmul %mul3A_21, %get3A_35, %dot_general3A_36 {dimension_numbers = #tpu.dot_dimension_numbers<[1], [0], [0], [1], [0, 0, 1, 1], [], []>, transpose_lhs_hint = false} : vector<10000x128xf32>, vector<128x64xf32>, vector<10000x64xf32> -> vector<10000x64xf32>
    %get3A_38 = arith.constant 0 : index
    %get3A_39 = arith.constant 0 : index
    %get3A_40 = vector.load %arg7[%get3A_38, %get3A_39] : memref<1x64xf32, #tpu.memory_space<vmem>>, vector<1x64xf32>
    %add3A_41 = vector.broadcast %get3A_40 : vector<1x64xf32> to vector<10000x64xf32>
    %add3A_42 = arith.addf %dot_general3A_37, %add3A_41 : vector<10000x64xf32>
    %swap3A_43 = arith.constant 0 : index
    %swap3A_44 = arith.constant 0 : index
    %swap3A_45 = vector.load %arg9[%swap3A_43, %swap3A_44] : memref<10000x64xf32, #tpu.memory_space<vmem>>, vector<10000x64xf32>
    tpu.vector_store %arg9[%swap3A_43, %swap3A_44], %add3A_42 {strides = array<i32>} : memref<10000x64xf32, #tpu.memory_space<vmem>>, vector<10000x64xf32>,
    return
  }
}

</mosaic_0001>

<sc_bundles>
// kernel: kernel.12.cloned.1.call-start
scs
__scs_entry_jumppad:
0x0: {  	(pc) =	sbr.rel $0x88, $3  }
0x1: {  	(tag) =	ssettag $0x0;
	lr =	simm.s32 $0x1  }
0x2: {  	[smem:$0x3F99] =	sst lr;
	_ =	strace $0xD0000000  }
0x3: {  	_ = 	snop  }
0x4: {  	_ = 	snop  }
0x5: {  	_ = 	snop  }
0x6: {  	_ = 	snop  }
0x7: {  	_ = 	snop  }
__scs_overlays_trampoline_lowered:
0x8: {  	[smem:$0x3FA8] =	sst s0  }
0x9: {  	[smem:$0x3FA9] =	sst s1  }
0xa: {  	[smem:$0x3FAA] =	sst s2  }
0xb: {  	[smem:$0x3FAB] =	sst s3  }
0xc: {  	[smem:$0x3FAC] =	sst s4  }
0xd: {  	[smem:$0x3FAD] =	sst s5  }
0xe: {  	[smem:$0x3FAE] =	sst s6  }
0xf: {  	[smem:$0x3FAF] =	sst s7  }
0x10: {  	[smem:$0x3FB0] =	sst s8  }
0x11: {  	[smem:$0x3FB1] =	sst s9;
	s0 =	simm.s32 @!p0 $0x0  }
0x12: {  	s1 =	sld [smem:$0x3F97];
	s0 =	simm.s32 @p0 $0x1  }
0x13: {  	[smem:$0x3FB2] =	sst s0;
	s0 =	simm.s32 @!p1 $0x0  }
0x14: {  	s2 =	sld [smem:$0x3F96];
	s0 =	simm.s32 @p1 $0x1  }
0x15: {  	[smem:$0x3FB3] =	sst s0;
	s0 =	simm.s32 @!p2 $0x0  }
0x16: {  	s3 =	sld [smem:$0x3FDB];
	s0 =	simm.s32 @p2 $0x1  }
0x17: {  	s4 =	simm.s32 $0x1BF5;
	[smem:$0x3FB5] =	sst s0  }
0x18: {  	s0 =	sld [smem:$0x3F98];
	_ =	swait.ge [sflag:s4], $0x0  }
0x19: {  	s7 =	sld [smem:$0x3F99]  }
0x1a: {  	s8 =	sadd.s32 $0xFFFFE003, lr  }
0x1b: {  	s9 =	sadd.s32 $0xFFFFFEF7, lr;
	s5 =	simm.s32 $0xFFFFFFFF;
	p2 =	slt.u32 s8, $0xFFFFF086  }
0x1c: {  	p1 =	slt.u32 s9, $0xF7A;
	s5 =	simm.s32 @!p2 $0x0  }
0x1d: {  	s5 =	simm.s32 @p1 $0x1;
	p0 =	seq.s32 s7, s2  }
0x1e: {  	s7 =	smul.u32 @!p0 $0xF7A, s2;
	p2 =	seq.s32 @!p0 s5, $0x0  }
0x1f: {  	s9 =	smul.u32 $0xF7A, s1;
	s8 =	simm.s32 @!p0 $0x1BF5;
	p2 =	por !p2, p0  }
0x20: {  	[sflag:s8] =	ssyncset.s32 @!p0 $0xFFFFF086;
	s6 =	sadd.s32 @!p0 s3, s7;
	s7 =	simm.s32 @!p0 $0x108  }
0x21: {  	s3 =	sadd.s32 s3, s9;
	s6 =	sadd.s32 @!p0 $0x88, s6;
	s7 =	simm.s32 @p2 $0x1082  }
0x22: {  	[simem:s7], [sflag:s8] =	dma.local @!p0 [hbm:s6], $0xF7A  }
0x23: {  	s9 =	sor.u32 $0xD0000000, s2;
	s6 =	simm.s32 $0x108;
	_ =	swait.ge @!p0 [sflag:s8], $0x0  }
0x24: {  	s3 =	sadd.s32 $0x88, s3;
	s6 =	simm.s32 @!p1 $0x1082;
	[sflag:s4] =	ssyncset.s32 $0xFFFFF086  }
0x25: {  	[simem:s6], [sflag:s4] =	dma.local [hbm:s3], $0xF7A  }
0x26: {  	[smem:$0x3F99] =	sst s1;
	(tag) =	ssettag s2;
	_ =	strace s9  }
0x27: {  	s1 =	sld [smem:$0x3FA9]  }
0x28: {  	s2 =	sld [smem:$0x3FAA]  }
0x29: {  	s4 =	sld [smem:$0x3FAC]  }
0x2a: {  	p0 =	seq.s32 s5, $0x0;
	s5 =	sld [smem:$0x3FAD]  }
0x2b: {  	s6 =	sld [smem:$0x3FAE]  }
0x2c: {  	s7 =	sld [smem:$0x3FAF]  }
0x2d: {  	s3 =	simm.s32 $0x108;
	s8 =	sld [smem:$0x3FB0]  }
0x2e: {  	s3 =	simm.s32 @!p0 $0x1082;
	s9 =	sld [smem:$0x3FB1]  }
0x2f: {  	lr =	sadd.s32 s0, s3;
	s0 =	sld [smem:$0x3FA8]  }
0x30: {  	s3 =	sld [smem:$0x3FAB]  }
0x31: {  	[smem:$0x3FB4] =	sst s10  }
0x32: {  	s10 =	sld [smem:$0x3FB2];
	_ =	sdelay $0x3  }
0x33: {  	p0 =	seq.s32 s10, $0x1;
	s10 =	sld [smem:$0x3FB4];
	_ =	sdelay $0x3  }
0x34: {  	[smem:$0x3FB4] =	sst s10  }
0x35: {  	s10 =	sld [smem:$0x3FB3];
	_ =	sdelay $0x3  }
0x36: {  	p1 =	seq.s32 s10, $0x1;
	s10 =	sld [smem:$0x3FB4];
	_ =	sdelay $0x3  }
0x37: {  	[smem:$0x3FB4] =	sst s10  }
0x38: {  	s10 =	sld [smem:$0x3FB5]  }
0x39: {  	_ = 	snop;
	(pc) =	sbr.ind lr, $3  }
0x3a: {  	_ = 	snop  }
0x3b: {  	_ = 	snop  }
0x3c: {  	p2 =	seq.s32 s10, $0x1;
	s10 =	sld [smem:$0x3FB4]  }
0x3d: {  	_ =	shalt  }
0x3e: {  	_ =	shalt  }
0x3f: {  	_ =	shalt  }
0x40: {  	_ =	shalt  }
0x41: {  	_ =	shalt  }
0x42: {  	_ =	shalt  }
0x43: {  	_ =	shalt  }
0x44: {  	_ =	shalt  }
0x45: {  	_ =	shalt  }
0x46: {  	_ =	shalt  }
0x47: {  	_ =	shalt  }
0x48: {  	_ =	shalt  }
0x49: {  	_ =	shalt  }
0x4a: {  	_ =	shalt  }
0x4b: {  	_ =	shalt  }
0x4c: {  	_ =	shalt  }
0x4d: {  	_ =	shalt  }
0x4e: {  	_ =	shalt  }
0x4f: {  	_ =	shalt  }
0x50: {  	_ =	shalt  }
0x51: {  	_ =	shalt  }
0x52: {  	_ =	shalt  }
0x53: {  	_ =	shalt  }
0x54: {  	_ =	shalt  }
0x55: {  	_ =	shalt  }
0x56: {  	_ =	shalt  }
0x57: {  	_ =	shalt  }
0x58: {  	_ =	shalt  }
0x59: {  	_ =	shalt  }
0x5a: {  	_ =	shalt  }
0x5b: {  	_ =	shalt  }
0x5c: {  	_ =	shalt  }
0x5d: {  	_ =	shalt  }
0x5e: {  	_ =	shalt  }
0x5f: {  	_ =	shalt  }
0x60: {  	_ =	shalt  }
0x61: {  	_ =	shalt  }
0x62: {  	_ =	shalt  }
0x63: {  	_ =	shalt  }
0x64: {  	_ =	shalt  }
0x65: {  	_ =	shalt  }
0x66: {  	_ =	shalt  }
0x67: {  	_ =	shalt  }
0x68: {  	_ =	shalt  }
0x69: {  	_ =	shalt  }
0x6a: {  	_ =	shalt  }
0x6b: {  	_ =	shalt  }
0x6c: {  	_ =	shalt  }
0x6d: {  	_ =	shalt  }
0x6e: {  	_ =	shalt  }
0x6f: {  	_ =	shalt  }
0x70: {  	_ =	shalt  }
0x71: {  	_ =	shalt  }
0x72: {  	_ =	shalt  }
0x73: {  	_ =	shalt  }
0x74: {  	_ =	shalt  }
0x75: {  	_ =	shalt  }
0x76: {  	_ =	shalt  }
0x77: {  	_ =	shalt  }
0x78: {  	_ =	shalt  }
0x79: {  	_ =	shalt  }
0x7a: {  	_ =	shalt  }
0x7b: {  	_ =	shalt  }
0x7c: {  	_ =	shalt  }
0x7d: {  	_ =	shalt  }
0x7e: {  	_ =	shalt  }
0x7f: {  	_ =	shalt  }
0x80: {  	_ =	shalt  }
0x81: {  	_ =	shalt  }
0x82: {  	_ =	shalt  }
0x83: {  	_ =	shalt  }
0x84: {  	_ =	shalt  }
0x85: {  	_ =	shalt  }
0x86: {  	_ =	shalt  }
0x87: {  	_ =	shalt  }
.Lfunc_end0:
.L_simem_size_0:
called_computation.1_lowered:
.L_overlay_start_0:
0x88: {  	s2 =	sld [smem:$0x3FD9]  }
0x89: {  	s3 =	sld [smem:$0x3FFE];
	_ =	sdelay $0x1  }
0x8a: {  	s1 =	srdreg.scid  }
0x8b: {  	s0 =	sand.u32 $0x1, s1  }
0x8c: {  	s14 =	sshll.u32 s0, $0xA;
	s2 =	sadd.s32 s3, s2  }
0x8d: {  	s2 =	sadd.s32 s2, s14  }
0x8e: {  	[smem:$0x3FC0] =	sst s2  }
0x8f: {  	_ = 	snop  }
0x90: {  	s2 =	sld [smem:$0x3FD0];
	_ =	sdelay $0x2  }
0x91: {  	s15 =	simm.s32 $0xA;
	s4 =	simm.s32 $0x10  }
0x92: {  	[smem:s4], [sflag:s15] =	dma.local [hbm:s2], $0x1  }
0x93: {  	_ =	swait.eq [sflag:s15], $0x1  }
0x94: {  	[sflag:s15] =	ssyncset.done $0x0  }
0x95: {  	s16 =	sld [smem:$0x10];
	[sflag:s15] =	ssyncadd.s32 $0xFFFFFFFF  }
0x96: {  	s17 =	sld [smem:$0x11];
	(tm) =	ssettm $0x1  }
0x97: {  	s18 =	sld [smem:$0x3FFB];
	_ =	sdelay $0x3  }
0x98: {  	_ =	strace s18  }
0x99: {  	s4 =	sld [smem:$0x3FFC];
	_ =	sdelay $0x3  }
0x9a: {  	_ =	strace s4  }
0x9b: {  	s4 =	sld [smem:$0x3FFD];
	_ =	sdelay $0x3  }
0x9c: {  	_ =	strace s4  }
0x9d: {  	_ =	strace $0x8FFFFFFF  }
0x9e: {  	s19 =	sld [smem:$0x3FDB];
	_ =	sdelay $0x1  }
0x9f: {  	s5 =	simm.s32 $_scs_section_size  }
0xa0: {  	s6 =	simm.s32 $_size__tile_overlayer_lowered;
	s7 =	simm.s32 $_tile_overlayer_lowered  }
0xa1: {  	s22 =	simm.s32 $0x1BFF;
	s21 =	sshll.u32 s7, $0x1;
	s4 =	sadd.s32 s5, s19  }
0xa2: {  	s8 =	simm.s32 $0x0;
	s20 =	sshll.u32 s6, $0x1;
	s6 =	sadd.s32 s21, s4  }
0xa3: {  	[timem:s8], [sflag:s22] =	dma.local [hbm:s6], s20  }
0xa4: {  	_ =	swait.ge [sflag:s22], s20  }
0xa5: {  	s5 =	ssub.s32 $0x0, s20;
	[sflag:s22] =	ssyncset.done $0x0  }
0xa6: {  	[sflag:s22] =	ssyncadd.s32 s5;
	_ =	sdelay $0x1  }
0xa7: {  	s23 =	simm.s32 $0x1B8B  }
0xa8: {  	_ =	swait.ge [sflag:s23], $0x1  }
0xa9: {  	[sflag:s23] =	ssyncset.done $0x0  }
0xaa: {  	s25 =	simm.s32 $0x1B8E;
	s24 =	sld [smem:$0x3FFE];
	[sflag:s23] =	ssyncadd.s32 $0xFFFFFFFF  }
0xab: {  	s26 =	simm.s32 $execute0_lowered;
	[smem:$0x3FD2] =	sst s25  }
0xac: {  	s6 =	sshll.u32 s26, $0x1;
	_ =	strace $0x80000049;
	[dreg:$0x1] =	wrdreg $0xFFFFFFFF  }
0xad: {  	s28 =	simm.s32 $_size_execute0_lowered;
	s4 =	sadd.s32 s4, s6;
	[dreg:$0x0] =	wrdreg $0x0  }
0xae: {  	s6 =	sshll.u32 s28, $0x1;
	[dreg:$0x2] =	wrdreg s4  }
0xaf: {  	[dreg:$0x3] =	wrdreg s6  }
0xb0: {  	[dreg:$0x4] =	wrdreg $0xC0  }
0xb1: {  	_ =	task [dreg:s8], $0x5FFFF  }
0xb2: {  	[dreg:$0x1] =	wrdreg $0xFFFFFFFF  }
0xb3: {  	[dreg:$0x0] =	wrdreg $0x60  }
0xb4: {  	[dreg:$0x2] =	wrdreg s24  }
0xb5: {  	[dreg:$0x3] =	wrdreg s16  }
0xb6: {  	[dreg:$0x4] =	wrdreg s17  }
0xb7: {  	[dreg:$0x5] =	wrdreg $0x88000  }
0xb8: {  	[dreg:$0x6] =	wrdreg $0x9  }
0xb9: {  	_ =	task.clear_ibuf [dreg:s8], $0x7FFFF;
	_ =	strace $0x90000049  }
0xba: {  	s29 =	simm.s32 $0x9;
	_ =	strace $0x8000004B  }
0xbb: {  	_ =	swait.ge [sflag:s29], $0x1  }
0xbc: {  	[sflag:s29] =	ssyncadd.s32 $0xFFFFFFFF  }
0xbd: {  	_ =	strace $0x9000004B  }
0xbe: {  	_ =	sfence  }
0xbf: {  	s30 =	sld [smem:$0x0];
	_ =	sdelay $0x2  }
0xc0: {  	s31 =	sshll.u32 s1, $0xD;
	s1 =	sshrl.u32 s1, $0x2  }
0xc1: {  	s3 =	sand.u32 $0x4000, s31;
	s1 =	sadd.s32 s1, s30  }
0xc2: {  	s0 =	sor.u32 s3, s0;
	s1 =	sshll.u32 s1, $0x11  }
0xc3: {  	s0 =	sor.u32 s1, s0  }
0xc4: {  	s0 =	sadd.s32 $0x8F2B, s0  }
0xc5: {  	[sflag:s0] =	ssyncadd.remote.s32 $0x1  }
0xc6: {  	_ =	sfence.sel $0xFFFF  }
0xc7: {  	[dreg:$0x0] =	wrdreg $0xFFFFFFFF;
	(pc) =	sbr.abs _section_cstart, $3  }
0xc8: {  	[dreg:$0x1] =	wrdreg $0xFFFFFFFF  }
0xc9: {  	_ =	task.clear_ibuf [dreg:s8], $0x2FFFF;
	_ =	strace $0x9FFFFFFF  }
0xca: {  	(tm) =	ssettm $0x7FFFFFFF  }
0xcb: {  	_ =	shalt  }
tec
execute0_lowered:
.L_overlay_start_1:
0x0: {  	(tag) =	ssettag $0x1  }
0x1: {  	s1 =	rddreg [dreg:$0x0]  }
0x2: {  	s0 =	rddreg [dreg:$0x1]  }
0x3: {  	s3 =	rddreg [dreg:$0x2];
	s2 =	srdreg.scid  }
0x4: {  	s4 =	rddreg [dreg:$0x3];
	s9 =	stileid.u32  }
0x5: {  	s5 =	simm.s32 $0x0;
	s29 =	simm.s32 $0x80;
	s31 =	simm.s32 $0x5  }
0x6: {  	s28 =	simm.s32 $0x4800;
	s30 =	simm.s32 $0x1;
	s7 =	smul.u32 $0x14000, s9  }
0x7: {  	s2 =	sand.u32 $0x1, s2;
	[smem:$0x7FF] =	sst s5;
	s14 =	smul.u32 $0x50000, s9  }
0x8: {  	s6 =	smul.u32 $0x140000, s2;
	s8 =	sshll.u32 s2, $0x4;
	s2 =	ssub.s32 $0x2, s2  }
0x9: {  	_ =	strace $0x8000004A;
	s13 =	sor.u32 s9, s8;
	s16 =	sshrl.u32 s2, $0x1  }
0xa: {  	s8 =	sshrl.u32 s14, $0x2;
	s6 =	sadd.s32 s7, s6;
	s7 =	sadd.s32 $0x2E00, s1  }
0xb: {  	s2 =	ssub.s32 s2, s16;
	s15 =	sshrl.u32 s6, $0x3;
	s6 =	smul.u32 $0x2800, s13  }
0xc: {  	s8 =	sadd.s32 s8, s4;
	s26 =	smax.u32 s2, $0x1;
	s1 =	sadd.s32 s15, s1  }
0xd: {  	[dreg:$0x10] =	wrdreg s26;
	s10 =	sshrl.u32 s6, $0x3;
	s1 =	sadd.s32 $0x7A000, s1  }
0xe: {  	s2 =	simm.s32 $0x3;
	s17 =	sadd.s32 s0, s10;
	[dreg:$0xf] =	wrdreg s1  }
0xf: {  	s18 =	sadd.s32 s3, s10;
	s19 =	sor.u32 $0x10, s10;
	[dreg:$0x5] =	wrdreg s17  }
0x10: {  	s26 =	simm.s32 $0x7;
	[dreg:$0x6] =	wrdreg s18;
	s12 =	sadd.s32 s0, s19  }
0x11: {  	s11 =	sor.u32 $0x20, s10;
	s9 =	sadd.s32 s3, s19;
	[dreg:$0x7] =	wrdreg s12  }
0x12: {  	s22 =	sor.u32 $0x30, s10;
	s20 =	sadd.s32 s0, s11;
	[dreg:$0x8] =	wrdreg s9  }
0x13: {  	s10 =	sor.u32 $0x40, s10;
	s21 =	sadd.s32 s3, s11;
	[dreg:$0x9] =	wrdreg s20  }
0x14: {  	s1 =	simm.s32 $0x6;
	s23 =	sadd.s32 s0, s22;
	[dreg:$0xa] =	wrdreg s21  }
0x15: {  	s24 =	sadd.s32 s0, s10;
	s25 =	sadd.s32 s3, s10;
	[dreg:$0xb] =	wrdreg s23  }
0x16: {  	s10 =	simm.s32 $0x4;
	s11 =	simm.s32 $0x0;
	[dreg:$0xd] =	wrdreg s24  }
0x17: {  	s9 =	sadd.s32 s3, s22;
	[dreg:$0xe] =	wrdreg s25;
	s21 =	sadd.s32 $0x4000, s8  }
0x18: {  	s22 =	sadd.s32 $0x8000, s8;
	s23 =	sadd.s32 $0xC000, s8;
	s24 =	sadd.s32 $0x10000, s8  }
0x19: {  	v0 =	vimm.f32 $0.0e+00;
	s25 =	simm.s32 $0x800;
	[dreg:$0xc] =	wrdreg s9;
	s9 =	simm.s32 $0x2  }
.LBB2_1:
0x1a: {  	s12 =	simm.s32 $0x0;
	s13 =	simm.s32 $0x200  }
.LBB2_2:
0x1b: {  	p0 =	sne.s32 s13, $0xFE00;
	[tilespmem:s12+$0x870] =	vst v0  }
0x1c: {  	[tilespmem:s12+$0x800] =	vst v0  }
0x1d: {  	[tilespmem:s12+$0x810] =	vst v0  }
.Ltmp0:
0x1e: {  	[tilespmem:s12+$0x820] =	vst v0;
	(pc) =	sbr.rel @p0 .LBB2_2-.Ltmp0, $4  }
0x1f: {  	[tilespmem:s12+$0x830] =	vst v0  }
0x20: {  	[tilespmem:s12+$0x840] =	vst v0  }
0x21: {  	[tilespmem:s12+$0x850] =	vst v0  }
0x22: {  	[tilespmem:s12+$0x860] =	vst v0;
	s12 =	sshra.s32 s13, $0x2;
	s13 =	sadd.s32 $0x200, s13  }
0x23: {  	[tilespmem:s12+$0x870] =	vst v0  }
0x24: {  	[tilespmem:s12+$0x800] =	vst v0  }
0x25: {  	[tilespmem:s12+$0x810] =	vst v0  }
0x26: {  	[tilespmem:s12+$0x820] =	vst v0  }
0x27: {  	[tilespmem:s12+$0x830] =	vst v0  }
0x28: {  	[tilespmem:s12+$0x840] =	vst v0  }
0x29: {  	[tilespmem:s12+$0x850] =	vst v0  }
0x2a: {  	[tilespmem:s12+$0x860] =	vst v0  }
0x2b: {  	[spmem:s8] =	stream.linear.scatter [tilespmem:s25], [sflag:$0x7], $0x4000, $0x38;
	[tilespmem:$0x1C800] =	vst v63  }
0x2c: {  	_ =	swait.ge [sflag:s26], $0x4000  }
0x2d: {  	[sflag:s26] =	ssyncset.done $0x0  }
0x2e: {  	[sflag:s26] =	ssyncadd.s32 $0xFFFFC000  }
0x2f: {  	[spmem:s21] =	stream.linear.scatter [tilespmem:s25], [sflag:$0x7], $0x4000, $0x38;
	[tilespmem:$0x1C800] =	vst v63  }
0x30: {  	_ =	swait.ge [sflag:s26], $0x4000  }
0x31: {  	[sflag:s26] =	ssyncset.done $0x0  }
0x32: {  	[sflag:s26] =	ssyncadd.s32 $0xFFFFC000  }
0x33: {  	[spmem:s22] =	stream.linear.scatter [tilespmem:s25], [sflag:$0x7], $0x4000, $0x38;
	[tilespmem:$0x1C800] =	vst v63  }
0x34: {  	_ =	swait.ge [sflag:s26], $0x4000  }
0x35: {  	[sflag:s26] =	ssyncset.done $0x0  }
0x36: {  	[sflag:s26] =	ssyncadd.s32 $0xFFFFC000  }
0x37: {  	[spmem:s23] =	stream.linear.scatter [tilespmem:s25], [sflag:$0x7], $0x4000, $0x38;
	[tilespmem:$0x1C800] =	vst v63  }
0x38: {  	_ =	swait.ge [sflag:s26], $0x4000  }
0x39: {  	[sflag:s26] =	ssyncset.done $0x0  }
0x3a: {  	[sflag:s26] =	ssyncadd.s32 $0xFFFFC000  }
0x3b: {  	[spmem:s24] =	stream.linear.scatter [tilespmem:s25], [sflag:$0x7], $0x4000, $0x38;
	[tilespmem:$0x1C800] =	vst v63  }
0x3c: {  	_ =	swait.ge [sflag:s26], $0x4000  }
0x3d: {  	[sflag:s26] =	ssyncset.done $0x0  }
0x3e: {  	[sflag:s26] =	ssyncadd.s32 $0xFFFFC000  }
0x3f: {  	[bflag:$0x0] =	sbarrier.arrive $0xFFFF  }
0x40: {  	s13 =	simm.s32 $0x0;
	s14 =	rddreg [dreg:$0x5]  }
0x41: {  	[tilespmem:s13], [sflag:$0x5] =	stream.linear.gather [hbm4b:s14+s13], $0x80, $0x38;
	[tilespmem:$0x1C800] =	vst v63  }
0x42: {  	s15 =	rddreg [dreg:$0x6];
	s14 =	simm.s32 $0x400  }
0x43: {  	[tilespmem:s14], [sflag:$0x6] =	stream.linear.gather [hbm4b:s15+s13], $0x80, $0x38;
	[tilespmem:$0x1C800] =	vst v63  }
0x44: {  	s16 =	rddreg [dreg:$0x7]  }
0x45: {  	[tilespmem:s29], [sflag:$0x5] =	stream.linear.gather [hbm4b:s16+s13], $0x80, $0x38;
	[tilespmem:$0x1C800] =	vst v63  }
0x46: {  	s18 =	simm.s32 $0x480;
	s17 =	rddreg [dreg:$0x8]  }
0x47: {  	[tilespmem:s18], [sflag:$0x6] =	stream.linear.gather [hbm4b:s17+s13], $0x80, $0x38;
	[tilespmem:$0x1C800] =	vst v63  }
0x48: {  	s20 =	simm.s32 $0x100;
	s19 =	rddreg [dreg:$0x9]  }
0x49: {  	[tilespmem:s20], [sflag:$0x5] =	stream.linear.gather [hbm4b:s19+s13], $0x80, $0x38;
	[tilespmem:$0x1C800] =	vst v63  }
0x4a: {  	s15 =	rddreg [dreg:$0xa];
	s16 =	simm.s32 $0x500  }
0x4b: {  	[tilespmem:s16], [sflag:$0x6] =	stream.linear.gather [hbm4b:s15+s13], $0x80, $0x38;
	[tilespmem:$0x1C800] =	vst v63  }
0x4c: {  	s17 =	rddreg [dreg:$0xb];
	s18 =	simm.s32 $0x180  }
0x4d: {  	[tilespmem:s18], [sflag:$0x5] =	stream.linear.gather [hbm4b:s17+s13], $0x80, $0x38;
	[tilespmem:$0x1C800] =	vst v63  }
0x4e: {  	s19 =	rddreg [dreg:$0xc];
	s20 =	simm.s32 $0x580  }
0x4f: {  	[tilespmem:s20], [sflag:$0x6] =	stream.linear.gather [hbm4b:s19+s13], $0x80, $0x38;
	[tilespmem:$0x1C800] =	vst v63  }
0x50: {  	s14 =	rddreg [dreg:$0xd];
	s15 =	simm.s32 $0x200  }
0x51: {  	[tilespmem:s15], [sflag:$0x5] =	stream.linear.gather [hbm4b:s14+s13], $0x80, $0x38;
	[tilespmem:$0x1C800] =	vst v63  }
0x52: {  	s12 =	simm.s32 $0x600;
	s16 =	rddreg [dreg:$0xe]  }
0x53: {  	[tilespmem:s12], [sflag:$0x6] =	stream.linear.gather [hbm4b:s16+s13], $0x80, $0x38;
	[tilespmem:$0x1C800] =	vst v63  }
0x54: {  	_ =	swait.ge [sflag:s31], $0x80  }
0x55: {  	[sflag:s31] =	ssyncset.done $0x0  }
0x56: {  	[sflag:s31] =	ssyncadd.s32 $0xFFFFFF80  }
0x57: {  	_ =	swait.ge [sflag:s1], $0x80  }
0x58: {  	[sflag:s1] =	ssyncset.done $0x0  }
0x59: {  	[sflag:s1] =	ssyncadd.s32 $0xFFFFFF80  }
0x5a: {  	s17 =	smin.u32 s13, $0x4A;
	_ =	swait.ge [sflag:s31], $0x80  }
0x5b: {  	s14 =	sshll.u32 s17, $0x7;
	[sflag:s31] =	ssyncset.done $0x0  }
0x5c: {  	s14 =	sadd.s32 $0x280, s14;
	[sflag:s31] =	ssyncadd.s32 $0xFFFFFF80  }
0x5d: {  	s15 =	sand.u32 $0x7C00, s14;
	_ =	swait.ge [sflag:s1], $0x80  }
0x5e: {  	s14 =	sand.u32 $0x380, s14;
	s15 =	sadd.s32 s6, s15;
	[sflag:s1] =	ssyncset.done $0x0  }
0x5f: {  	s15 =	sor.u32 s14, s15;
	[sflag:s1] =	ssyncadd.s32 $0xFFFFFF80  }
0x60: {  	[tilespmem:s25], [sflag:$0x1] =	stream.indirect.gather [hbm4b:s7+s29], $0x80, s13, s29, $0xb8;
	[tilespmem:$0x1C800] =	vst v63  }
0x61: {  	s15 =	sshrl.u32 s15, $0x3  }
0x62: {  	[tilespmem:s28], [sflag:$0x2] =	stream.indirect.gather [hbm4b:s7+s29], $0x80, s29, s29, $0xb8;
	[tilespmem:$0x1C800] =	vst v63  }
0x63: {  	s16 =	sadd.s32 s0, s15  }
0x64: {  	[tilespmem:s14], [sflag:$0x5] =	stream.linear.gather [hbm4b:s16+s5], $0x80, $0x38;
	[tilespmem:$0x1C800] =	vst v63  }
0x65: {  	s15 =	sadd.s32 s3, s15;
	s14 =	sor.u32 $0x400, s14  }
0x66: {  	[tilespmem:s14], [sflag:$0x6] =	stream.linear.gather [hbm4b:s15+s5], $0x80, $0x38;
	[tilespmem:$0x1C800] =	vst v63  }
0x67: {  	_ =	swait.ge [sflag:s31], $0x80  }
0x68: {  	[sflag:s31] =	ssyncset.done $0x0  }
0x69: {  	[sflag:s31] =	ssyncadd.s32 $0xFFFFFF80  }
0x6a: {  	_ =	swait.ge [sflag:s1], $0x80  }
0x6b: {  	s18 =	simm.s32 $0x0;
	[sflag:s1] =	ssyncset.done $0x0  }
0x6c: {  	s20 =	simm.s32 $0x400;
	s13 =	smin.u32 s13, $0x49;
	[sflag:s1] =	ssyncadd.s32 $0xFFFFFF80  }
0x6d: {  	s13 =	sshll.u32 s13, $0x7;
	s14 =	sand.u32 $0xC00, s18;
	_ =	swait.ge [sflag:s30], $0x4000  }
0x6e: {  	s13 =	sadd.s32 $0x300, s13;
	s16 =	sshrl.u32 s14, $0x2;
	[sflag:s30] =	ssyncset.done $0x0  }
0x6f: {  	s19 =	sand.u32 $0x7C00, s13;
	s14 =	sor.u32 $0x400, s16;
	[sflag:s30] =	ssyncadd.s32 $0xFFFFC000  }
0x70: {  	[spmem:s4] =	stream.indirect.scatter.add.f32 [tilespmem:s25], [sflag:$0x3], $0x80, s14, s29, $0xb8;
	[tilespmem:$0x1C800] =	vst v63  }
0x71: {  	s13 =	sand.u32 $0x380, s13;
	s14 =	sadd.s32 s6, s19;
	_ =	swait.ge [sflag:s2], $0x4000  }
0x72: {  	s15 =	sand.u32 $0xC00, s20;
	s14 =	sor.u32 s13, s14;
	[sflag:s2] =	ssyncset.done $0x0  }
0x73: {  	s15 =	sshrl.u32 s15, $0x2;
	s14 =	sshrl.u32 s14, $0x3;
	[sflag:s2] =	ssyncadd.s32 $0xFFFFC000  }
0x74: {  	[tilespmem:s25], [sflag:$0x1] =	stream.indirect.gather [hbm4b:s7+s29], $0x80, s15, s29, $0xb8;
	[tilespmem:$0x1C800] =	vst v63  }
0x75: {  	s17 =	sadd.s32 s0, s14  }
0x76: {  	[tilespmem:s13], [sflag:$0x5] =	stream.linear.gather [hbm4b:s17+s5], $0x80, $0x38;
	[tilespmem:$0x1C800] =	vst v63  }
0x77: {  	s18 =	sadd.s32 s3, s14;
	s14 =	simm.s32 $0x2;
	s13 =	sor.u32 $0x400, s13  }
0x78: {  	[tilespmem:s13], [sflag:$0x6] =	stream.linear.gather [hbm4b:s18+s5], $0x80, $0x38;
	[tilespmem:$0x1C800] =	vst v63  }
0x79: {  	s19 =	smin.u32 s14, $0x4A;
	_ =	swait.ge [sflag:s31], $0x80  }
0x7a: {  	s20 =	sshll.u32 s19, $0x7;
	[sflag:s31] =	ssyncset.done $0x0  }
0x7b: {  	s15 =	simm.s32 $0xE00;
	s17 =	sadd.s32 $0x280, s20;
	[sflag:s31] =	ssyncadd.s32 $0xFFFFFF80  }
0x7c: {  	s13 =	simm.s32 $0xA00;
	s18 =	sand.u32 $0x7C00, s17;
	_ =	swait.ge [sflag:s1], $0x80  }
0x7d: {  	s17 =	sand.u32 $0x380, s17;
	s18 =	sadd.s32 s6, s18;
	[sflag:s1] =	ssyncset.done $0x0  }
.LBB2_4:
0x7e: {  	p0 =	sne.s32 s15, $0x9E00;
	s18 =	sor.u32 s17, s18;
	[sflag:s1] =	ssyncadd.s32 $0xFFFFFF80  }
0x7f: {  	s16 =	sor.u32 $0x480, s16;
	s18 =	sshrl.u32 s18, $0x3;
	_ =	swait.ge [sflag:s9], $0x4000  }
0x80: {  	s19 =	smov.u32 s15;
	s15 =	sadd.s32 $0x400, s15;
	[sflag:s9] =	ssyncset.done $0x0  }
0x81: {  	s20 =	sand.u32 $0xE00, s12;
	s12 =	smov.u32 s13;
	[sflag:s9] =	ssyncadd.s32 $0xFFFFC000  }
0x82: {  	[spmem:s4] =	stream.indirect.scatter.add.f32 [tilespmem:s28], [sflag:$0x4], $0x80, s16, s29, $0xb8;
	[tilespmem:$0x1C800] =	vst v63  }
0x83: {  	s13 =	smov.u32 s19;
	s16 =	sshrl.u32 s20, $0x2;
	_ =	swait.ge [sflag:s10], $0x4000  }
0x84: {  	[sflag:s10] =	ssyncset.done $0x0  }
0x85: {  	s19 =	sadd.s32 s0, s18;
	[sflag:s10] =	ssyncadd.s32 $0xFFFFC000  }
0x86: {  	[tilespmem:s28], [sflag:$0x2] =	stream.indirect.gather [hbm4b:s7+s29], $0x80, s16, s29, $0xb8;
	[tilespmem:$0x1C800] =	vst v63  }
0x87: {  	_ = 	snop  }
0x88: {  	[tilespmem:s17], [sflag:$0x5] =	stream.linear.gather [hbm4b:s19+s5], $0x80, $0x38;
	[tilespmem:$0x1C800] =	vst v63  }
0x89: {  	s16 =	sor.u32 $0x400, s17;
	s17 =	sadd.s32 s3, s18  }
0x8a: {  	[tilespmem:s16], [sflag:$0x6] =	stream.linear.gather [hbm4b:s17+s5], $0x80, $0x38;
	[tilespmem:$0x1C800] =	vst v63  }
0x8b: {  	_ =	swait.ge [sflag:s31], $0x80  }
0x8c: {  	[sflag:s31] =	ssyncset.done $0x0  }
0x8d: {  	[sflag:s31] =	ssyncadd.s32 $0xFFFFFF80  }
0x8e: {  	s16 =	sadd.s32 $0xFFFFFA00, s12;
	_ =	swait.ge [sflag:s1], $0x80  }
0x8f: {  	s16 =	sand.u32 $0xC00, s16;
	[sflag:s1] =	ssyncset.done $0x0  }
0x90: {  	s17 =	smin.u32 s14, $0x49;
	s16 =	sshrl.u32 s16, $0x2;
	[sflag:s1] =	ssyncadd.s32 $0xFFFFFF80  }
0x91: {  	s17 =	sshll.u32 s17, $0x7;
	s18 =	sor.u32 $0x400, s16;
	_ =	swait.ge [sflag:s30], $0x4000  }
0x92: {  	s17 =	sadd.s32 $0x300, s17;
	[sflag:s30] =	ssyncset.done $0x0  }
0x93: {  	s19 =	sand.u32 $0x7C00, s17;
	[sflag:s30] =	ssyncadd.s32 $0xFFFFC000  }
0x94: {  	[spmem:s4] =	stream.indirect.scatter.add.f32 [tilespmem:s25], [sflag:$0x3], $0x80, s18, s29, $0xb8;
	[tilespmem:$0x1C800] =	vst v63  }
0x95: {  	s17 =	sand.u32 $0x380, s17;
	s19 =	sadd.s32 s6, s19;
	s18 =	sadd.s32 $0xFFFFFE00, s12  }
0x96: {  	s19 =	sor.u32 s17, s19;
	s18 =	sand.u32 $0xC00, s18;
	_ =	swait.ge [sflag:s2], $0x4000  }
0x97: {  	s19 =	sshrl.u32 s19, $0x3;
	s18 =	sshrl.u32 s18, $0x2;
	[sflag:s2] =	ssyncset.done $0x0  }
0x98: {  	s20 =	sadd.s32 s0, s19;
	[sflag:s2] =	ssyncadd.s32 $0xFFFFC000  }
0x99: {  	[tilespmem:s25], [sflag:$0x1] =	stream.indirect.gather [hbm4b:s7+s29], $0x80, s18, s29, $0xb8;
	[tilespmem:$0x1C800] =	vst v63  }
0x9a: {  	s19 =	sadd.s32 s3, s19;
	s18 =	sor.u32 $0x400, s17  }
0x9b: {  	[tilespmem:s17], [sflag:$0x5] =	stream.linear.gather [hbm4b:s20+s5], $0x80, $0x38;
	[tilespmem:$0x1C800] =	vst v63  }
0x9c: {  	s14 =	sadd.s32 $0x2, s14  }
0x9d: {  	[tilespmem:s18], [sflag:$0x6] =	stream.linear.gather [hbm4b:s19+s5], $0x80, $0x38;
	[tilespmem:$0x1C800] =	vst v63  }
.Ltmp1:
0x9e: {  	s17 =	smin.u32 s14, $0x4A;
	_ =	swait.ge [sflag:s31], $0x80;
	(pc) =	sbr.rel @p0 .LBB2_4-.Ltmp1, $4  }
0x9f: {  	s17 =	sshll.u32 s17, $0x7;
	[sflag:s31] =	ssyncset.done $0x0  }
0xa0: {  	s17 =	sadd.s32 $0x280, s17;
	[sflag:s31] =	ssyncadd.s32 $0xFFFFFF80  }
0xa1: {  	s18 =	sand.u32 $0x7C00, s17;
	_ =	swait.ge [sflag:s1], $0x80  }
0xa2: {  	s17 =	sand.u32 $0x380, s17;
	s18 =	sadd.s32 s6, s18;
	[sflag:s1] =	ssyncset.done $0x0  }
0xa3: {  	[sflag:s1] =	ssyncadd.s32 $0xFFFFFF80  }
0xa4: {  	_ =	swait.ge [sflag:s9], $0x4000  }
0xa5: {  	[sflag:s9] =	ssyncset.done $0x0  }
0xa6: {  	s15 =	sor.u32 $0x480, s16;
	[sflag:s9] =	ssyncadd.s32 $0xFFFFC000  }
0xa7: {  	[spmem:s4] =	stream.indirect.scatter.add.f32 [tilespmem:s28], [sflag:$0x4], $0x80, s15, s29, $0xb8;
	[tilespmem:$0x1C800] =	vst v63  }
0xa8: {  	_ =	swait.ge [sflag:s10], $0x4000  }
0xa9: {  	s18 =	sor.u32 s17, s18;
	s12 =	sand.u32 $0xE00, s12;
	[sflag:s10] =	ssyncset.done $0x0  }
0xaa: {  	s12 =	sshrl.u32 s12, $0x2;
	s15 =	sshrl.u32 s18, $0x3;
	[sflag:s10] =	ssyncadd.s32 $0xFFFFC000  }
0xab: {  	[tilespmem:s28], [sflag:$0x2] =	stream.indirect.gather [hbm4b:s7+s29], $0x80, s12, s29, $0xb8;
	[tilespmem:$0x1C800] =	vst v63  }
0xac: {  	s19 =	sadd.s32 s0, s15  }
0xad: {  	[tilespmem:s17], [sflag:$0x5] =	stream.linear.gather [hbm4b:s19+s5], $0x80, $0x38;
	[tilespmem:$0x1C800] =	vst v63  }
0xae: {  	s20 =	sor.u32 $0x400, s17;
	s15 =	sadd.s32 s3, s15  }
0xaf: {  	[tilespmem:s20], [sflag:$0x6] =	stream.linear.gather [hbm4b:s15+s5], $0x80, $0x38;
	[tilespmem:$0x1C800] =	vst v63  }
0xb0: {  	_ =	swait.ge [sflag:s31], $0x80  }
0xb1: {  	[sflag:s31] =	ssyncset.done $0x0  }
0xb2: {  	[sflag:s31] =	ssyncadd.s32 $0xFFFFFF80  }
0xb3: {  	_ =	swait.ge [sflag:s1], $0x80  }
0xb4: {  	s14 =	smin.u32 s14, $0x49;
	[sflag:s1] =	ssyncset.done $0x0  }
0xb5: {  	s16 =	sadd.s32 $0xFFFFFA00, s13;
	s14 =	sshll.u32 s14, $0x7;
	[sflag:s1] =	ssyncadd.s32 $0xFFFFFF80  }
0xb6: {  	s14 =	sadd.s32 $0x300, s14;
	s12 =	sand.u32 $0xC00, s16;
	_ =	swait.ge [sflag:s30], $0x4000  }
0xb7: {  	s18 =	sand.u32 $0x7C00, s14;
	s12 =	sshrl.u32 s12, $0x2;
	[sflag:s30] =	ssyncset.done $0x0  }
0xb8: {  	s14 =	sand.u32 $0x380, s14;
	s17 =	sor.u32 $0x400, s12;
	[sflag:s30] =	ssyncadd.s32 $0xFFFFC000  }
0xb9: {  	[spmem:s4] =	stream.indirect.scatter.add.f32 [tilespmem:s25], [sflag:$0x3], $0x80, s17, s29, $0xb8;
	[tilespmem:$0x1C800] =	vst v63  }
0xba: {  	s19 =	sadd.s32 $0xFFFFFE00, s13;
	s15 =	sadd.s32 s6, s18;
	_ =	swait.ge [sflag:s2], $0x4000  }
0xbb: {  	s16 =	sand.u32 $0xC00, s19;
	s15 =	sor.u32 s14, s15;
	[sflag:s2] =	ssyncset.done $0x0  }
0xbc: {  	s16 =	sshrl.u32 s16, $0x2;
	s15 =	sshrl.u32 s15, $0x3;
	[sflag:s2] =	ssyncadd.s32 $0xFFFFC000  }
0xbd: {  	[tilespmem:s25], [sflag:$0x1] =	stream.indirect.gather [hbm4b:s7+s29], $0x80, s16, s29, $0xb8;
	[tilespmem:$0x1C800] =	vst v63  }
0xbe: {  	s20 =	sadd.s32 s0, s15  }
0xbf: {  	[tilespmem:s14], [sflag:$0x5] =	stream.linear.gather [hbm4b:s20+s5], $0x80, $0x38;
	[tilespmem:$0x1C800] =	vst v63  }
0xc0: {  	s15 =	sadd.s32 s3, s15;
	s14 =	sor.u32 $0x400, s14  }
0xc1: {  	[tilespmem:s14], [sflag:$0x6] =	stream.linear.gather [hbm4b:s15+s5], $0x80, $0x38;
	[tilespmem:$0x1C800] =	vst v63  }
0xc2: {  	_ =	swait.ge [sflag:s31], $0x80  }
0xc3: {  	[sflag:s31] =	ssyncset.done $0x0  }
0xc4: {  	[sflag:s31] =	ssyncadd.s32 $0xFFFFFF80  }
0xc5: {  	_ =	swait.ge [sflag:s1], $0x80  }
0xc6: {  	[sflag:s1] =	ssyncset.done $0x0  }
0xc7: {  	[sflag:s1] =	ssyncadd.s32 $0xFFFFFF80  }
0xc8: {  	_ =	swait.ge [sflag:s9], $0x4000  }
0xc9: {  	[sflag:s9] =	ssyncset.done $0x0  }
0xca: {  	s12 =	sor.u32 $0x480, s12;
	[sflag:s9] =	ssyncadd.s32 $0xFFFFC000  }
0xcb: {  	[spmem:s4] =	stream.indirect.scatter.add.f32 [tilespmem:s28], [sflag:$0x4], $0x80, s12, s29, $0xb8;
	[tilespmem:$0x1C800] =	vst v63  }
0xcc: {  	_ =	swait.ge [sflag:s10], $0x4000  }
0xcd: {  	s14 =	sand.u32 $0xE00, s13;
	[sflag:s10] =	ssyncset.done $0x0  }
0xce: {  	s12 =	sshrl.u32 s14, $0x2;
	[sflag:s10] =	ssyncadd.s32 $0xFFFFC000  }
0xcf: {  	[tilespmem:s28], [sflag:$0x2] =	stream.indirect.gather [hbm4b:s7+s29], $0x80, s12, s29, $0xb8;
	[tilespmem:$0x1C800] =	vst v63  }
0xd0: {  	_ =	swait.ge [sflag:s30], $0x4000  }
0xd1: {  	[sflag:s30] =	ssyncset.done $0x0  }
0xd2: {  	s15 =	simm.s32 $0x700;
	[sflag:s30] =	ssyncadd.s32 $0xFFFFC000  }
0xd3: {  	[spmem:s4] =	stream.indirect.scatter.add.f32 [tilespmem:s25], [sflag:$0x3], $0x80, s15, s29, $0xb8;
	[tilespmem:$0x1C800] =	vst v63  }
0xd4: {  	_ =	swait.ge [sflag:s2], $0x4000  }
0xd5: {  	[sflag:s2] =	ssyncset.done $0x0  }
0xd6: {  	[sflag:s2] =	ssyncadd.s32 $0xFFFFC000  }
0xd7: {  	_ =	swait.ge [sflag:s9], $0x4000  }
0xd8: {  	[sflag:s9] =	ssyncset.done $0x0  }
0xd9: {  	s16 =	simm.s32 $0x780;
	[sflag:s9] =	ssyncadd.s32 $0xFFFFC000  }
0xda: {  	[spmem:s4] =	stream.indirect.scatter.add.f32 [tilespmem:s28], [sflag:$0x4], $0x80, s16, s29, $0xb8;
	[tilespmem:$0x1C800] =	vst v63  }
0xdb: {  	_ =	swait.ge [sflag:s10], $0x4000  }
0xdc: {  	[sflag:s10] =	ssyncset.done $0x0  }
0xdd: {  	[sflag:s10] =	ssyncadd.s32 $0xFFFFC000  }
0xde: {  	_ =	swait.ge [sflag:s31], $0x80  }
0xdf: {  	[sflag:s31] =	ssyncset.done $0x0  }
0xe0: {  	[sflag:s31] =	ssyncadd.s32 $0xFFFFFF80  }
0xe1: {  	_ =	swait.ge [sflag:s1], $0x80  }
0xe2: {  	[sflag:s1] =	ssyncset.done $0x0  }
0xe3: {  	[sflag:s1] =	ssyncadd.s32 $0xFFFFFF80  }
0xe4: {  	_ =	swait.ge [sflag:s31], $0x80  }
0xe5: {  	[sflag:s31] =	ssyncset.done $0x0  }
0xe6: {  	[sflag:s31] =	ssyncadd.s32 $0xFFFFFF80  }
0xe7: {  	_ =	swait.ge [sflag:s1], $0x80  }
0xe8: {  	[sflag:s1] =	ssyncset.done $0x0  }
0xe9: {  	[sflag:s1] =	ssyncadd.s32 $0xFFFFFF80  }
0xea: {  	_ =	swait.ge [sflag:s31], $0x80  }
0xeb: {  	[sflag:s31] =	ssyncset.done $0x0  }
0xec: {  	[sflag:s31] =	ssyncadd.s32 $0xFFFFFF80  }
0xed: {  	_ =	swait.ge [sflag:s1], $0x80  }
0xee: {  	[sflag:s1] =	ssyncset.done $0x0  }
0xef: {  	s17 =	stileid.u32;
	[sflag:s1] =	ssyncadd.s32 $0xFFFFFF80  }
0xf0: {  	s12 =	sshll.u32 s17, $0x6;
	[bflag:$0x0] =	sbarrier.arrive $0xFFFF  }
0xf1: {  	s18 =	sshrl.u32 s8, $0x3;
	s12 =	sor.u32 $0x1C07, s12;
	s19 =	rddreg [dreg:$0xf]  }
0xf2: {  	[hbm:s19], [sflag:s12] =	dma.local [spmem:s18], $0x2800  }
0xf3: {  	_ =	swait.ge [sflag:s26], $0x2800  }
0xf4: {  	s11 =	sadd.s32 $0x1, s11;
	s20 =	rddreg [dreg:$0x10]  }
0xf5: {  	p0 =	sne.s32 s11, s20  }
.Ltmp2:
0xf6: {  	_ = 	snop;
	(pc) =	sbr.rel @p0 .LBB2_1-.Ltmp2, $3  }
0xf7: {  	_ =	sdelay $0x1  }
0xf8: {  	[sflag:s26] =	ssyncset.done $0x0  }
0xf9: {  	[sflag:s26] =	ssyncadd.s32 $0xFFFFD800  }
0xfa: {  	_ =	sfence.sel $0x180000  }
0xfb: {  	[bflag:$0x0] =	sbarrier.arrive $0xFFFF  }
0xfc: {  	_ =	strace $0x9000004A  }
0xfd: {  	s0 =	stileid.u32;
	[bflag:$0x2] =	sbarrier.arrive $0xFFFF  }
0xfe: {  	p0 =	sne.s32 s0, $0x0;
	s0 =	rddreg [dreg:$0x4]  }
0xff: {  	s0 =	sadd.s32 @!p0 $0x100000, s0  }
0x100: {  	[sflag:s0] =	ssyncadd.tile.s32 @!p0 $0x1;
	_ =	shalt  }
.Lfunc_end2:
_tile_overlayer_lowered:
.L_overlay_start_2:
0x101: {  	(tag) =	ssettag $0x2  }
0x102: {  	s0 =	rddreg [dreg:$0x0];
	s2 =	stileid.u32  }
0x103: {  	s1 =	rddreg [dreg:$0x1];
	p0 =	sne.s32 s2, $0x0  }
0x104: {  	s3 =	rddreg [dreg:$0x2];
	[bflag:$0x3] =	sbarrier.arrive $0xFFFF;
	s2 =	simm.s32 @!p0 $0x1C07  }
0x105: {  	[timem:s3], [sflag:s2] =	dma.local @!p0 [hbm:s0], s1  }
0x106: {  	s0 =	simm.s32 @!p0 $0x7  }
0x107: {  	_ =	swait.ge @!p0 [sflag:s0], s1  }
0x108: {  	s1 =	ssub.s32 @!p0 $0x0, s1;
	[sflag:s0] =	ssyncset.done @!p0 $0x0  }
0x109: {  	[sflag:s0] =	ssyncadd.s32 @!p0 s1  }
0x10a: {  	[bflag:$0x3] =	sbarrier.arrive $0xFFFF  }
0x10b: {  	_ =	shalt  }

// kernel: kernel.15.cloned.1.call-start
scs
__scs_entry_jumppad:
0x0: {  	(pc) =	sbr.rel $0x88, $3  }
0x1: {  	(tag) =	ssettag $0x0;
	lr =	simm.s32 $0x1  }
0x2: {  	[smem:$0x3F99] =	sst lr;
	_ =	strace $0xD0000000  }
0x3: {  	_ = 	snop  }
0x4: {  	_ = 	snop  }
0x5: {  	_ = 	snop  }
0x6: {  	_ = 	snop  }
0x7: {  	_ = 	snop  }
__scs_overlays_trampoline_lowered:
0x8: {  	[smem:$0x3FA8] =	sst s0  }
0x9: {  	[smem:$0x3FA9] =	sst s1  }
0xa: {  	[smem:$0x3FAA] =	sst s2  }
0xb: {  	[smem:$0x3FAB] =	sst s3  }
0xc: {  	[smem:$0x3FAC] =	sst s4  }
0xd: {  	[smem:$0x3FAD] =	sst s5  }
0xe: {  	[smem:$0x3FAE] =	sst s6  }
0xf: {  	[smem:$0x3FAF] =	sst s7  }
0x10: {  	[smem:$0x3FB0] =	sst s8  }
0x11: {  	[smem:$0x3FB1] =	sst s9;
	s0 =	simm.s32 @!p0 $0x0  }
0x12: {  	s1 =	sld [smem:$0x3F97];
	s0 =	simm.s32 @p0 $0x1  }
0x13: {  	[smem:$0x3FB2] =	sst s0;
	s0 =	simm.s32 @!p1 $0x0  }
0x14: {  	s2 =	sld [smem:$0x3F96];
	s0 =	simm.s32 @p1 $0x1  }
0x15: {  	[smem:$0x3FB3] =	sst s0;
	s0 =	simm.s32 @!p2 $0x0  }
0x16: {  	s3 =	sld [smem:$0x3FDB];
	s0 =	simm.s32 @p2 $0x1  }
0x17: {  	s4 =	simm.s32 $0x1BF5;
	[smem:$0x3FB5] =	sst s0  }
0x18: {  	s0 =	sld [smem:$0x3F98];
	_ =	swait.ge [sflag:s4], $0x0  }
0x19: {  	s7 =	sld [smem:$0x3F99]  }
0x1a: {  	s8 =	sadd.s32 $0xFFFFE003, lr  }
0x1b: {  	s9 =	sadd.s32 $0xFFFFFEF7, lr;
	s5 =	simm.s32 $0xFFFFFFFF;
	p2 =	slt.u32 s8, $0xFFFFF086  }
0x1c: {  	p1 =	slt.u32 s9, $0xF7A;
	s5 =	simm.s32 @!p2 $0x0  }
0x1d: {  	s5 =	simm.s32 @p1 $0x1;
	p0 =	seq.s32 s7, s2  }
0x1e: {  	s7 =	smul.u32 @!p0 $0xF7A, s2;
	p2 =	seq.s32 @!p0 s5, $0x0  }
0x1f: {  	s9 =	smul.u32 $0xF7A, s1;
	s8 =	simm.s32 @!p0 $0x1BF5;
	p2 =	por !p2, p0  }
0x20: {  	[sflag:s8] =	ssyncset.s32 @!p0 $0xFFFFF086;
	s6 =	sadd.s32 @!p0 s3, s7;
	s7 =	simm.s32 @!p0 $0x108  }
0x21: {  	s3 =	sadd.s32 s3, s9;
	s6 =	sadd.s32 @!p0 $0x88, s6;
	s7 =	simm.s32 @p2 $0x1082  }
0x22: {  	[simem:s7], [sflag:s8] =	dma.local @!p0 [hbm:s6], $0xF7A  }
0x23: {  	s9 =	sor.u32 $0xD0000000, s2;
	s6 =	simm.s32 $0x108;
	_ =	swait.ge @!p0 [sflag:s8], $0x0  }
0x24: {  	s3 =	sadd.s32 $0x88, s3;
	s6 =	simm.s32 @!p1 $0x1082;
	[sflag:s4] =	ssyncset.s32 $0xFFFFF086  }
0x25: {  	[simem:s6], [sflag:s4] =	dma.local [hbm:s3], $0xF7A  }
0x26: {  	[smem:$0x3F99] =	sst s1;
	(tag) =	ssettag s2;
	_ =	strace s9  }
0x27: {  	s1 =	sld [smem:$0x3FA9]  }
0x28: {  	s2 =	sld [smem:$0x3FAA]  }
0x29: {  	s4 =	sld [smem:$0x3FAC]  }
0x2a: {  	p0 =	seq.s32 s5, $0x0;
	s5 =	sld [smem:$0x3FAD]  }
0x2b: {  	s6 =	sld [smem:$0x3FAE]  }
0x2c: {  	s7 =	sld [smem:$0x3FAF]  }
0x2d: {  	s3 =	simm.s32 $0x108;
	s8 =	sld [smem:$0x3FB0]  }
0x2e: {  	s3 =	simm.s32 @!p0 $0x1082;
	s9 =	sld [smem:$0x3FB1]  }
0x2f: {  	lr =	sadd.s32 s0, s3;
	s0 =	sld [smem:$0x3FA8]  }
0x30: {  	s3 =	sld [smem:$0x3FAB]  }
0x31: {  	[smem:$0x3FB4] =	sst s10  }
0x32: {  	s10 =	sld [smem:$0x3FB2];
	_ =	sdelay $0x3  }
0x33: {  	p0 =	seq.s32 s10, $0x1;
	s10 =	sld [smem:$0x3FB4];
	_ =	sdelay $0x3  }
0x34: {  	[smem:$0x3FB4] =	sst s10  }
0x35: {  	s10 =	sld [smem:$0x3FB3];
	_ =	sdelay $0x3  }
0x36: {  	p1 =	seq.s32 s10, $0x1;
	s10 =	sld [smem:$0x3FB4];
	_ =	sdelay $0x3  }
0x37: {  	[smem:$0x3FB4] =	sst s10  }
0x38: {  	s10 =	sld [smem:$0x3FB5]  }
0x39: {  	_ = 	snop;
	(pc) =	sbr.ind lr, $3  }
0x3a: {  	_ = 	snop  }
0x3b: {  	_ = 	snop  }
0x3c: {  	p2 =	seq.s32 s10, $0x1;
	s10 =	sld [smem:$0x3FB4]  }
0x3d: {  	_ =	shalt  }
0x3e: {  	_ =	shalt  }
0x3f: {  	_ =	shalt  }
0x40: {  	_ =	shalt  }
0x41: {  	_ =	shalt  }
0x42: {  	_ =	shalt  }
0x43: {  	_ =	shalt  }
0x44: {  	_ =	shalt  }
0x45: {  	_ =	shalt  }
0x46: {  	_ =	shalt  }
0x47: {  	_ =	shalt  }
0x48: {  	_ =	shalt  }
0x49: {  	_ =	shalt  }
0x4a: {  	_ =	shalt  }
0x4b: {  	_ =	shalt  }
0x4c: {  	_ =	shalt  }
0x4d: {  	_ =	shalt  }
0x4e: {  	_ =	shalt  }
0x4f: {  	_ =	shalt  }
0x50: {  	_ =	shalt  }
0x51: {  	_ =	shalt  }
0x52: {  	_ =	shalt  }
0x53: {  	_ =	shalt  }
0x54: {  	_ =	shalt  }
0x55: {  	_ =	shalt  }
0x56: {  	_ =	shalt  }
0x57: {  	_ =	shalt  }
0x58: {  	_ =	shalt  }
0x59: {  	_ =	shalt  }
0x5a: {  	_ =	shalt  }
0x5b: {  	_ =	shalt  }
0x5c: {  	_ =	shalt  }
0x5d: {  	_ =	shalt  }
0x5e: {  	_ =	shalt  }
0x5f: {  	_ =	shalt  }
0x60: {  	_ =	shalt  }
0x61: {  	_ =	shalt  }
0x62: {  	_ =	shalt  }
0x63: {  	_ =	shalt  }
0x64: {  	_ =	shalt  }
0x65: {  	_ =	shalt  }
0x66: {  	_ =	shalt  }
0x67: {  	_ =	shalt  }
0x68: {  	_ =	shalt  }
0x69: {  	_ =	shalt  }
0x6a: {  	_ =	shalt  }
0x6b: {  	_ =	shalt  }
0x6c: {  	_ =	shalt  }
0x6d: {  	_ =	shalt  }
0x6e: {  	_ =	shalt  }
0x6f: {  	_ =	shalt  }
0x70: {  	_ =	shalt  }
0x71: {  	_ =	shalt  }
0x72: {  	_ =	shalt  }
0x73: {  	_ =	shalt  }
0x74: {  	_ =	shalt  }
0x75: {  	_ =	shalt  }
0x76: {  	_ =	shalt  }
0x77: {  	_ =	shalt  }
0x78: {  	_ =	shalt  }
0x79: {  	_ =	shalt  }
0x7a: {  	_ =	shalt  }
0x7b: {  	_ =	shalt  }
0x7c: {  	_ =	shalt  }
0x7d: {  	_ =	shalt  }
0x7e: {  	_ =	shalt  }
0x7f: {  	_ =	shalt  }
0x80: {  	_ =	shalt  }
0x81: {  	_ =	shalt  }
0x82: {  	_ =	shalt  }
0x83: {  	_ =	shalt  }
0x84: {  	_ =	shalt  }
0x85: {  	_ =	shalt  }
0x86: {  	_ =	shalt  }
0x87: {  	_ =	shalt  }
.Lfunc_end0:
.L_simem_size_0:
called_computation.2_lowered:
.L_overlay_start_0:
0x88: {  	s2 =	sld [smem:$0x3FD9]  }
0x89: {  	s3 =	sld [smem:$0x3FFE];
	_ =	sdelay $0x1  }
0x8a: {  	s1 =	srdreg.scid  }
0x8b: {  	s0 =	sand.u32 $0x1, s1  }
0x8c: {  	s14 =	sshll.u32 s0, $0xA;
	s2 =	sadd.s32 s3, s2  }
0x8d: {  	s2 =	sadd.s32 s2, s14  }
0x8e: {  	[smem:$0x3FC0] =	sst s2  }
0x8f: {  	_ = 	snop  }
0x90: {  	s2 =	sld [smem:$0x3FD0];
	_ =	sdelay $0x2  }
0x91: {  	s15 =	simm.s32 $0xA;
	s4 =	simm.s32 $0x10  }
0x92: {  	[smem:s4], [sflag:s15] =	dma.local [hbm:s2], $0x1  }
0x93: {  	_ =	swait.eq [sflag:s15], $0x1  }
0x94: {  	[sflag:s15] =	ssyncset.done $0x0  }
0x95: {  	s16 =	sld [smem:$0x10];
	[sflag:s15] =	ssyncadd.s32 $0xFFFFFFFF  }
0x96: {  	s17 =	sld [smem:$0x11];
	(tm) =	ssettm $0x1  }
0x97: {  	s18 =	sld [smem:$0x3FFB];
	_ =	sdelay $0x3  }
0x98: {  	_ =	strace s18  }
0x99: {  	s4 =	sld [smem:$0x3FFC];
	_ =	sdelay $0x3  }
0x9a: {  	_ =	strace s4  }
0x9b: {  	s4 =	sld [smem:$0x3FFD];
	_ =	sdelay $0x3  }
0x9c: {  	_ =	strace s4  }
0x9d: {  	_ =	strace $0x8FFFFFFF  }
0x9e: {  	s19 =	sld [smem:$0x3FDB];
	_ =	sdelay $0x1  }
0x9f: {  	s5 =	simm.s32 $_scs_section_size  }
0xa0: {  	s6 =	simm.s32 $_size__tile_overlayer_lowered;
	s7 =	simm.s32 $_tile_overlayer_lowered  }
0xa1: {  	s22 =	simm.s32 $0x1BFF;
	s21 =	sshll.u32 s7, $0x1;
	s4 =	sadd.s32 s5, s19  }
0xa2: {  	s8 =	simm.s32 $0x0;
	s20 =	sshll.u32 s6, $0x1;
	s6 =	sadd.s32 s21, s4  }
0xa3: {  	[timem:s8], [sflag:s22] =	dma.local [hbm:s6], s20  }
0xa4: {  	_ =	swait.ge [sflag:s22], s20  }
0xa5: {  	s5 =	ssub.s32 $0x0, s20;
	[sflag:s22] =	ssyncset.done $0x0  }
0xa6: {  	[sflag:s22] =	ssyncadd.s32 s5;
	_ =	sdelay $0x1  }
0xa7: {  	s23 =	simm.s32 $0x1B8B  }
0xa8: {  	_ =	swait.ge [sflag:s23], $0x1  }
0xa9: {  	[sflag:s23] =	ssyncset.done $0x0  }
0xaa: {  	s25 =	simm.s32 $0x1B8E;
	s24 =	sld [smem:$0x3FFE];
	[sflag:s23] =	ssyncadd.s32 $0xFFFFFFFF  }
0xab: {  	s26 =	simm.s32 $execute0_lowered;
	[smem:$0x3FD2] =	sst s25  }
0xac: {  	s6 =	sshll.u32 s26, $0x1;
	_ =	strace $0x8000004C;
	[dreg:$0x1] =	wrdreg $0xFFFFFFFF  }
0xad: {  	s28 =	simm.s32 $_size_execute0_lowered;
	s4 =	sadd.s32 s4, s6;
	[dreg:$0x0] =	wrdreg $0x0  }
0xae: {  	s6 =	sshll.u32 s28, $0x1;
	[dreg:$0x2] =	wrdreg s4  }
0xaf: {  	[dreg:$0x3] =	wrdreg s6  }
0xb0: {  	[dreg:$0x4] =	wrdreg $0xC0  }
0xb1: {  	_ =	task [dreg:s8], $0x5FFFF  }
0xb2: {  	[dreg:$0x1] =	wrdreg $0xFFFFFFFF  }
0xb3: {  	[dreg:$0x0] =	wrdreg $0x60  }
0xb4: {  	[dreg:$0x2] =	wrdreg s24  }
0xb5: {  	[dreg:$0x3] =	wrdreg s16  }
0xb6: {  	[dreg:$0x4] =	wrdreg s17  }
0xb7: {  	[dreg:$0x5] =	wrdreg $0x88000  }
0xb8: {  	[dreg:$0x6] =	wrdreg $0x9  }
0xb9: {  	_ =	task.clear_ibuf [dreg:s8], $0x7FFFF;
	_ =	strace $0x9000004C  }
0xba: {  	s29 =	simm.s32 $0x9;
	_ =	strace $0x8000004E  }
0xbb: {  	_ =	swait.ge [sflag:s29], $0x1  }
0xbc: {  	[sflag:s29] =	ssyncadd.s32 $0xFFFFFFFF  }
0xbd: {  	_ =	strace $0x9000004E  }
0xbe: {  	_ =	sfence  }
0xbf: {  	s30 =	sld [smem:$0x0];
	_ =	sdelay $0x2  }
0xc0: {  	s31 =	sshll.u32 s1, $0xD;
	s1 =	sshrl.u32 s1, $0x2  }
0xc1: {  	s3 =	sand.u32 $0x4000, s31;
	s1 =	sadd.s32 s1, s30  }
0xc2: {  	s0 =	sor.u32 s3, s0;
	s1 =	sshll.u32 s1, $0x11  }
0xc3: {  	s0 =	sor.u32 s1, s0  }
0xc4: {  	s0 =	sadd.s32 $0x8F2B, s0  }
0xc5: {  	[sflag:s0] =	ssyncadd.remote.s32 $0x1  }
0xc6: {  	_ =	sfence.sel $0xFFFF  }
0xc7: {  	[dreg:$0x0] =	wrdreg $0xFFFFFFFF;
	(pc) =	sbr.abs _section_cstart, $3  }
0xc8: {  	[dreg:$0x1] =	wrdreg $0xFFFFFFFF  }
0xc9: {  	_ =	task.clear_ibuf [dreg:s8], $0x2FFFF;
	_ =	strace $0x9FFFFFFF  }
0xca: {  	(tm) =	ssettm $0x7FFFFFFF  }
0xcb: {  	_ =	shalt  }
tec
execute0_lowered:
.L_overlay_start_1:
0x0: {  	(tag) =	ssettag $0x1  }
0x1: {  	s1 =	rddreg [dreg:$0x0]  }
0x2: {  	s0 =	rddreg [dreg:$0x1]  }
0x3: {  	s3 =	rddreg [dreg:$0x2];
	s2 =	srdreg.scid  }
0x4: {  	s4 =	rddreg [dreg:$0x3];
	s9 =	stileid.u32  }
0x5: {  	s5 =	simm.s32 $0x0;
	s29 =	simm.s32 $0x80;
	s31 =	simm.s32 $0x5  }
0x6: {  	s28 =	simm.s32 $0x4800;
	s30 =	simm.s32 $0x1;
	s7 =	smul.u32 $0x14000, s9  }
0x7: {  	s2 =	sand.u32 $0x1, s2;
	[smem:$0x7FF] =	sst s5;
	s14 =	smul.u32 $0x50000, s9  }
0x8: {  	s6 =	smul.u32 $0x140000, s2;
	s8 =	sshll.u32 s2, $0x4;
	s2 =	ssub.s32 $0x2, s2  }
0x9: {  	_ =	strace $0x8000004D;
	s13 =	sor.u32 s9, s8;
	s16 =	sshrl.u32 s2, $0x1  }
0xa: {  	s8 =	sshrl.u32 s14, $0x2;
	s6 =	sadd.s32 s7, s6;
	s7 =	sadd.s32 $0x2E00, s1  }
0xb: {  	s2 =	ssub.s32 s2, s16;
	s15 =	sshrl.u32 s6, $0x3;
	s6 =	smul.u32 $0x2800, s13  }
0xc: {  	s8 =	sadd.s32 s8, s4;
	s26 =	smax.u32 s2, $0x1;
	s1 =	sadd.s32 s15, s1  }
0xd: {  	[dreg:$0x10] =	wrdreg s26;
	s10 =	sshrl.u32 s6, $0x3;
	s1 =	sadd.s32 $0x7A000, s1  }
0xe: {  	s2 =	simm.s32 $0x3;
	s17 =	sadd.s32 s0, s10;
	[dreg:$0xf] =	wrdreg s1  }
0xf: {  	s18 =	sadd.s32 s3, s10;
	s19 =	sor.u32 $0x10, s10;
	[dreg:$0x5] =	wrdreg s17  }
0x10: {  	s26 =	simm.s32 $0x7;
	[dreg:$0x6] =	wrdreg s18;
	s12 =	sadd.s32 s0, s19  }
0x11: {  	s11 =	sor.u32 $0x20, s10;
	s9 =	sadd.s32 s3, s19;
	[dreg:$0x7] =	wrdreg s12  }
0x12: {  	s22 =	sor.u32 $0x30, s10;
	s20 =	sadd.s32 s0, s11;
	[dreg:$0x8] =	wrdreg s9  }
0x13: {  	s10 =	sor.u32 $0x40, s10;
	s21 =	sadd.s32 s3, s11;
	[dreg:$0x9] =	wrdreg s20  }
0x14: {  	s1 =	simm.s32 $0x6;
	s23 =	sadd.s32 s0, s22;
	[dreg:$0xa] =	wrdreg s21  }
0x15: {  	s24 =	sadd.s32 s0, s10;
	s25 =	sadd.s32 s3, s10;
	[dreg:$0xb] =	wrdreg s23  }
0x16: {  	s10 =	simm.s32 $0x4;
	s11 =	simm.s32 $0x0;
	[dreg:$0xd] =	wrdreg s24  }
0x17: {  	s9 =	sadd.s32 s3, s22;
	[dreg:$0xe] =	wrdreg s25;
	s21 =	sadd.s32 $0x4000, s8  }
0x18: {  	s22 =	sadd.s32 $0x8000, s8;
	s23 =	sadd.s32 $0xC000, s8;
	s24 =	sadd.s32 $0x10000, s8  }
0x19: {  	v0 =	vimm.f32 $0.0e+00;
	s25 =	simm.s32 $0x800;
	[dreg:$0xc] =	wrdreg s9;
	s9 =	simm.s32 $0x2  }
.LBB2_1:
0x1a: {  	s12 =	simm.s32 $0x0;
	s13 =	simm.s32 $0x200  }
.LBB2_2:
0x1b: {  	p0 =	sne.s32 s13, $0xFE00;
	[tilespmem:s12+$0x870] =	vst v0  }
0x1c: {  	[tilespmem:s12+$0x800] =	vst v0  }
0x1d: {  	[tilespmem:s12+$0x810] =	vst v0  }
.Ltmp0:
0x1e: {  	[tilespmem:s12+$0x820] =	vst v0;
	(pc) =	sbr.rel @p0 .LBB2_2-.Ltmp0, $4  }
0x1f: {  	[tilespmem:s12+$0x830] =	vst v0  }
0x20: {  	[tilespmem:s12+$0x840] =	vst v0  }
0x21: {  	[tilespmem:s12+$0x850] =	vst v0  }
0x22: {  	[tilespmem:s12+$0x860] =	vst v0;
	s12 =	sshra.s32 s13, $0x2;
	s13 =	sadd.s32 $0x200, s13  }
0x23: {  	[tilespmem:s12+$0x870] =	vst v0  }
0x24: {  	[tilespmem:s12+$0x800] =	vst v0  }
0x25: {  	[tilespmem:s12+$0x810] =	vst v0  }
0x26: {  	[tilespmem:s12+$0x820] =	vst v0  }
0x27: {  	[tilespmem:s12+$0x830] =	vst v0  }
0x28: {  	[tilespmem:s12+$0x840] =	vst v0  }
0x29: {  	[tilespmem:s12+$0x850] =	vst v0  }
0x2a: {  	[tilespmem:s12+$0x860] =	vst v0  }
0x2b: {  	[spmem:s8] =	stream.linear.scatter [tilespmem:s25], [sflag:$0x7], $0x4000, $0x38;
	[tilespmem:$0x1C800] =	vst v63  }
0x2c: {  	_ =	swait.ge [sflag:s26], $0x4000  }
0x2d: {  	[sflag:s26] =	ssyncset.done $0x0  }
0x2e: {  	[sflag:s26] =	ssyncadd.s32 $0xFFFFC000  }
0x2f: {  	[spmem:s21] =	stream.linear.scatter [tilespmem:s25], [sflag:$0x7], $0x4000, $0x38;
	[tilespmem:$0x1C800] =	vst v63  }
0x30: {  	_ =	swait.ge [sflag:s26], $0x4000  }
0x31: {  	[sflag:s26] =	ssyncset.done $0x0  }
0x32: {  	[sflag:s26] =	ssyncadd.s32 $0xFFFFC000  }
0x33: {  	[spmem:s22] =	stream.linear.scatter [tilespmem:s25], [sflag:$0x7], $0x4000, $0x38;
	[tilespmem:$0x1C800] =	vst v63  }
0x34: {  	_ =	swait.ge [sflag:s26], $0x4000  }
0x35: {  	[sflag:s26] =	ssyncset.done $0x0  }
0x36: {  	[sflag:s26] =	ssyncadd.s32 $0xFFFFC000  }
0x37: {  	[spmem:s23] =	stream.linear.scatter [tilespmem:s25], [sflag:$0x7], $0x4000, $0x38;
	[tilespmem:$0x1C800] =	vst v63  }
0x38: {  	_ =	swait.ge [sflag:s26], $0x4000  }
0x39: {  	[sflag:s26] =	ssyncset.done $0x0  }
0x3a: {  	[sflag:s26] =	ssyncadd.s32 $0xFFFFC000  }
0x3b: {  	[spmem:s24] =	stream.linear.scatter [tilespmem:s25], [sflag:$0x7], $0x4000, $0x38;
	[tilespmem:$0x1C800] =	vst v63  }
0x3c: {  	_ =	swait.ge [sflag:s26], $0x4000  }
0x3d: {  	[sflag:s26] =	ssyncset.done $0x0  }
0x3e: {  	[sflag:s26] =	ssyncadd.s32 $0xFFFFC000  }
0x3f: {  	[bflag:$0x0] =	sbarrier.arrive $0xFFFF  }
0x40: {  	s13 =	simm.s32 $0x0;
	s14 =	rddreg [dreg:$0x5]  }
0x41: {  	[tilespmem:s13], [sflag:$0x5] =	stream.linear.gather [hbm4b:s14+s13], $0x80, $0x38;
	[tilespmem:$0x1C800] =	vst v63  }
0x42: {  	s15 =	rddreg [dreg:$0x6];
	s14 =	simm.s32 $0x400  }
0x43: {  	[tilespmem:s14], [sflag:$0x6] =	stream.linear.gather [hbm4b:s15+s13], $0x80, $0x38;
	[tilespmem:$0x1C800] =	vst v63  }
0x44: {  	s16 =	rddreg [dreg:$0x7]  }
0x45: {  	[tilespmem:s29], [sflag:$0x5] =	stream.linear.gather [hbm4b:s16+s13], $0x80, $0x38;
	[tilespmem:$0x1C800] =	vst v63  }
0x46: {  	s18 =	simm.s32 $0x480;
	s17 =	rddreg [dreg:$0x8]  }
0x47: {  	[tilespmem:s18], [sflag:$0x6] =	stream.linear.gather [hbm4b:s17+s13], $0x80, $0x38;
	[tilespmem:$0x1C800] =	vst v63  }
0x48: {  	s20 =	simm.s32 $0x100;
	s19 =	rddreg [dreg:$0x9]  }
0x49: {  	[tilespmem:s20], [sflag:$0x5] =	stream.linear.gather [hbm4b:s19+s13], $0x80, $0x38;
	[tilespmem:$0x1C800] =	vst v63  }
0x4a: {  	s15 =	rddreg [dreg:$0xa];
	s16 =	simm.s32 $0x500  }
0x4b: {  	[tilespmem:s16], [sflag:$0x6] =	stream.linear.gather [hbm4b:s15+s13], $0x80, $0x38;
	[tilespmem:$0x1C800] =	vst v63  }
0x4c: {  	s17 =	rddreg [dreg:$0xb];
	s18 =	simm.s32 $0x180  }
0x4d: {  	[tilespmem:s18], [sflag:$0x5] =	stream.linear.gather [hbm4b:s17+s13], $0x80, $0x38;
	[tilespmem:$0x1C800] =	vst v63  }
0x4e: {  	s19 =	rddreg [dreg:$0xc];
	s20 =	simm.s32 $0x580  }
0x4f: {  	[tilespmem:s20], [sflag:$0x6] =	stream.linear.gather [hbm4b:s19+s13], $0x80, $0x38;
	[tilespmem:$0x1C800] =	vst v63  }
0x50: {  	s14 =	rddreg [dreg:$0xd];
	s15 =	simm.s32 $0x200  }
0x51: {  	[tilespmem:s15], [sflag:$0x5] =	stream.linear.gather [hbm4b:s14+s13], $0x80, $0x38;
	[tilespmem:$0x1C800] =	vst v63  }
0x52: {  	s12 =	simm.s32 $0x600;
	s16 =	rddreg [dreg:$0xe]  }
0x53: {  	[tilespmem:s12], [sflag:$0x6] =	stream.linear.gather [hbm4b:s16+s13], $0x80, $0x38;
	[tilespmem:$0x1C800] =	vst v63  }
0x54: {  	_ =	swait.ge [sflag:s31], $0x80  }
0x55: {  	[sflag:s31] =	ssyncset.done $0x0  }
0x56: {  	[sflag:s31] =	ssyncadd.s32 $0xFFFFFF80  }
0x57: {  	_ =	swait.ge [sflag:s1], $0x80  }
0x58: {  	[sflag:s1] =	ssyncset.done $0x0  }
0x59: {  	[sflag:s1] =	ssyncadd.s32 $0xFFFFFF80  }
0x5a: {  	s17 =	smin.u32 s13, $0x4A;
	_ =	swait.ge [sflag:s31], $0x80  }
0x5b: {  	s14 =	sshll.u32 s17, $0x7;
	[sflag:s31] =	ssyncset.done $0x0  }
0x5c: {  	s14 =	sadd.s32 $0x280, s14;
	[sflag:s31] =	ssyncadd.s32 $0xFFFFFF80  }
0x5d: {  	s15 =	sand.u32 $0x7C00, s14;
	_ =	swait.ge [sflag:s1], $0x80  }
0x5e: {  	s14 =	sand.u32 $0x380, s14;
	s15 =	sadd.s32 s6, s15;
	[sflag:s1] =	ssyncset.done $0x0  }
0x5f: {  	s15 =	sor.u32 s14, s15;
	[sflag:s1] =	ssyncadd.s32 $0xFFFFFF80  }
0x60: {  	[tilespmem:s25], [sflag:$0x1] =	stream.indirect.gather [hbm4b:s7+s29], $0x80, s13, s29, $0xb8;
	[tilespmem:$0x1C800] =	vst v63  }
0x61: {  	s15 =	sshrl.u32 s15, $0x3  }
0x62: {  	[tilespmem:s28], [sflag:$0x2] =	stream.indirect.gather [hbm4b:s7+s29], $0x80, s29, s29, $0xb8;
	[tilespmem:$0x1C800] =	vst v63  }
0x63: {  	s16 =	sadd.s32 s0, s15  }
0x64: {  	[tilespmem:s14], [sflag:$0x5] =	stream.linear.gather [hbm4b:s16+s5], $0x80, $0x38;
	[tilespmem:$0x1C800] =	vst v63  }
0x65: {  	s15 =	sadd.s32 s3, s15;
	s14 =	sor.u32 $0x400, s14  }
0x66: {  	[tilespmem:s14], [sflag:$0x6] =	stream.linear.gather [hbm4b:s15+s5], $0x80, $0x38;
	[tilespmem:$0x1C800] =	vst v63  }
0x67: {  	_ =	swait.ge [sflag:s31], $0x80  }
0x68: {  	[sflag:s31] =	ssyncset.done $0x0  }
0x69: {  	[sflag:s31] =	ssyncadd.s32 $0xFFFFFF80  }
0x6a: {  	_ =	swait.ge [sflag:s1], $0x80  }
0x6b: {  	s18 =	simm.s32 $0x0;
	[sflag:s1] =	ssyncset.done $0x0  }
0x6c: {  	s20 =	simm.s32 $0x400;
	s13 =	smin.u32 s13, $0x49;
	[sflag:s1] =	ssyncadd.s32 $0xFFFFFF80  }
0x6d: {  	s13 =	sshll.u32 s13, $0x7;
	s14 =	sand.u32 $0xC00, s18;
	_ =	swait.ge [sflag:s30], $0x4000  }
0x6e: {  	s13 =	sadd.s32 $0x300, s13;
	s16 =	sshrl.u32 s14, $0x2;
	[sflag:s30] =	ssyncset.done $0x0  }
0x6f: {  	s19 =	sand.u32 $0x7C00, s13;
	s14 =	sor.u32 $0x400, s16;
	[sflag:s30] =	ssyncadd.s32 $0xFFFFC000  }
0x70: {  	[spmem:s4] =	stream.indirect.scatter.add.f32 [tilespmem:s25], [sflag:$0x3], $0x80, s14, s29, $0xb8;
	[tilespmem:$0x1C800] =	vst v63  }
0x71: {  	s13 =	sand.u32 $0x380, s13;
	s14 =	sadd.s32 s6, s19;
	_ =	swait.ge [sflag:s2], $0x4000  }
0x72: {  	s15 =	sand.u32 $0xC00, s20;
	s14 =	sor.u32 s13, s14;
	[sflag:s2] =	ssyncset.done $0x0  }
0x73: {  	s15 =	sshrl.u32 s15, $0x2;
	s14 =	sshrl.u32 s14, $0x3;
	[sflag:s2] =	ssyncadd.s32 $0xFFFFC000  }
0x74: {  	[tilespmem:s25], [sflag:$0x1] =	stream.indirect.gather [hbm4b:s7+s29], $0x80, s15, s29, $0xb8;
	[tilespmem:$0x1C800] =	vst v63  }
0x75: {  	s17 =	sadd.s32 s0, s14  }
0x76: {  	[tilespmem:s13], [sflag:$0x5] =	stream.linear.gather [hbm4b:s17+s5], $0x80, $0x38;
	[tilespmem:$0x1C800] =	vst v63  }
0x77: {  	s18 =	sadd.s32 s3, s14;
	s14 =	simm.s32 $0x2;
	s13 =	sor.u32 $0x400, s13  }
0x78: {  	[tilespmem:s13], [sflag:$0x6] =	stream.linear.gather [hbm4b:s18+s5], $0x80, $0x38;
	[tilespmem:$0x1C800] =	vst v63  }
0x79: {  	s19 =	smin.u32 s14, $0x4A;
	_ =	swait.ge [sflag:s31], $0x80  }
0x7a: {  	s20 =	sshll.u32 s19, $0x7;
	[sflag:s31] =	ssyncset.done $0x0  }
0x7b: {  	s15 =	simm.s32 $0xE00;
	s17 =	sadd.s32 $0x280, s20;
	[sflag:s31] =	ssyncadd.s32 $0xFFFFFF80  }
0x7c: {  	s13 =	simm.s32 $0xA00;
	s18 =	sand.u32 $0x7C00, s17;
	_ =	swait.ge [sflag:s1], $0x80  }
0x7d: {  	s17 =	sand.u32 $0x380, s17;
	s18 =	sadd.s32 s6, s18;
	[sflag:s1] =	ssyncset.done $0x0  }
.LBB2_4:
0x7e: {  	p0 =	sne.s32 s15, $0x9E00;
	s18 =	sor.u32 s17, s18;
	[sflag:s1] =	ssyncadd.s32 $0xFFFFFF80  }
0x7f: {  	s16 =	sor.u32 $0x480, s16;
	s18 =	sshrl.u32 s18, $0x3;
	_ =	swait.ge [sflag:s9], $0x4000  }
0x80: {  	s19 =	smov.u32 s15;
	s15 =	sadd.s32 $0x400, s15;
	[sflag:s9] =	ssyncset.done $0x0  }
0x81: {  	s20 =	sand.u32 $0xE00, s12;
	s12 =	smov.u32 s13;
	[sflag:s9] =	ssyncadd.s32 $0xFFFFC000  }
0x82: {  	[spmem:s4] =	stream.indirect.scatter.add.f32 [tilespmem:s28], [sflag:$0x4], $0x80, s16, s29, $0xb8;
	[tilespmem:$0x1C800] =	vst v63  }
0x83: {  	s13 =	smov.u32 s19;
	s16 =	sshrl.u32 s20, $0x2;
	_ =	swait.ge [sflag:s10], $0x4000  }
0x84: {  	[sflag:s10] =	ssyncset.done $0x0  }
0x85: {  	s19 =	sadd.s32 s0, s18;
	[sflag:s10] =	ssyncadd.s32 $0xFFFFC000  }
0x86: {  	[tilespmem:s28], [sflag:$0x2] =	stream.indirect.gather [hbm4b:s7+s29], $0x80, s16, s29, $0xb8;
	[tilespmem:$0x1C800] =	vst v63  }
0x87: {  	_ = 	snop  }
0x88: {  	[tilespmem:s17], [sflag:$0x5] =	stream.linear.gather [hbm4b:s19+s5], $0x80, $0x38;
	[tilespmem:$0x1C800] =	vst v63  }
0x89: {  	s16 =	sor.u32 $0x400, s17;
	s17 =	sadd.s32 s3, s18  }
0x8a: {  	[tilespmem:s16], [sflag:$0x6] =	stream.linear.gather [hbm4b:s17+s5], $0x80, $0x38;
	[tilespmem:$0x1C800] =	vst v63  }
0x8b: {  	_ =	swait.ge [sflag:s31], $0x80  }
0x8c: {  	[sflag:s31] =	ssyncset.done $0x0  }
0x8d: {  	[sflag:s31] =	ssyncadd.s32 $0xFFFFFF80  }
0x8e: {  	s16 =	sadd.s32 $0xFFFFFA00, s12;
	_ =	swait.ge [sflag:s1], $0x80  }
0x8f: {  	s16 =	sand.u32 $0xC00, s16;
	[sflag:s1] =	ssyncset.done $0x0  }
0x90: {  	s17 =	smin.u32 s14, $0x49;
	s16 =	sshrl.u32 s16, $0x2;
	[sflag:s1] =	ssyncadd.s32 $0xFFFFFF80  }
0x91: {  	s17 =	sshll.u32 s17, $0x7;
	s18 =	sor.u32 $0x400, s16;
	_ =	swait.ge [sflag:s30], $0x4000  }
0x92: {  	s17 =	sadd.s32 $0x300, s17;
	[sflag:s30] =	ssyncset.done $0x0  }
0x93: {  	s19 =	sand.u32 $0x7C00, s17;
	[sflag:s30] =	ssyncadd.s32 $0xFFFFC000  }
0x94: {  	[spmem:s4] =	stream.indirect.scatter.add.f32 [tilespmem:s25], [sflag:$0x3], $0x80, s18, s29, $0xb8;
	[tilespmem:$0x1C800] =	vst v63  }
0x95: {  	s17 =	sand.u32 $0x380, s17;
	s19 =	sadd.s32 s6, s19;
	s18 =	sadd.s32 $0xFFFFFE00, s12  }
0x96: {  	s19 =	sor.u32 s17, s19;
	s18 =	sand.u32 $0xC00, s18;
	_ =	swait.ge [sflag:s2], $0x4000  }
0x97: {  	s19 =	sshrl.u32 s19, $0x3;
	s18 =	sshrl.u32 s18, $0x2;
	[sflag:s2] =	ssyncset.done $0x0  }
0x98: {  	s20 =	sadd.s32 s0, s19;
	[sflag:s2] =	ssyncadd.s32 $0xFFFFC000  }
0x99: {  	[tilespmem:s25], [sflag:$0x1] =	stream.indirect.gather [hbm4b:s7+s29], $0x80, s18, s29, $0xb8;
	[tilespmem:$0x1C800] =	vst v63  }
0x9a: {  	s19 =	sadd.s32 s3, s19;
	s18 =	sor.u32 $0x400, s17  }
0x9b: {  	[tilespmem:s17], [sflag:$0x5] =	stream.linear.gather [hbm4b:s20+s5], $0x80, $0x38;
	[tilespmem:$0x1C800] =	vst v63  }
0x9c: {  	s14 =	sadd.s32 $0x2, s14  }
0x9d: {  	[tilespmem:s18], [sflag:$0x6] =	stream.linear.gather [hbm4b:s19+s5], $0x80, $0x38;
	[tilespmem:$0x1C800] =	vst v63  }
.Ltmp1:
0x9e: {  	s17 =	smin.u32 s14, $0x4A;
	_ =	swait.ge [sflag:s31], $0x80;
	(pc) =	sbr.rel @p0 .LBB2_4-.Ltmp1, $4  }
0x9f: {  	s17 =	sshll.u32 s17, $0x7;
	[sflag:s31] =	ssyncset.done $0x0  }
0xa0: {  	s17 =	sadd.s32 $0x280, s17;
	[sflag:s31] =	ssyncadd.s32 $0xFFFFFF80  }
0xa1: {  	s18 =	sand.u32 $0x7C00, s17;
	_ =	swait.ge [sflag:s1], $0x80  }
0xa2: {  	s17 =	sand.u32 $0x380, s17;
	s18 =	sadd.s32 s6, s18;
	[sflag:s1] =	ssyncset.done $0x0  }
0xa3: {  	[sflag:s1] =	ssyncadd.s32 $0xFFFFFF80  }
0xa4: {  	_ =	swait.ge [sflag:s9], $0x4000  }
0xa5: {  	[sflag:s9] =	ssyncset.done $0x0  }
0xa6: {  	s15 =	sor.u32 $0x480, s16;
	[sflag:s9] =	ssyncadd.s32 $0xFFFFC000  }
0xa7: {  	[spmem:s4] =	stream.indirect.scatter.add.f32 [tilespmem:s28], [sflag:$0x4], $0x80, s15, s29, $0xb8;
	[tilespmem:$0x1C800] =	vst v63  }
0xa8: {  	_ =	swait.ge [sflag:s10], $0x4000  }
0xa9: {  	s18 =	sor.u32 s17, s18;
	s12 =	sand.u32 $0xE00, s12;
	[sflag:s10] =	ssyncset.done $0x0  }
0xaa: {  	s12 =	sshrl.u32 s12, $0x2;
	s15 =	sshrl.u32 s18, $0x3;
	[sflag:s10] =	ssyncadd.s32 $0xFFFFC000  }
0xab: {  	[tilespmem:s28], [sflag:$0x2] =	stream.indirect.gather [hbm4b:s7+s29], $0x80, s12, s29, $0xb8;
	[tilespmem:$0x1C800] =	vst v63  }
0xac: {  	s19 =	sadd.s32 s0, s15  }
0xad: {  	[tilespmem:s17], [sflag:$0x5] =	stream.linear.gather [hbm4b:s19+s5], $0x80, $0x38;
	[tilespmem:$0x1C800] =	vst v63  }
0xae: {  	s20 =	sor.u32 $0x400, s17;
	s15 =	sadd.s32 s3, s15  }
0xaf: {  	[tilespmem:s20], [sflag:$0x6] =	stream.linear.gather [hbm4b:s15+s5], $0x80, $0x38;
	[tilespmem:$0x1C800] =	vst v63  }
0xb0: {  	_ =	swait.ge [sflag:s31], $0x80  }
0xb1: {  	[sflag:s31] =	ssyncset.done $0x0  }
0xb2: {  	[sflag:s31] =	ssyncadd.s32 $0xFFFFFF80  }
0xb3: {  	_ =	swait.ge [sflag:s1], $0x80  }
0xb4: {  	s14 =	smin.u32 s14, $0x49;
	[sflag:s1] =	ssyncset.done $0x0  }
0xb5: {  	s16 =	sadd.s32 $0xFFFFFA00, s13;
	s14 =	sshll.u32 s14, $0x7;
	[sflag:s1] =	ssyncadd.s32 $0xFFFFFF80  }
0xb6: {  	s14 =	sadd.s32 $0x300, s14;
	s12 =	sand.u32 $0xC00, s16;
	_ =	swait.ge [sflag:s30], $0x4000  }
0xb7: {  	s18 =	sand.u32 $0x7C00, s14;
	s12 =	sshrl.u32 s12, $0x2;
	[sflag:s30] =	ssyncset.done $0x0  }
0xb8: {  	s14 =	sand.u32 $0x380, s14;
	s17 =	sor.u32 $0x400, s12;
	[sflag:s30] =	ssyncadd.s32 $0xFFFFC000  }
0xb9: {  	[spmem:s4] =	stream.indirect.scatter.add.f32 [tilespmem:s25], [sflag:$0x3], $0x80, s17, s29, $0xb8;
	[tilespmem:$0x1C800] =	vst v63  }
0xba: {  	s19 =	sadd.s32 $0xFFFFFE00, s13;
	s15 =	sadd.s32 s6, s18;
	_ =	swait.ge [sflag:s2], $0x4000  }
0xbb: {  	s16 =	sand.u32 $0xC00, s19;
	s15 =	sor.u32 s14, s15;
	[sflag:s2] =	ssyncset.done $0x0  }
0xbc: {  	s16 =	sshrl.u32 s16, $0x2;
	s15 =	sshrl.u32 s15, $0x3;
	[sflag:s2] =	ssyncadd.s32 $0xFFFFC000  }
0xbd: {  	[tilespmem:s25], [sflag:$0x1] =	stream.indirect.gather [hbm4b:s7+s29], $0x80, s16, s29, $0xb8;
	[tilespmem:$0x1C800] =	vst v63  }
0xbe: {  	s20 =	sadd.s32 s0, s15  }
0xbf: {  	[tilespmem:s14], [sflag:$0x5] =	stream.linear.gather [hbm4b:s20+s5], $0x80, $0x38;
	[tilespmem:$0x1C800] =	vst v63  }
0xc0: {  	s15 =	sadd.s32 s3, s15;
	s14 =	sor.u32 $0x400, s14  }
0xc1: {  	[tilespmem:s14], [sflag:$0x6] =	stream.linear.gather [hbm4b:s15+s5], $0x80, $0x38;
	[tilespmem:$0x1C800] =	vst v63  }
0xc2: {  	_ =	swait.ge [sflag:s31], $0x80  }
0xc3: {  	[sflag:s31] =	ssyncset.done $0x0  }
0xc4: {  	[sflag:s31] =	ssyncadd.s32 $0xFFFFFF80  }
0xc5: {  	_ =	swait.ge [sflag:s1], $0x80  }
0xc6: {  	[sflag:s1] =	ssyncset.done $0x0  }
0xc7: {  	[sflag:s1] =	ssyncadd.s32 $0xFFFFFF80  }
0xc8: {  	_ =	swait.ge [sflag:s9], $0x4000  }
0xc9: {  	[sflag:s9] =	ssyncset.done $0x0  }
0xca: {  	s12 =	sor.u32 $0x480, s12;
	[sflag:s9] =	ssyncadd.s32 $0xFFFFC000  }
0xcb: {  	[spmem:s4] =	stream.indirect.scatter.add.f32 [tilespmem:s28], [sflag:$0x4], $0x80, s12, s29, $0xb8;
	[tilespmem:$0x1C800] =	vst v63  }
0xcc: {  	_ =	swait.ge [sflag:s10], $0x4000  }
0xcd: {  	s14 =	sand.u32 $0xE00, s13;
	[sflag:s10] =	ssyncset.done $0x0  }
0xce: {  	s12 =	sshrl.u32 s14, $0x2;
	[sflag:s10] =	ssyncadd.s32 $0xFFFFC000  }
0xcf: {  	[tilespmem:s28], [sflag:$0x2] =	stream.indirect.gather [hbm4b:s7+s29], $0x80, s12, s29, $0xb8;
	[tilespmem:$0x1C800] =	vst v63  }
0xd0: {  	_ =	swait.ge [sflag:s30], $0x4000  }
0xd1: {  	[sflag:s30] =	ssyncset.done $0x0  }
0xd2: {  	s15 =	simm.s32 $0x700;
	[sflag:s30] =	ssyncadd.s32 $0xFFFFC000  }
0xd3: {  	[spmem:s4] =	stream.indirect.scatter.add.f32 [tilespmem:s25], [sflag:$0x3], $0x80, s15, s29, $0xb8;
	[tilespmem:$0x1C800] =	vst v63  }
0xd4: {  	_ =	swait.ge [sflag:s2], $0x4000  }
0xd5: {  	[sflag:s2] =	ssyncset.done $0x0  }
0xd6: {  	[sflag:s2] =	ssyncadd.s32 $0xFFFFC000  }
0xd7: {  	_ =	swait.ge [sflag:s9], $0x4000  }
0xd8: {  	[sflag:s9] =	ssyncset.done $0x0  }
0xd9: {  	s16 =	simm.s32 $0x780;
	[sflag:s9] =	ssyncadd.s32 $0xFFFFC000  }
0xda: {  	[spmem:s4] =	stream.indirect.scatter.add.f32 [tilespmem:s28], [sflag:$0x4], $0x80, s16, s29, $0xb8;
	[tilespmem:$0x1C800] =	vst v63  }
0xdb: {  	_ =	swait.ge [sflag:s10], $0x4000  }
0xdc: {  	[sflag:s10] =	ssyncset.done $0x0  }
0xdd: {  	[sflag:s10] =	ssyncadd.s32 $0xFFFFC000  }
0xde: {  	_ =	swait.ge [sflag:s31], $0x80  }
0xdf: {  	[sflag:s31] =	ssyncset.done $0x0  }
0xe0: {  	[sflag:s31] =	ssyncadd.s32 $0xFFFFFF80  }
0xe1: {  	_ =	swait.ge [sflag:s1], $0x80  }
0xe2: {  	[sflag:s1] =	ssyncset.done $0x0  }
0xe3: {  	[sflag:s1] =	ssyncadd.s32 $0xFFFFFF80  }
0xe4: {  	_ =	swait.ge [sflag:s31], $0x80  }
0xe5: {  	[sflag:s31] =	ssyncset.done $0x0  }
0xe6: {  	[sflag:s31] =	ssyncadd.s32 $0xFFFFFF80  }
0xe7: {  	_ =	swait.ge [sflag:s1], $0x80  }
0xe8: {  	[sflag:s1] =	ssyncset.done $0x0  }
0xe9: {  	[sflag:s1] =	ssyncadd.s32 $0xFFFFFF80  }
0xea: {  	_ =	swait.ge [sflag:s31], $0x80  }
0xeb: {  	[sflag:s31] =	ssyncset.done $0x0  }
0xec: {  	[sflag:s31] =	ssyncadd.s32 $0xFFFFFF80  }
0xed: {  	_ =	swait.ge [sflag:s1], $0x80  }
0xee: {  	[sflag:s1] =	ssyncset.done $0x0  }
0xef: {  	s17 =	stileid.u32;
	[sflag:s1] =	ssyncadd.s32 $0xFFFFFF80  }
0xf0: {  	s12 =	sshll.u32 s17, $0x6;
	[bflag:$0x0] =	sbarrier.arrive $0xFFFF  }
0xf1: {  	s18 =	sshrl.u32 s8, $0x3;
	s12 =	sor.u32 $0x1C07, s12;
	s19 =	rddreg [dreg:$0xf]  }
0xf2: {  	[hbm:s19], [sflag:s12] =	dma.local [spmem:s18], $0x2800  }
0xf3: {  	_ =	swait.ge [sflag:s26], $0x2800  }
0xf4: {  	s11 =	sadd.s32 $0x1, s11;
	s20 =	rddreg [dreg:$0x10]  }
0xf5: {  	p0 =	sne.s32 s11, s20  }
.Ltmp2:
0xf6: {  	_ = 	snop;
	(pc) =	sbr.rel @p0 .LBB2_1-.Ltmp2, $3  }
0xf7: {  	_ =	sdelay $0x1  }
0xf8: {  	[sflag:s26] =	ssyncset.done $0x0  }
0xf9: {  	[sflag:s26] =	ssyncadd.s32 $0xFFFFD800  }
0xfa: {  	_ =	sfence.sel $0x180000  }
0xfb: {  	[bflag:$0x0] =	sbarrier.arrive $0xFFFF  }
0xfc: {  	_ =	strace $0x9000004D  }
0xfd: {  	s0 =	stileid.u32;
	[bflag:$0x2] =	sbarrier.arrive $0xFFFF  }
0xfe: {  	p0 =	sne.s32 s0, $0x0;
	s0 =	rddreg [dreg:$0x4]  }
0xff: {  	s0 =	sadd.s32 @!p0 $0x100000, s0  }
0x100: {  	[sflag:s0] =	ssyncadd.tile.s32 @!p0 $0x1;
	_ =	shalt  }
.Lfunc_end2:
_tile_overlayer_lowered:
.L_overlay_start_2:
0x101: {  	(tag) =	ssettag $0x2  }
0x102: {  	s0 =	rddreg [dreg:$0x0];
	s2 =	stileid.u32  }
0x103: {  	s1 =	rddreg [dreg:$0x1];
	p0 =	sne.s32 s2, $0x0  }
0x104: {  	s3 =	rddreg [dreg:$0x2];
	[bflag:$0x3] =	sbarrier.arrive $0xFFFF;
	s2 =	simm.s32 @!p0 $0x1C07  }
0x105: {  	[timem:s3], [sflag:s2] =	dma.local @!p0 [hbm:s0], s1  }
0x106: {  	s0 =	simm.s32 @!p0 $0x7  }
0x107: {  	_ =	swait.ge @!p0 [sflag:s0], s1  }
0x108: {  	s1 =	ssub.s32 @!p0 $0x0, s1;
	[sflag:s0] =	ssyncset.done @!p0 $0x0  }
0x109: {  	[sflag:s0] =	ssyncadd.s32 @!p0 s1  }
0x10a: {  	[bflag:$0x3] =	sbarrier.arrive $0xFFFF  }
0x10b: {  	_ =	shalt  }

// kernel: kernel.9.cloned.1.call-start
scs
__scs_entry_jumppad:
0x0: {  	(pc) =	sbr.rel $0x88, $3  }
0x1: {  	(tag) =	ssettag $0x0;
	lr =	simm.s32 $0x1  }
0x2: {  	[smem:$0x3F99] =	sst lr;
	_ =	strace $0xD0000000  }
0x3: {  	_ = 	snop  }
0x4: {  	_ = 	snop  }
0x5: {  	_ = 	snop  }
0x6: {  	_ = 	snop  }
0x7: {  	_ = 	snop  }
__scs_overlays_trampoline_lowered:
0x8: {  	[smem:$0x3FA8] =	sst s0  }
0x9: {  	[smem:$0x3FA9] =	sst s1  }
0xa: {  	[smem:$0x3FAA] =	sst s2  }
0xb: {  	[smem:$0x3FAB] =	sst s3  }
0xc: {  	[smem:$0x3FAC] =	sst s4  }
0xd: {  	[smem:$0x3FAD] =	sst s5  }
0xe: {  	[smem:$0x3FAE] =	sst s6  }
0xf: {  	[smem:$0x3FAF] =	sst s7  }
0x10: {  	[smem:$0x3FB0] =	sst s8  }
0x11: {  	[smem:$0x3FB1] =	sst s9;
	s0 =	simm.s32 @!p0 $0x0  }
0x12: {  	s1 =	sld [smem:$0x3F97];
	s0 =	simm.s32 @p0 $0x1  }
0x13: {  	[smem:$0x3FB2] =	sst s0;
	s0 =	simm.s32 @!p1 $0x0  }
0x14: {  	s2 =	sld [smem:$0x3F96];
	s0 =	simm.s32 @p1 $0x1  }
0x15: {  	[smem:$0x3FB3] =	sst s0;
	s0 =	simm.s32 @!p2 $0x0  }
0x16: {  	s3 =	sld [smem:$0x3FDB];
	s0 =	simm.s32 @p2 $0x1  }
0x17: {  	s4 =	simm.s32 $0x1BF5;
	[smem:$0x3FB5] =	sst s0  }
0x18: {  	s0 =	sld [smem:$0x3F98];
	_ =	swait.ge [sflag:s4], $0x0  }
0x19: {  	s7 =	sld [smem:$0x3F99]  }
0x1a: {  	s8 =	sadd.s32 $0xFFFFE003, lr  }
0x1b: {  	s9 =	sadd.s32 $0xFFFFFEF7, lr;
	s5 =	simm.s32 $0xFFFFFFFF;
	p2 =	slt.u32 s8, $0xFFFFF086  }
0x1c: {  	p1 =	slt.u32 s9, $0xF7A;
	s5 =	simm.s32 @!p2 $0x0  }
0x1d: {  	s5 =	simm.s32 @p1 $0x1;
	p0 =	seq.s32 s7, s2  }
0x1e: {  	s7 =	smul.u32 @!p0 $0xF7A, s2;
	p2 =	seq.s32 @!p0 s5, $0x0  }
0x1f: {  	s9 =	smul.u32 $0xF7A, s1;
	s8 =	simm.s32 @!p0 $0x1BF5;
	p2 =	por !p2, p0  }
0x20: {  	[sflag:s8] =	ssyncset.s32 @!p0 $0xFFFFF086;
	s6 =	sadd.s32 @!p0 s3, s7;
	s7 =	simm.s32 @!p0 $0x108  }
0x21: {  	s3 =	sadd.s32 s3, s9;
	s6 =	sadd.s32 @!p0 $0x88, s6;
	s7 =	simm.s32 @p2 $0x1082  }
0x22: {  	[simem:s7], [sflag:s8] =	dma.local @!p0 [hbm:s6], $0xF7A  }
0x23: {  	s9 =	sor.u32 $0xD0000000, s2;
	s6 =	simm.s32 $0x108;
	_ =	swait.ge @!p0 [sflag:s8], $0x0  }
0x24: {  	s3 =	sadd.s32 $0x88, s3;
	s6 =	simm.s32 @!p1 $0x1082;
	[sflag:s4] =	ssyncset.s32 $0xFFFFF086  }
0x25: {  	[simem:s6], [sflag:s4] =	dma.local [hbm:s3], $0xF7A  }
0x26: {  	[smem:$0x3F99] =	sst s1;
	(tag) =	ssettag s2;
	_ =	strace s9  }
0x27: {  	s1 =	sld [smem:$0x3FA9]  }
0x28: {  	s2 =	sld [smem:$0x3FAA]  }
0x29: {  	s4 =	sld [smem:$0x3FAC]  }
0x2a: {  	p0 =	seq.s32 s5, $0x0;
	s5 =	sld [smem:$0x3FAD]  }
0x2b: {  	s6 =	sld [smem:$0x3FAE]  }
0x2c: {  	s7 =	sld [smem:$0x3FAF]  }
0x2d: {  	s3 =	simm.s32 $0x108;
	s8 =	sld [smem:$0x3FB0]  }
0x2e: {  	s3 =	simm.s32 @!p0 $0x1082;
	s9 =	sld [smem:$0x3FB1]  }
0x2f: {  	lr =	sadd.s32 s0, s3;
	s0 =	sld [smem:$0x3FA8]  }
0x30: {  	s3 =	sld [smem:$0x3FAB]  }
0x31: {  	[smem:$0x3FB4] =	sst s10  }
0x32: {  	s10 =	sld [smem:$0x3FB2];
	_ =	sdelay $0x3  }
0x33: {  	p0 =	seq.s32 s10, $0x1;
	s10 =	sld [smem:$0x3FB4];
	_ =	sdelay $0x3  }
0x34: {  	[smem:$0x3FB4] =	sst s10  }
0x35: {  	s10 =	sld [smem:$0x3FB3];
	_ =	sdelay $0x3  }
0x36: {  	p1 =	seq.s32 s10, $0x1;
	s10 =	sld [smem:$0x3FB4];
	_ =	sdelay $0x3  }
0x37: {  	[smem:$0x3FB4] =	sst s10  }
0x38: {  	s10 =	sld [smem:$0x3FB5]  }
0x39: {  	_ = 	snop;
	(pc) =	sbr.ind lr, $3  }
0x3a: {  	_ = 	snop  }
0x3b: {  	_ = 	snop  }
0x3c: {  	p2 =	seq.s32 s10, $0x1;
	s10 =	sld [smem:$0x3FB4]  }
0x3d: {  	_ =	shalt  }
0x3e: {  	_ =	shalt  }
0x3f: {  	_ =	shalt  }
0x40: {  	_ =	shalt  }
0x41: {  	_ =	shalt  }
0x42: {  	_ =	shalt  }
0x43: {  	_ =	shalt  }
0x44: {  	_ =	shalt  }
0x45: {  	_ =	shalt  }
0x46: {  	_ =	shalt  }
0x47: {  	_ =	shalt  }
0x48: {  	_ =	shalt  }
0x49: {  	_ =	shalt  }
0x4a: {  	_ =	shalt  }
0x4b: {  	_ =	shalt  }
0x4c: {  	_ =	shalt  }
0x4d: {  	_ =	shalt  }
0x4e: {  	_ =	shalt  }
0x4f: {  	_ =	shalt  }
0x50: {  	_ =	shalt  }
0x51: {  	_ =	shalt  }
0x52: {  	_ =	shalt  }
0x53: {  	_ =	shalt  }
0x54: {  	_ =	shalt  }
0x55: {  	_ =	shalt  }
0x56: {  	_ =	shalt  }
0x57: {  	_ =	shalt  }
0x58: {  	_ =	shalt  }
0x59: {  	_ =	shalt  }
0x5a: {  	_ =	shalt  }
0x5b: {  	_ =	shalt  }
0x5c: {  	_ =	shalt  }
0x5d: {  	_ =	shalt  }
0x5e: {  	_ =	shalt  }
0x5f: {  	_ =	shalt  }
0x60: {  	_ =	shalt  }
0x61: {  	_ =	shalt  }
0x62: {  	_ =	shalt  }
0x63: {  	_ =	shalt  }
0x64: {  	_ =	shalt  }
0x65: {  	_ =	shalt  }
0x66: {  	_ =	shalt  }
0x67: {  	_ =	shalt  }
0x68: {  	_ =	shalt  }
0x69: {  	_ =	shalt  }
0x6a: {  	_ =	shalt  }
0x6b: {  	_ =	shalt  }
0x6c: {  	_ =	shalt  }
0x6d: {  	_ =	shalt  }
0x6e: {  	_ =	shalt  }
0x6f: {  	_ =	shalt  }
0x70: {  	_ =	shalt  }
0x71: {  	_ =	shalt  }
0x72: {  	_ =	shalt  }
0x73: {  	_ =	shalt  }
0x74: {  	_ =	shalt  }
0x75: {  	_ =	shalt  }
0x76: {  	_ =	shalt  }
0x77: {  	_ =	shalt  }
0x78: {  	_ =	shalt  }
0x79: {  	_ =	shalt  }
0x7a: {  	_ =	shalt  }
0x7b: {  	_ =	shalt  }
0x7c: {  	_ =	shalt  }
0x7d: {  	_ =	shalt  }
0x7e: {  	_ =	shalt  }
0x7f: {  	_ =	shalt  }
0x80: {  	_ =	shalt  }
0x81: {  	_ =	shalt  }
0x82: {  	_ =	shalt  }
0x83: {  	_ =	shalt  }
0x84: {  	_ =	shalt  }
0x85: {  	_ =	shalt  }
0x86: {  	_ =	shalt  }
0x87: {  	_ =	shalt  }
.Lfunc_end0:
.L_simem_size_0:
called_computation_lowered:
.L_overlay_start_0:
0x88: {  	s2 =	sld [smem:$0x3FD9]  }
0x89: {  	s3 =	sld [smem:$0x3FFE];
	_ =	sdelay $0x1  }
0x8a: {  	s1 =	srdreg.scid  }
0x8b: {  	s0 =	sand.u32 $0x1, s1  }
0x8c: {  	s14 =	sshll.u32 s0, $0xA;
	s2 =	sadd.s32 s3, s2  }
0x8d: {  	s2 =	sadd.s32 s2, s14  }
0x8e: {  	[smem:$0x3FC0] =	sst s2  }
0x8f: {  	_ = 	snop  }
0x90: {  	s2 =	sld [smem:$0x3FD0];
	_ =	sdelay $0x2  }
0x91: {  	s15 =	simm.s32 $0xA;
	s4 =	simm.s32 $0x10  }
0x92: {  	[smem:s4], [sflag:s15] =	dma.local [hbm:s2], $0x1  }
0x93: {  	_ =	swait.eq [sflag:s15], $0x1  }
0x94: {  	[sflag:s15] =	ssyncset.done $0x0  }
0x95: {  	[sflag:s15] =	ssyncadd.s32 $0xFFFFFFFF  }
0x96: {  	s16 =	sld [smem:$0x11];
	(tm) =	ssettm $0x1  }
0x97: {  	s17 =	sld [smem:$0x3FFB];
	_ =	sdelay $0x3  }
0x98: {  	_ =	strace s17  }
0x99: {  	s3 =	sld [smem:$0x3FFC];
	_ =	sdelay $0x3  }
0x9a: {  	_ =	strace s3  }
0x9b: {  	s3 =	sld [smem:$0x3FFD];
	_ =	sdelay $0x3  }
0x9c: {  	_ =	strace s3  }
0x9d: {  	_ =	strace $0x8FFFFFFF  }
0x9e: {  	s18 =	sld [smem:$0x3FDB];
	_ =	sdelay $0x1  }
0x9f: {  	s19 =	simm.s32 $_scs_section_size  }
0xa0: {  	s5 =	simm.s32 $_size__tile_overlayer_lowered;
	s6 =	simm.s32 $_tile_overlayer_lowered  }
0xa1: {  	s22 =	simm.s32 $0x1BFF;
	s21 =	sshll.u32 s6, $0x1;
	s3 =	sadd.s32 s19, s18  }
0xa2: {  	s7 =	simm.s32 $0x0;
	s20 =	sshll.u32 s5, $0x1;
	s5 =	sadd.s32 s21, s3  }
0xa3: {  	[timem:s7], [sflag:s22] =	dma.local [hbm:s5], s20  }
0xa4: {  	_ =	swait.ge [sflag:s22], s20  }
0xa5: {  	s4 =	ssub.s32 $0x0, s20;
	[sflag:s22] =	ssyncset.done $0x0  }
0xa6: {  	[sflag:s22] =	ssyncadd.s32 s4;
	_ =	sdelay $0x1  }
0xa7: {  	s23 =	simm.s32 $0x1B8B  }
0xa8: {  	_ =	swait.ge [sflag:s23], $0x1  }
0xa9: {  	[sflag:s23] =	ssyncset.done $0x0  }
0xaa: {  	s25 =	simm.s32 $0x1B8E;
	s24 =	sld [smem:$0x3FFE];
	[sflag:s23] =	ssyncadd.s32 $0xFFFFFFFF  }
0xab: {  	s26 =	simm.s32 $execute0_lowered;
	[smem:$0x3FD2] =	sst s25  }
0xac: {  	s5 =	sshll.u32 s26, $0x1;
	_ =	strace $0x80000046;
	[dreg:$0x1] =	wrdreg $0xFFFFFFFF  }
0xad: {  	s28 =	simm.s32 $_size_execute0_lowered;
	s3 =	sadd.s32 s3, s5;
	[dreg:$0x0] =	wrdreg $0x0  }
0xae: {  	s5 =	sshll.u32 s28, $0x1;
	[dreg:$0x2] =	wrdreg s3  }
0xaf: {  	[dreg:$0x3] =	wrdreg s5  }
0xb0: {  	[dreg:$0x4] =	wrdreg $0xC0  }
0xb1: {  	_ =	task [dreg:s7], $0x5FFFF  }
0xb2: {  	[dreg:$0x1] =	wrdreg $0xFFFFFFFF  }
0xb3: {  	[dreg:$0x0] =	wrdreg $0x60  }
0xb4: {  	[dreg:$0x2] =	wrdreg s16  }
0xb5: {  	[dreg:$0x3] =	wrdreg s24  }
0xb6: {  	[dreg:$0x4] =	wrdreg $0xA8000  }
0xb7: {  	[dreg:$0x5] =	wrdreg $0x9  }
0xb8: {  	_ =	task.clear_ibuf [dreg:s7], $0x6FFFF;
	_ =	strace $0x90000046  }
0xb9: {  	s29 =	simm.s32 $0x9;
	_ =	strace $0x80000048  }
0xba: {  	_ =	swait.ge [sflag:s29], $0x1  }
0xbb: {  	[sflag:s29] =	ssyncadd.s32 $0xFFFFFFFF  }
0xbc: {  	_ =	strace $0x90000048  }
0xbd: {  	_ =	sfence  }
0xbe: {  	s30 =	sld [smem:$0x0];
	_ =	sdelay $0x2  }
0xbf: {  	s31 =	sshll.u32 s1, $0xD;
	s1 =	sshrl.u32 s1, $0x2  }
0xc0: {  	s3 =	sand.u32 $0x4000, s31;
	s1 =	sadd.s32 s1, s30  }
0xc1: {  	s0 =	sor.u32 s3, s0;
	s1 =	sshll.u32 s1, $0x11  }
0xc2: {  	s0 =	sor.u32 s1, s0  }
0xc3: {  	s0 =	sadd.s32 $0x8F2B, s0  }
0xc4: {  	[sflag:s0] =	ssyncadd.remote.s32 $0x1  }
0xc5: {  	_ =	sfence.sel $0xFFFF  }
0xc6: {  	[dreg:$0x0] =	wrdreg $0xFFFFFFFF;
	(pc) =	sbr.abs _section_cstart, $3  }
0xc7: {  	[dreg:$0x1] =	wrdreg $0xFFFFFFFF  }
0xc8: {  	_ =	task.clear_ibuf [dreg:s7], $0x2FFFF;
	_ =	strace $0x9FFFFFFF  }
0xc9: {  	(tm) =	ssettm $0x7FFFFFFF  }
tec
execute0_lowered:
.L_overlay_start_1:
0x0: {  	(tag) =	ssettag $0x1  }
0x1: {  	s5 =	rddreg [dreg:$0x0]  }
0x2: {  	s4 =	rddreg [dreg:$0x1];
	s0 =	srdreg.scid  }
0x3: {  	s2 =	rddreg [dreg:$0x2];
	s1 =	stileid.u32  }
0x4: {  	s3 =	simm.s32 $0x0;
	s12 =	simm.s32 $0x6800;
	s13 =	simm.s32 $0x1  }
0x5: {  	s14 =	simm.s32 $0x80;
	s15 =	simm.s32 $0x2800;
	s8 =	smul.u32 $0x14000, s1  }
0x6: {  	s6 =	sand.u32 $0x1, s0;
	s0 =	rddreg [dreg:$0x3];
	s9 =	smul.u32 $0x50000, s1  }
0x7: {  	[smem:$0x7FF] =	sst s3;
	s16 =	sshll.u32 s1, $0x6;
	s7 =	smul.u32 $0x140000, s6  }
0x8: {  	_ =	strace $0x80000047;
	s30 =	sshll.u32 s6, $0x4;
	s6 =	ssub.s32 $0x2, s6  }
0x9: {  	s16 =	sor.u32 $0x1C01, s16;
	s7 =	sadd.s32 s8, s7;
	s8 =	sor.u32 s1, s30  }
0xa: {  	s10 =	sshrl.u32 s6, $0x1;
	s7 =	sshrl.u32 s7, $0x3;
	s8 =	smul.u32 $0x500, s8  }
0xb: {  	s31 =	sshrl.u32 s9, $0x2;
	s10 =	ssub.s32 s6, s10;
	s7 =	sadd.s32 s7, s4  }
0xc: {  	s4 =	sadd.s32 s31, s2;
	s5 =	sadd.s32 s5, s8;
	s6 =	sadd.s32 $0x2E00, s7  }
0xd: {  	s7 =	smax.u32 s10, $0x1;
	s8 =	sadd.s32 $0x4000, s4;
	s9 =	sadd.s32 $0x8000, s4  }
0xe: {  	v0 =	vimm.f32 $1.000000000e+00;
	v1 =	vimm.f32 $0.0e+00;
	s10 =	sadd.s32 $0xC000, s4;
	s11 =	sadd.s32 $0x10000, s4;
	s17 =	sshrl.u32 s4, $0x3  }
.LBB2_1:
0xf: {  	s18 =	simm.s32 $0x200;
	s19 =	simm.s32 $0x0  }
.LBB2_2:
0x10: {  	p0 =	sne.s32 s18, $0xFE00;
	[tilespmem:s19+$0x2800] =	vst v0;
	s20 =	smov.u32 s18;
	s18 =	sadd.s32 $0x200, s18  }
.Ltmp0:
0x11: {  	[tilespmem:s19+$0x6800] =	vst v1;
	(pc) =	sbr.rel @p0 .LBB2_2-.Ltmp0, $2  }
0x12: {  	_ =	sdelay $0x2  }
0x13: {  	s19 =	sshra.s32 s20, $0x2  }
0x14: {  	[tilespmem:s19+$0x2800] =	vst v0  }
0x15: {  	[tilespmem:s19+$0x6800] =	vst v1  }
0x16: {  	[spmem:s4] =	stream.linear.scatter [tilespmem:s12], [sflag:$0x1], $0x4000, $0x38;
	[tilespmem:$0xD000] =	vst v63  }
0x17: {  	_ =	swait.ge [sflag:s13], $0x4000  }
0x18: {  	[sflag:s13] =	ssyncset.done $0x0  }
0x19: {  	[sflag:s13] =	ssyncadd.s32 $0xFFFFC000  }
0x1a: {  	[spmem:s8] =	stream.linear.scatter [tilespmem:s12], [sflag:$0x1], $0x4000, $0x38;
	[tilespmem:$0xD000] =	vst v63  }
0x1b: {  	_ =	swait.ge [sflag:s13], $0x4000  }
0x1c: {  	[sflag:s13] =	ssyncset.done $0x0  }
0x1d: {  	[sflag:s13] =	ssyncadd.s32 $0xFFFFC000  }
0x1e: {  	[spmem:s9] =	stream.linear.scatter [tilespmem:s12], [sflag:$0x1], $0x4000, $0x38;
	[tilespmem:$0xD000] =	vst v63  }
0x1f: {  	_ =	swait.ge [sflag:s13], $0x4000  }
0x20: {  	[sflag:s13] =	ssyncset.done $0x0  }
0x21: {  	[sflag:s13] =	ssyncadd.s32 $0xFFFFC000  }
0x22: {  	[spmem:s10] =	stream.linear.scatter [tilespmem:s12], [sflag:$0x1], $0x4000, $0x38;
	[tilespmem:$0xD000] =	vst v63  }
0x23: {  	_ =	swait.ge [sflag:s13], $0x4000  }
0x24: {  	[sflag:s13] =	ssyncset.done $0x0  }
0x25: {  	[sflag:s13] =	ssyncadd.s32 $0xFFFFC000  }
0x26: {  	[spmem:s11] =	stream.linear.scatter [tilespmem:s12], [sflag:$0x1], $0x4000, $0x38;
	[tilespmem:$0xD000] =	vst v63  }
0x27: {  	_ =	swait.ge [sflag:s13], $0x4000  }
0x28: {  	[sflag:s13] =	ssyncset.done $0x0  }
0x29: {  	s18 =	simm.s32 $0x0;
	[sflag:s13] =	ssyncadd.s32 $0xFFFFC000  }
0x2a: {  	[tilespmem:s18], [sflag:$0x1] =	stream.linear.gather [hbm4b:s5+s18], $0x2800, $0x38;
	[tilespmem:$0xD000] =	vst v63  }
0x2b: {  	_ =	swait.ge [sflag:s13], $0x2800  }
0x2c: {  	[sflag:s13] =	ssyncset.done $0x0  }
0x2d: {  	[sflag:s13] =	ssyncadd.s32 $0xFFFFD800  }
0x2e: {  	s31 =	simm.s32 $0x0;
	[bflag:$0x0] =	sbarrier.arrive $0xFFFF  }
0x2f: {  	[spmem:s2] =	stream.indirect.scatter.add.f32 [tilespmem:s15], [sflag:$0x1], $0x10, s31, s14, $0xb8;
	[tilespmem:$0xD000] =	vst v63  }
0x30: {  	_ =	swait.ge [sflag:s13], $0x800  }
0x31: {  	s18 =	simm.s32 $0x200;
	[sflag:s13] =	ssyncset.done $0x0  }
.LBB2_4:
0x32: {  	s19 =	sshra.s32 s18, $0x2;
	[sflag:s13] =	ssyncadd.s32 $0xFFFFF800;
	p0 =	sne.s32 s18, $0x9E00  }
0x33: {  	[spmem:s2] =	stream.indirect.scatter.add.f32 [tilespmem:s15], [sflag:$0x1], $0x10, s19, s14, $0xb8;
	[tilespmem:$0xD000] =	vst v63  }
.Ltmp1:
0x34: {  	_ = 	snop;
	(pc) =	sbr.rel @p0 .LBB2_4-.Ltmp1, $4  }
0x35: {  	_ = 	snop  }
0x36: {  	s18 =	sadd.s32 $0x200, s18  }
0x37: {  	_ =	swait.ge [sflag:s13], $0x800  }
0x38: {  	[sflag:s13] =	ssyncset.done $0x0  }
0x39: {  	s3 =	sadd.s32 $0x1, s3  }
0x3a: {  	[sflag:s13] =	ssyncadd.s32 $0xFFFFF800;
	p0 =	sne.s32 s3, s7  }
.Ltmp2:
0x3b: {  	[bflag:$0x0] =	sbarrier.arrive $0xFFFF;
	(pc) =	sbr.rel @p0 .LBB2_1-.Ltmp2, $4  }
0x3c: {  	[hbm:s6], [sflag:s16] =	dma.local [spmem:s17], $0x2800  }
0x3d: {  	_ =	swait.ge [sflag:s13], $0x2800  }
0x3e: {  	[sflag:s13] =	ssyncset.done $0x0  }
0x3f: {  	[sflag:s13] =	ssyncadd.s32 $0xFFFFD800  }
0x40: {  	_ =	sfence.sel $0x180000  }
0x41: {  	[bflag:$0x0] =	sbarrier.arrive $0xFFFF  }
0x42: {  	p0 =	sne.s32 s1, $0x0;
	_ =	strace $0x90000047  }
0x43: {  	s0 =	sadd.s32 @!p0 $0x100000, s0;
	[bflag:$0x2] =	sbarrier.arrive $0xFFFF  }
0x44: {  	[sflag:s0] =	ssyncadd.tile.s32 @!p0 $0x1;
	_ =	shalt  }
.Lfunc_end2:
_tile_overlayer_lowered:
.L_overlay_start_2:
0x45: {  	(tag) =	ssettag $0x2  }
0x46: {  	s0 =	rddreg [dreg:$0x0];
	s2 =	stileid.u32  }
0x47: {  	s1 =	rddreg [dreg:$0x1];
	p0 =	sne.s32 s2, $0x0  }
0x48: {  	s3 =	rddreg [dreg:$0x2];
	[bflag:$0x3] =	sbarrier.arrive $0xFFFF;
	s2 =	simm.s32 @!p0 $0x1C01  }
0x49: {  	[timem:s3], [sflag:s2] =	dma.local @!p0 [hbm:s0], s1  }
0x4a: {  	s0 =	simm.s32 @!p0 $0x1  }
0x4b: {  	_ =	swait.ge @!p0 [sflag:s0], s1  }
0x4c: {  	s1 =	ssub.s32 @!p0 $0x0, s1;
	[sflag:s0] =	ssyncset.done @!p0 $0x0  }
0x4d: {  	[sflag:s0] =	ssyncadd.s32 @!p0 s1  }
0x4e: {  	[bflag:$0x3] =	sbarrier.arrive $0xFFFF  }
0x4f: {  	_ =	shalt  }

</sc_bundles>
